<compile_context>
chip_gen: v7x
topology: tpu7x:2x2x1
jax: 0.10.2.dev20260603
libtpu: 0.0.44.dev20260713+nightly
codegen_flags: <defaults>
</compile_context>

<pallas_src>
import functools

import jax
import jax.numpy as jnp
from jax import lax
from jax.experimental import pallas as pl
from jax.experimental.pallas import tpu as pltpu
from jax.experimental.pallas import tpu_sc as plsc

_B, _T = 4096, 200
_D = 64
_NC = 2
_NS = 16
_NW = _NC * _NS
_SPW = _B // _NW
_R = 8
_H = _R // 2


def _body(words_hbm, emits_hbm, out_hbm, idx_v, rows_v, gsem, ssem):
    wid = lax.axis_index("s") * _NC + lax.axis_index("c")
    sent0 = wid * _SPW

    pltpu.sync_copy(words_hbm.at[pl.ds(sent0, _SPW)], idx_v)

    def gather(j, b):
        pltpu.async_copy(emits_hbm.at[idx_v.at[j]], rows_v.at[b],
                         gsem.at[b])

    def gather_wait(b):
        pltpu.make_async_copy(emits_hbm.at[idx_v.at[0]], rows_v.at[b],
                              gsem.at[b]).wait()

    def store(j, b):
        pltpu.async_copy(rows_v.at[b],
                         out_hbm.at[pl.ds((sent0 + j) * _T, _T)],
                         ssem.at[b])

    def store_wait(b):
        pltpu.make_async_copy(rows_v.at[b], out_hbm.at[pl.ds(0, _T)],
                              ssem.at[b]).wait()

    for b in range(_H):
        gather(b, b)

    def visit(j, b, first, last):
        gather_wait(b)
        store(j, b)
        bn = (b + _H) % _R
        if not last:
            if not first:
                store_wait(bn)
            gather(j + _H, bn)

    for b in range(_R):
        visit(b, b, first=(b < _H), last=False)

    def steady(o, carry):
        for b in range(_R):
            visit(o * _R + b, b, first=False, last=False)
        return carry

    lax.fori_loop(1, _SPW // _R - 1, steady, 0)

    for b in range(_R):
        j = (_SPW // _R - 1) * _R + b
        visit(j, b, first=False, last=(j + _H >= _SPW))

    for b in range(_R):
        store_wait(b)


def kernel(words, emits):
    mesh = plsc.VectorSubcoreMesh(core_axis_name="c", subcore_axis_name="s")
    f = pl.kernel(
        _body,
        out_type=jax.ShapeDtypeStruct((_B * _T, _D), jnp.float32),
        mesh=mesh,
        scratch_types=[
            pltpu.VMEM((_SPW, _T), jnp.int32),
            pltpu.VMEM((_R, _T, _D), jnp.float32),
            pltpu.SemaphoreType.DMA((_R,)),
            pltpu.SemaphoreType.DMA((_R,)),
        ],
        compiler_params=pltpu.CompilerParams(use_tc_tiling_on_sc=False),
    )
    return f(words, emits).reshape(_B, _T, _D)

# --- scband reference (transcript-rebuilt; emitter-appended) ---
"""Pipeline reference for scband-tagger-65489661329564 (READ-ONLY COPY).

The authoritative reference and input builder live on the scoring server;
editing this copy changes nothing except your own understanding.
"""

import jax, jax.numpy as jnp
import numpy as np


def setup_inputs(seed: int = 0) -> dict:
    key = jax.random.key(seed)
    k1, k2 = jax.random.split(key)
    words = jax.random.randint(k1, (4096, 200), 0, 1000000, dtype=jnp.int64) if jax.config.jax_enable_x64 else jax.random.randint(k1, (4096, 200), 0, 1000000, dtype=jnp.int32)
    emits = jax.random.normal(k2, (1000000, 64), dtype=jnp.float32)
    return {"words": words, "emits": emits}


def reference(words, emits):
    # Tagger.forward: return emits[words]
    # gather rows of the emission table by word indices
    return jnp.take(emits, words, axis=0)

if __name__ == "__main__":
    import jax
    _d = setup_inputs()
    print(jax.jit(kernel)(*tuple(_d.values())))

</pallas_src>

<mosaic_0001>
#map = affine_map<(d0, d1) -> (0, 0)>
module attributes {stable_mosaic.version = 14 : i64} {
  func.func @_body(%arg0: i32, %arg1: i32, %arg2: memref<4096x200xi32, #tpu.memory_space<hbm>>, %arg3: memref<1000000x64xf32, #tpu.memory_space<hbm>>, %arg4: memref<819200x64xf32, #tpu.memory_space<hbm>>, %arg5: memref<128x200xi32, #tpu.memory_space<vmem>>, %arg6: memref<8x200x64xf32, #tpu.memory_space<vmem>>, %arg7: memref<8x!tpu.dma_semaphore, #tpu.memory_space<semaphore_mem>>, %arg8: memref<8x!tpu.dma_semaphore, #tpu.memory_space<semaphore_mem>>) attributes {dimension_semantics = [#tpu.dimension_semantics<core_parallel>, #tpu.dimension_semantics<subcore_parallel>], iteration_bounds = array<i64: 2, 16>, scalar_prefetch = 0 : i64, scratch_operands = 4 : i64, tpu.core_type = #tpu.core_type<sc_vector_subcore>, window_params = [{transform_indices = #map}, {transform_indices = #map}, {transform_indices = #map}]} {
    %mul3A = arith.constant 2 : i32
    %mul3A_0 = arith.muli %arg1, %mul3A : i32
    %add3A = arith.addi %mul3A_0, %arg0 : i32
    %mul3A_1 = arith.constant 128 : i32
    %mul3A_2 = arith.muli %add3A, %mul3A_1 : i32
    "tpu.region"() ({
      %run_scoped3A = tpu.sem_alloc : memref<!tpu.dma_semaphore, #tpu.memory_space<semaphore_mem>>
      %dma_start3A_1094 = arith.constant 0 : i32
      %dma_start3A_1095 = tpu.memref_slice %arg2[%mul3A_2, %dma_start3A_1094] : memref<4096x200xi32, #tpu.memory_space<hbm>> -> memref<128x200xi32, #tpu.memory_space<hbm>>
      %dma_start3A_1096 = arith.constant 0 : i32
      %dma_start3A_1097 = tpu.memref_slice %arg2[%mul3A_2, %dma_start3A_1096] : memref<4096x200xi32, #tpu.memory_space<hbm>> -> memref<128x200xi32, #tpu.memory_space<hbm>>
      tpu.enqueue_dma source(%dma_start3A_1097 : memref<128x200xi32, #tpu.memory_space<hbm>>) target(%arg5 : memref<128x200xi32, #tpu.memory_space<vmem>>) target_semaphore(%run_scoped3A : memref<!tpu.dma_semaphore, #tpu.memory_space<semaphore_mem>>)
      %dma_wait3A_1098 = arith.constant 0 : i32
      %dma_wait3A_1099 = tpu.memref_slice %arg2[%mul3A_2, %dma_wait3A_1098] : memref<4096x200xi32, #tpu.memory_space<hbm>> -> memref<128x200xi32, #tpu.memory_space<hbm>>
      %dma_wait3A_1100 = arith.constant 0 : i32
      %dma_wait3A_1101 = tpu.memref_slice %arg2[%mul3A_2, %dma_wait3A_1100] : memref<4096x200xi32, #tpu.memory_space<hbm>> -> memref<128x200xi32, #tpu.memory_space<hbm>>
      tpu.wait_dma2 semaphore(%run_scoped3A : memref<!tpu.dma_semaphore, #tpu.memory_space<semaphore_mem>>) src(%dma_wait3A_1101 : memref<128x200xi32, #tpu.memory_space<hbm>>) dst(%arg5 : memref<128x200xi32, #tpu.memory_space<vmem>>)
      tpu.yield
    }) : () -> ()
    %dma_start3A = arith.constant 0 : i32
    %dma_start3A_3 = arith.constant 0 : i32
    %dma_start3A_4 = arith.constant 0 : i32
    %dma_start3A_5 = arith.constant 0 : i32
    %dma_start3A_6 = arith.constant 0 : i32
    %dma_start3A_7 = tpu.memref_slice %arg6[%dma_start3A_3, %dma_start3A_5, %dma_start3A_6] : memref<8x200x64xf32, #tpu.memory_space<vmem>> -> memref<1x200x64xf32, #tpu.memory_space<vmem>>
    %dma_start3A_8 = tpu.memref_squeeze %dma_start3A_7 : memref<1x200x64xf32, #tpu.memory_space<vmem>> -> memref<200x64xf32, #tpu.memory_space<vmem>>
    %dma_start3A_9 = arith.constant 0 : i32
    %dma_start3A_10 = tpu.memref_slice %arg5[%dma_start3A, %dma_start3A_9] : memref<128x200xi32, #tpu.memory_space<vmem>> -> memref<1x200xi32, #tpu.memory_space<vmem>>
    %dma_start3A_11 = tpu.memref_squeeze %dma_start3A_10 : memref<1x200xi32, #tpu.memory_space<vmem>> -> memref<200xi32, #tpu.memory_space<vmem>>
    %dma_start3A_12 = arith.constant 0 : i32
    %dma_start3A_13 = arith.constant 0 : i32
    %dma_start3A_14 = tpu.memref_slice %arg3[%dma_start3A_12, %dma_start3A_13] : memref<1000000x64xf32, #tpu.memory_space<hbm>> -> memref<1000000x64xf32, #tpu.memory_space<hbm>>
    %dma_start3A_15 = tpu.memref_slice %arg7[%dma_start3A_4] : memref<8x!tpu.dma_semaphore, #tpu.memory_space<semaphore_mem>> -> memref<1x!tpu.dma_semaphore, #tpu.memory_space<semaphore_mem>>
    %dma_start3A_16 = tpu.memref_squeeze %dma_start3A_15 : memref<1x!tpu.dma_semaphore, #tpu.memory_space<semaphore_mem>> -> memref<!tpu.dma_semaphore, #tpu.memory_space<semaphore_mem>>
    tpu.enqueue_indirect_dma source(%dma_start3A_14 : memref<1000000x64xf32, #tpu.memory_space<hbm>>) target(%dma_start3A_8 : memref<200x64xf32, #tpu.memory_space<vmem>>) offsets(%dma_start3A_11 : memref<200xi32, #tpu.memory_space<vmem>>) semaphore(%dma_start3A_16 : memref<!tpu.dma_semaphore, #tpu.memory_space<semaphore_mem>>)
    %dma_start3A_17 = arith.constant 1 : i32
    %dma_start3A_18 = arith.constant 1 : i32
    %dma_start3A_19 = arith.constant 1 : i32
    %dma_start3A_20 = arith.constant 0 : i32
    %dma_start3A_21 = arith.constant 0 : i32
    %dma_start3A_22 = tpu.memref_slice %arg6[%dma_start3A_18, %dma_start3A_20, %dma_start3A_21] : memref<8x200x64xf32, #tpu.memory_space<vmem>> -> memref<1x200x64xf32, #tpu.memory_space<vmem>>
    %dma_start3A_23 = tpu.memref_squeeze %dma_start3A_22 : memref<1x200x64xf32, #tpu.memory_space<vmem>> -> memref<200x64xf32, #tpu.memory_space<vmem>>
    %dma_start3A_24 = arith.constant 0 : i32
    %dma_start3A_25 = tpu.memref_slice %arg5[%dma_start3A_17, %dma_start3A_24] : memref<128x200xi32, #tpu.memory_space<vmem>> -> memref<1x200xi32, #tpu.memory_space<vmem>>
    %dma_start3A_26 = tpu.memref_squeeze %dma_start3A_25 : memref<1x200xi32, #tpu.memory_space<vmem>> -> memref<200xi32, #tpu.memory_space<vmem>>
    %dma_start3A_27 = arith.constant 0 : i32
    %dma_start3A_28 = arith.constant 0 : i32
    %dma_start3A_29 = tpu.memref_slice %arg3[%dma_start3A_27, %dma_start3A_28] : memref<1000000x64xf32, #tpu.memory_space<hbm>> -> memref<1000000x64xf32, #tpu.memory_space<hbm>>
    %dma_start3A_30 = tpu.memref_slice %arg7[%dma_start3A_19] : memref<8x!tpu.dma_semaphore, #tpu.memory_space<semaphore_mem>> -> memref<1x!tpu.dma_semaphore, #tpu.memory_space<semaphore_mem>>
    %dma_start3A_31 = tpu.memref_squeeze %dma_start3A_30 : memref<1x!tpu.dma_semaphore, #tpu.memory_space<semaphore_mem>> -> memref<!tpu.dma_semaphore, #tpu.memory_space<semaphore_mem>>
    tpu.enqueue_indirect_dma source(%dma_start3A_29 : memref<1000000x64xf32, #tpu.memory_space<hbm>>) target(%dma_start3A_23 : memref<200x64xf32, #tpu.memory_space<vmem>>) offsets(%dma_start3A_26 : memref<200xi32, #tpu.memory_space<vmem>>) semaphore(%dma_start3A_31 : memref<!tpu.dma_semaphore, #tpu.memory_space<semaphore_mem>>)
    %dma_start3A_32 = arith.constant 2 : i32
    %dma_start3A_33 = arith.constant 2 : i32
    %dma_start3A_34 = arith.constant 2 : i32
    %dma_start3A_35 = arith.constant 0 : i32
    %dma_start3A_36 = arith.constant 0 : i32
    %dma_start3A_37 = tpu.memref_slice %arg6[%dma_start3A_33, %dma_start3A_35, %dma_start3A_36] : memref<8x200x64xf32, #tpu.memory_space<vmem>> -> memref<1x200x64xf32, #tpu.memory_space<vmem>>
    %dma_start3A_38 = tpu.memref_squeeze %dma_start3A_37 : memref<1x200x64xf32, #tpu.memory_space<vmem>> -> memref<200x64xf32, #tpu.memory_space<vmem>>
    %dma_start3A_39 = arith.constant 0 : i32
    %dma_start3A_40 = tpu.memref_slice %arg5[%dma_start3A_32, %dma_start3A_39] : memref<128x200xi32, #tpu.memory_space<vmem>> -> memref<1x200xi32, #tpu.memory_space<vmem>>
    %dma_start3A_41 = tpu.memref_squeeze %dma_start3A_40 : memref<1x200xi32, #tpu.memory_space<vmem>> -> memref<200xi32, #tpu.memory_space<vmem>>
    %dma_start3A_42 = arith.constant 0 : i32
    %dma_start3A_43 = arith.constant 0 : i32
    %dma_start3A_44 = tpu.memref_slice %arg3[%dma_start3A_42, %dma_start3A_43] : memref<1000000x64xf32, #tpu.memory_space<hbm>> -> memref<1000000x64xf32, #tpu.memory_space<hbm>>
    %dma_start3A_45 = tpu.memref_slice %arg7[%dma_start3A_34] : memref<8x!tpu.dma_semaphore, #tpu.memory_space<semaphore_mem>> -> memref<1x!tpu.dma_semaphore, #tpu.memory_space<semaphore_mem>>
    %dma_start3A_46 = tpu.memref_squeeze %dma_start3A_45 : memref<1x!tpu.dma_semaphore, #tpu.memory_space<semaphore_mem>> -> memref<!tpu.dma_semaphore, #tpu.memory_space<semaphore_mem>>
    tpu.enqueue_indirect_dma source(%dma_start3A_44 : memref<1000000x64xf32, #tpu.memory_space<hbm>>) target(%dma_start3A_38 : memref<200x64xf32, #tpu.memory_space<vmem>>) offsets(%dma_start3A_41 : memref<200xi32, #tpu.memory_space<vmem>>) semaphore(%dma_start3A_46 : memref<!tpu.dma_semaphore, #tpu.memory_space<semaphore_mem>>)
    %dma_start3A_47 = arith.constant 3 : i32
    %dma_start3A_48 = arith.constant 3 : i32
    %dma_start3A_49 = arith.constant 3 : i32
    %dma_start3A_50 = arith.constant 0 : i32
    %dma_start3A_51 = arith.constant 0 : i32
    %dma_start3A_52 = tpu.memref_slice %arg6[%dma_start3A_48, %dma_start3A_50, %dma_start3A_51] : memref<8x200x64xf32, #tpu.memory_space<vmem>> -> memref<1x200x64xf32, #tpu.memory_space<vmem>>
    %dma_start3A_53 = tpu.memref_squeeze %dma_start3A_52 : memref<1x200x64xf32, #tpu.memory_space<vmem>> -> memref<200x64xf32, #tpu.memory_space<vmem>>
    %dma_start3A_54 = arith.constant 0 : i32
    %dma_start3A_55 = tpu.memref_slice %arg5[%dma_start3A_47, %dma_start3A_54] : memref<128x200xi32, #tpu.memory_space<vmem>> -> memref<1x200xi32, #tpu.memory_space<vmem>>
    %dma_start3A_56 = tpu.memref_squeeze %dma_start3A_55 : memref<1x200xi32, #tpu.memory_space<vmem>> -> memref<200xi32, #tpu.memory_space<vmem>>
    %dma_start3A_57 = arith.constant 0 : i32
    %dma_start3A_58 = arith.constant 0 : i32
    %dma_start3A_59 = tpu.memref_slice %arg3[%dma_start3A_57, %dma_start3A_58] : memref<1000000x64xf32, #tpu.memory_space<hbm>> -> memref<1000000x64xf32, #tpu.memory_space<hbm>>
    %dma_start3A_60 = tpu.memref_slice %arg7[%dma_start3A_49] : memref<8x!tpu.dma_semaphore, #tpu.memory_space<semaphore_mem>> -> memref<1x!tpu.dma_semaphore, #tpu.memory_space<semaphore_mem>>
    %dma_start3A_61 = tpu.memref_squeeze %dma_start3A_60 : memref<1x!tpu.dma_semaphore, #tpu.memory_space<semaphore_mem>> -> memref<!tpu.dma_semaphore, #tpu.memory_space<semaphore_mem>>
    tpu.enqueue_indirect_dma source(%dma_start3A_59 : memref<1000000x64xf32, #tpu.memory_space<hbm>>) target(%dma_start3A_53 : memref<200x64xf32, #tpu.memory_space<vmem>>) offsets(%dma_start3A_56 : memref<200xi32, #tpu.memory_space<vmem>>) semaphore(%dma_start3A_61 : memref<!tpu.dma_semaphore, #tpu.memory_space<semaphore_mem>>)
    %dma_wait3A = arith.constant 0 : i32
    %dma_wait3A_62 = arith.constant 0 : i32
    %dma_wait3A_63 = arith.constant 0 : i32
    %dma_wait3A_64 = arith.constant 0 : i32
    %dma_wait3A_65 = arith.constant 0 : i32
    %dma_wait3A_66 = tpu.memref_slice %arg6[%dma_wait3A_62, %dma_wait3A_64, %dma_wait3A_65] : memref<8x200x64xf32, #tpu.memory_space<vmem>> -> memref<1x200x64xf32, #tpu.memory_space<vmem>>
    %dma_wait3A_67 = tpu.memref_squeeze %dma_wait3A_66 : memref<1x200x64xf32, #tpu.memory_space<vmem>> -> memref<200x64xf32, #tpu.memory_space<vmem>>
    %dma_wait3A_68 = arith.constant 0 : i32
    %dma_wait3A_69 = tpu.memref_slice %arg5[%dma_wait3A, %dma_wait3A_68] : memref<128x200xi32, #tpu.memory_space<vmem>> -> memref<1x200xi32, #tpu.memory_space<vmem>>
    %dma_wait3A_70 = tpu.memref_squeeze %dma_wait3A_69 : memref<1x200xi32, #tpu.memory_space<vmem>> -> memref<200xi32, #tpu.memory_space<vmem>>
    %dma_wait3A_71 = arith.constant 0 : i32
    %dma_wait3A_72 = arith.constant 0 : i32
    %dma_wait3A_73 = tpu.memref_slice %arg3[%dma_wait3A_71, %dma_wait3A_72] : memref<1000000x64xf32, #tpu.memory_space<hbm>> -> memref<1000000x64xf32, #tpu.memory_space<hbm>>
    %dma_wait3A_74 = tpu.memref_slice %arg7[%dma_wait3A_63] : memref<8x!tpu.dma_semaphore, #tpu.memory_space<semaphore_mem>> -> memref<1x!tpu.dma_semaphore, #tpu.memory_space<semaphore_mem>>
    %dma_wait3A_75 = tpu.memref_squeeze %dma_wait3A_74 : memref<1x!tpu.dma_semaphore, #tpu.memory_space<semaphore_mem>> -> memref<!tpu.dma_semaphore, #tpu.memory_space<semaphore_mem>>
    tpu.wait_indirect_dma semaphore(%dma_wait3A_75 : memref<!tpu.dma_semaphore, #tpu.memory_space<semaphore_mem>>) src(%dma_wait3A_73 : memref<1000000x64xf32, #tpu.memory_space<hbm>>) dst(%dma_wait3A_67 : memref<200x64xf32, #tpu.memory_space<vmem>>)
    %add3A_76 = arith.constant 0 : i32
    %add3A_77 = arith.addi %mul3A_2, %add3A_76 : i32
    %mul3A_78 = arith.constant 200 : i32
    %mul3A_79 = arith.muli %add3A_77, %mul3A_78 : i32
    %dma_start3A_80 = arith.constant 0 : i32
    %dma_start3A_81 = arith.constant 0 : i32
    %dma_start3A_82 = arith.constant 0 : i32
    %dma_start3A_83 = arith.constant 0 : i32
    %dma_start3A_84 = tpu.memref_slice %arg6[%dma_start3A_80, %dma_start3A_82, %dma_start3A_83] : memref<8x200x64xf32, #tpu.memory_space<vmem>> -> memref<1x200x64xf32, #tpu.memory_space<vmem>>
    %dma_start3A_85 = tpu.memref_squeeze %dma_start3A_84 : memref<1x200x64xf32, #tpu.memory_space<vmem>> -> memref<200x64xf32, #tpu.memory_space<vmem>>
    %dma_start3A_86 = arith.constant 0 : i32
    %dma_start3A_87 = tpu.memref_slice %arg4[%mul3A_79, %dma_start3A_86] : memref<819200x64xf32, #tpu.memory_space<hbm>> -> memref<200x64xf32, #tpu.memory_space<hbm>>
    %dma_start3A_88 = tpu.memref_slice %arg8[%dma_start3A_81] : memref<8x!tpu.dma_semaphore, #tpu.memory_space<semaphore_mem>> -> memref<1x!tpu.dma_semaphore, #tpu.memory_space<semaphore_mem>>
    %dma_start3A_89 = tpu.memref_squeeze %dma_start3A_88 : memref<1x!tpu.dma_semaphore, #tpu.memory_space<semaphore_mem>> -> memref<!tpu.dma_semaphore, #tpu.memory_space<semaphore_mem>>
    %dma_start3A_90 = arith.constant 0 : i32
    %dma_start3A_91 = tpu.memref_slice %arg4[%mul3A_79, %dma_start3A_90] : memref<819200x64xf32, #tpu.memory_space<hbm>> -> memref<200x64xf32, #tpu.memory_space<hbm>>
    %dma_start3A_92 = arith.constant 0 : i32
    %dma_start3A_93 = arith.constant 0 : i32
    %dma_start3A_94 = tpu.memref_slice %arg6[%dma_start3A_80, %dma_start3A_92, %dma_start3A_93] : memref<8x200x64xf32, #tpu.memory_space<vmem>> -> memref<1x200x64xf32, #tpu.memory_space<vmem>>
    %dma_start3A_95 = tpu.memref_squeeze %dma_start3A_94 : memref<1x200x64xf32, #tpu.memory_space<vmem>> -> memref<200x64xf32, #tpu.memory_space<vmem>>
    tpu.enqueue_dma source(%dma_start3A_95 : memref<200x64xf32, #tpu.memory_space<vmem>>) target(%dma_start3A_91 : memref<200x64xf32, #tpu.memory_space<hbm>>) target_semaphore(%dma_start3A_89 : memref<!tpu.dma_semaphore, #tpu.memory_space<semaphore_mem>>)
    %dma_start3A_96 = arith.constant 4 : i32
    %dma_start3A_97 = arith.constant 4 : i32
    %dma_start3A_98 = arith.constant 4 : i32
    %dma_start3A_99 = arith.constant 0 : i32
    %dma_start3A_100 = arith.constant 0 : i32
    %dma_start3A_101 = tpu.memref_slice %arg6[%dma_start3A_97, %dma_start3A_99, %dma_start3A_100] : memref<8x200x64xf32, #tpu.memory_space<vmem>> -> memref<1x200x64xf32, #tpu.memory_space<vmem>>
    %dma_start3A_102 = tpu.memref_squeeze %dma_start3A_101 : memref<1x200x64xf32, #tpu.memory_space<vmem>> -> memref<200x64xf32, #tpu.memory_space<vmem>>
    %dma_start3A_103 = arith.constant 0 : i32
    %dma_start3A_104 = tpu.memref_slice %arg5[%dma_start3A_96, %dma_start3A_103] : memref<128x200xi32, #tpu.memory_space<vmem>> -> memref<1x200xi32, #tpu.memory_space<vmem>>
    %dma_start3A_105 = tpu.memref_squeeze %dma_start3A_104 : memref<1x200xi32, #tpu.memory_space<vmem>> -> memref<200xi32, #tpu.memory_space<vmem>>
    %dma_start3A_106 = arith.constant 0 : i32
    %dma_start3A_107 = arith.constant 0 : i32
    %dma_start3A_108 = tpu.memref_slice %arg3[%dma_start3A_106, %dma_start3A_107] : memref<1000000x64xf32, #tpu.memory_space<hbm>> -> memref<1000000x64xf32, #tpu.memory_space<hbm>>
    %dma_start3A_109 = tpu.memref_slice %arg7[%dma_start3A_98] : memref<8x!tpu.dma_semaphore, #tpu.memory_space<semaphore_mem>> -> memref<1x!tpu.dma_semaphore, #tpu.memory_space<semaphore_mem>>
    %dma_start3A_110 = tpu.memref_squeeze %dma_start3A_109 : memref<1x!tpu.dma_semaphore, #tpu.memory_space<semaphore_mem>> -> memref<!tpu.dma_semaphore, #tpu.memory_space<semaphore_mem>>
    tpu.enqueue_indirect_dma source(%dma_start3A_108 : memref<1000000x64xf32, #tpu.memory_space<hbm>>) target(%dma_start3A_102 : memref<200x64xf32, #tpu.memory_space<vmem>>) offsets(%dma_start3A_105 : memref<200xi32, #tpu.memory_space<vmem>>) semaphore(%dma_start3A_110 : memref<!tpu.dma_semaphore, #tpu.memory_space<semaphore_mem>>)
    %dma_wait3A_111 = arith.constant 0 : i32
    %dma_wait3A_112 = arith.constant 1 : i32
    %dma_wait3A_113 = arith.constant 1 : i32
    %dma_wait3A_114 = arith.constant 0 : i32
    %dma_wait3A_115 = arith.constant 0 : i32
    %dma_wait3A_116 = tpu.memref_slice %arg6[%dma_wait3A_112, %dma_wait3A_114, %dma_wait3A_115] : memref<8x200x64xf32, #tpu.memory_space<vmem>> -> memref<1x200x64xf32, #tpu.memory_space<vmem>>
    %dma_wait3A_117 = tpu.memref_squeeze %dma_wait3A_116 : memref<1x200x64xf32, #tpu.memory_space<vmem>> -> memref<200x64xf32, #tpu.memory_space<vmem>>
    %dma_wait3A_118 = arith.constant 0 : i32
    %dma_wait3A_119 = tpu.memref_slice %arg5[%dma_wait3A_111, %dma_wait3A_118] : memref<128x200xi32, #tpu.memory_space<vmem>> -> memref<1x200xi32, #tpu.memory_space<vmem>>
    %dma_wait3A_120 = tpu.memref_squeeze %dma_wait3A_119 : memref<1x200xi32, #tpu.memory_space<vmem>> -> memref<200xi32, #tpu.memory_space<vmem>>
    %dma_wait3A_121 = arith.constant 0 : i32
    %dma_wait3A_122 = arith.constant 0 : i32
    %dma_wait3A_123 = tpu.memref_slice %arg3[%dma_wait3A_121, %dma_wait3A_122] : memref<1000000x64xf32, #tpu.memory_space<hbm>> -> memref<1000000x64xf32, #tpu.memory_space<hbm>>
    %dma_wait3A_124 = tpu.memref_slice %arg7[%dma_wait3A_113] : memref<8x!tpu.dma_semaphore, #tpu.memory_space<semaphore_mem>> -> memref<1x!tpu.dma_semaphore, #tpu.memory_space<semaphore_mem>>
    %dma_wait3A_125 = tpu.memref_squeeze %dma_wait3A_124 : memref<1x!tpu.dma_semaphore, #tpu.memory_space<semaphore_mem>> -> memref<!tpu.dma_semaphore, #tpu.memory_space<semaphore_mem>>
    tpu.wait_indirect_dma semaphore(%dma_wait3A_125 : memref<!tpu.dma_semaphore, #tpu.memory_space<semaphore_mem>>) src(%dma_wait3A_123 : memref<1000000x64xf32, #tpu.memory_space<hbm>>) dst(%dma_wait3A_117 : memref<200x64xf32, #tpu.memory_space<vmem>>)
    %add3A_126 = arith.constant 1 : i32
    %add3A_127 = arith.addi %mul3A_2, %add3A_126 : i32
    %mul3A_128 = arith.constant 200 : i32
    %mul3A_129 = arith.muli %add3A_127, %mul3A_128 : i32
    %dma_start3A_130 = arith.constant 1 : i32
    %dma_start3A_131 = arith.constant 1 : i32
    %dma_start3A_132 = arith.constant 0 : i32
    %dma_start3A_133 = arith.constant 0 : i32
    %dma_start3A_134 = tpu.memref_slice %arg6[%dma_start3A_130, %dma_start3A_132, %dma_start3A_133] : memref<8x200x64xf32, #tpu.memory_space<vmem>> -> memref<1x200x64xf32, #tpu.memory_space<vmem>>
    %dma_start3A_135 = tpu.memref_squeeze %dma_start3A_134 : memref<1x200x64xf32, #tpu.memory_space<vmem>> -> memref<200x64xf32, #tpu.memory_space<vmem>>
    %dma_start3A_136 = arith.constant 0 : i32
    %dma_start3A_137 = tpu.memref_slice %arg4[%mul3A_129, %dma_start3A_136] : memref<819200x64xf32, #tpu.memory_space<hbm>> -> memref<200x64xf32, #tpu.memory_space<hbm>>
    %dma_start3A_138 = tpu.memref_slice %arg8[%dma_start3A_131] : memref<8x!tpu.dma_semaphore, #tpu.memory_space<semaphore_mem>> -> memref<1x!tpu.dma_semaphore, #tpu.memory_space<semaphore_mem>>
    %dma_start3A_139 = tpu.memref_squeeze %dma_start3A_138 : memref<1x!tpu.dma_semaphore, #tpu.memory_space<semaphore_mem>> -> memref<!tpu.dma_semaphore, #tpu.memory_space<semaphore_mem>>
    %dma_start3A_140 = arith.constant 0 : i32
    %dma_start3A_141 = tpu.memref_slice %arg4[%mul3A_129, %dma_start3A_140] : memref<819200x64xf32, #tpu.memory_space<hbm>> -> memref<200x64xf32, #tpu.memory_space<hbm>>
    %dma_start3A_142 = arith.constant 0 : i32
    %dma_start3A_143 = arith.constant 0 : i32
    %dma_start3A_144 = tpu.memref_slice %arg6[%dma_start3A_130, %dma_start3A_142, %dma_start3A_143] : memref<8x200x64xf32, #tpu.memory_space<vmem>> -> memref<1x200x64xf32, #tpu.memory_space<vmem>>
    %dma_start3A_145 = tpu.memref_squeeze %dma_start3A_144 : memref<1x200x64xf32, #tpu.memory_space<vmem>> -> memref<200x64xf32, #tpu.memory_space<vmem>>
    tpu.enqueue_dma source(%dma_start3A_145 : memref<200x64xf32, #tpu.memory_space<vmem>>) target(%dma_start3A_141 : memref<200x64xf32, #tpu.memory_space<hbm>>) target_semaphore(%dma_start3A_139 : memref<!tpu.dma_semaphore, #tpu.memory_space<semaphore_mem>>)
    %dma_start3A_146 = arith.constant 5 : i32
    %dma_start3A_147 = arith.constant 5 : i32
    %dma_start3A_148 = arith.constant 5 : i32
    %dma_start3A_149 = arith.constant 0 : i32
    %dma_start3A_150 = arith.constant 0 : i32
    %dma_start3A_151 = tpu.memref_slice %arg6[%dma_start3A_147, %dma_start3A_149, %dma_start3A_150] : memref<8x200x64xf32, #tpu.memory_space<vmem>> -> memref<1x200x64xf32, #tpu.memory_space<vmem>>
    %dma_start3A_152 = tpu.memref_squeeze %dma_start3A_151 : memref<1x200x64xf32, #tpu.memory_space<vmem>> -> memref<200x64xf32, #tpu.memory_space<vmem>>
    %dma_start3A_153 = arith.constant 0 : i32
    %dma_start3A_154 = tpu.memref_slice %arg5[%dma_start3A_146, %dma_start3A_153] : memref<128x200xi32, #tpu.memory_space<vmem>> -> memref<1x200xi32, #tpu.memory_space<vmem>>
    %dma_start3A_155 = tpu.memref_squeeze %dma_start3A_154 : memref<1x200xi32, #tpu.memory_space<vmem>> -> memref<200xi32, #tpu.memory_space<vmem>>
    %dma_start3A_156 = arith.constant 0 : i32
    %dma_start3A_157 = arith.constant 0 : i32
    %dma_start3A_158 = tpu.memref_slice %arg3[%dma_start3A_156, %dma_start3A_157] : memref<1000000x64xf32, #tpu.memory_space<hbm>> -> memref<1000000x64xf32, #tpu.memory_space<hbm>>
    %dma_start3A_159 = tpu.memref_slice %arg7[%dma_start3A_148] : memref<8x!tpu.dma_semaphore, #tpu.memory_space<semaphore_mem>> -> memref<1x!tpu.dma_semaphore, #tpu.memory_space<semaphore_mem>>
    %dma_start3A_160 = tpu.memref_squeeze %dma_start3A_159 : memref<1x!tpu.dma_semaphore, #tpu.memory_space<semaphore_mem>> -> memref<!tpu.dma_semaphore, #tpu.memory_space<semaphore_mem>>
    tpu.enqueue_indirect_dma source(%dma_start3A_158 : memref<1000000x64xf32, #tpu.memory_space<hbm>>) target(%dma_start3A_152 : memref<200x64xf32, #tpu.memory_space<vmem>>) offsets(%dma_start3A_155 : memref<200xi32, #tpu.memory_space<vmem>>) semaphore(%dma_start3A_160 : memref<!tpu.dma_semaphore, #tpu.memory_space<semaphore_mem>>)
    %dma_wait3A_161 = arith.constant 0 : i32
    %dma_wait3A_162 = arith.constant 2 : i32
    %dma_wait3A_163 = arith.constant 2 : i32
    %dma_wait3A_164 = arith.constant 0 : i32
    %dma_wait3A_165 = arith.constant 0 : i32
    %dma_wait3A_166 = tpu.memref_slice %arg6[%dma_wait3A_162, %dma_wait3A_164, %dma_wait3A_165] : memref<8x200x64xf32, #tpu.memory_space<vmem>> -> memref<1x200x64xf32, #tpu.memory_space<vmem>>
    %dma_wait3A_167 = tpu.memref_squeeze %dma_wait3A_166 : memref<1x200x64xf32, #tpu.memory_space<vmem>> -> memref<200x64xf32, #tpu.memory_space<vmem>>
    %dma_wait3A_168 = arith.constant 0 : i32
    %dma_wait3A_169 = tpu.memref_slice %arg5[%dma_wait3A_161, %dma_wait3A_168] : memref<128x200xi32, #tpu.memory_space<vmem>> -> memref<1x200xi32, #tpu.memory_space<vmem>>
    %dma_wait3A_170 = tpu.memref_squeeze %dma_wait3A_169 : memref<1x200xi32, #tpu.memory_space<vmem>> -> memref<200xi32, #tpu.memory_space<vmem>>
    %dma_wait3A_171 = arith.constant 0 : i32
    %dma_wait3A_172 = arith.constant 0 : i32
    %dma_wait3A_173 = tpu.memref_slice %arg3[%dma_wait3A_171, %dma_wait3A_172] : memref<1000000x64xf32, #tpu.memory_space<hbm>> -> memref<1000000x64xf32, #tpu.memory_space<hbm>>
    %dma_wait3A_174 = tpu.memref_slice %arg7[%dma_wait3A_163] : memref<8x!tpu.dma_semaphore, #tpu.memory_space<semaphore_mem>> -> memref<1x!tpu.dma_semaphore, #tpu.memory_space<semaphore_mem>>
    %dma_wait3A_175 = tpu.memref_squeeze %dma_wait3A_174 : memref<1x!tpu.dma_semaphore, #tpu.memory_space<semaphore_mem>> -> memref<!tpu.dma_semaphore, #tpu.memory_space<semaphore_mem>>
    tpu.wait_indirect_dma semaphore(%dma_wait3A_175 : memref<!tpu.dma_semaphore, #tpu.memory_space<semaphore_mem>>) src(%dma_wait3A_173 : memref<1000000x64xf32, #tpu.memory_space<hbm>>) dst(%dma_wait3A_167 : memref<200x64xf32, #tpu.memory_space<vmem>>)
    %add3A_176 = arith.constant 2 : i32
    %add3A_177 = arith.addi %mul3A_2, %add3A_176 : i32
    %mul3A_178 = arith.constant 200 : i32
    %mul3A_179 = arith.muli %add3A_177, %mul3A_178 : i32
    %dma_start3A_180 = arith.constant 2 : i32
    %dma_start3A_181 = arith.constant 2 : i32
    %dma_start3A_182 = arith.constant 0 : i32
    %dma_start3A_183 = arith.constant 0 : i32
    %dma_start3A_184 = tpu.memref_slice %arg6[%dma_start3A_180, %dma_start3A_182, %dma_start3A_183] : memref<8x200x64xf32, #tpu.memory_space<vmem>> -> memref<1x200x64xf32, #tpu.memory_space<vmem>>
    %dma_start3A_185 = tpu.memref_squeeze %dma_start3A_184 : memref<1x200x64xf32, #tpu.memory_space<vmem>> -> memref<200x64xf32, #tpu.memory_space<vmem>>
    %dma_start3A_186 = arith.constant 0 : i32
    %dma_start3A_187 = tpu.memref_slice %arg4[%mul3A_179, %dma_start3A_186] : memref<819200x64xf32, #tpu.memory_space<hbm>> -> memref<200x64xf32, #tpu.memory_space<hbm>>
    %dma_start3A_188 = tpu.memref_slice %arg8[%dma_start3A_181] : memref<8x!tpu.dma_semaphore, #tpu.memory_space<semaphore_mem>> -> memref<1x!tpu.dma_semaphore, #tpu.memory_space<semaphore_mem>>
    %dma_start3A_189 = tpu.memref_squeeze %dma_start3A_188 : memref<1x!tpu.dma_semaphore, #tpu.memory_space<semaphore_mem>> -> memref<!tpu.dma_semaphore, #tpu.memory_space<semaphore_mem>>
    %dma_start3A_190 = arith.constant 0 : i32
    %dma_start3A_191 = tpu.memref_slice %arg4[%mul3A_179, %dma_start3A_190] : memref<819200x64xf32, #tpu.memory_space<hbm>> -> memref<200x64xf32, #tpu.memory_space<hbm>>
    %dma_start3A_192 = arith.constant 0 : i32
    %dma_start3A_193 = arith.constant 0 : i32
    %dma_start3A_194 = tpu.memref_slice %arg6[%dma_start3A_180, %dma_start3A_192, %dma_start3A_193] : memref<8x200x64xf32, #tpu.memory_space<vmem>> -> memref<1x200x64xf32, #tpu.memory_space<vmem>>
    %dma_start3A_195 = tpu.memref_squeeze %dma_start3A_194 : memref<1x200x64xf32, #tpu.memory_space<vmem>> -> memref<200x64xf32, #tpu.memory_space<vmem>>
    tpu.enqueue_dma source(%dma_start3A_195 : memref<200x64xf32, #tpu.memory_space<vmem>>) target(%dma_start3A_191 : memref<200x64xf32, #tpu.memory_space<hbm>>) target_semaphore(%dma_start3A_189 : memref<!tpu.dma_semaphore, #tpu.memory_space<semaphore_mem>>)
    %dma_start3A_196 = arith.constant 6 : i32
    %dma_start3A_197 = arith.constant 6 : i32
    %dma_start3A_198 = arith.constant 6 : i32
    %dma_start3A_199 = arith.constant 0 : i32
    %dma_start3A_200 = arith.constant 0 : i32
    %dma_start3A_201 = tpu.memref_slice %arg6[%dma_start3A_197, %dma_start3A_199, %dma_start3A_200] : memref<8x200x64xf32, #tpu.memory_space<vmem>> -> memref<1x200x64xf32, #tpu.memory_space<vmem>>
    %dma_start3A_202 = tpu.memref_squeeze %dma_start3A_201 : memref<1x200x64xf32, #tpu.memory_space<vmem>> -> memref<200x64xf32, #tpu.memory_space<vmem>>
    %dma_start3A_203 = arith.constant 0 : i32
    %dma_start3A_204 = tpu.memref_slice %arg5[%dma_start3A_196, %dma_start3A_203] : memref<128x200xi32, #tpu.memory_space<vmem>> -> memref<1x200xi32, #tpu.memory_space<vmem>>
    %dma_start3A_205 = tpu.memref_squeeze %dma_start3A_204 : memref<1x200xi32, #tpu.memory_space<vmem>> -> memref<200xi32, #tpu.memory_space<vmem>>
    %dma_start3A_206 = arith.constant 0 : i32
    %dma_start3A_207 = arith.constant 0 : i32
    %dma_start3A_208 = tpu.memref_slice %arg3[%dma_start3A_206, %dma_start3A_207] : memref<1000000x64xf32, #tpu.memory_space<hbm>> -> memref<1000000x64xf32, #tpu.memory_space<hbm>>
    %dma_start3A_209 = tpu.memref_slice %arg7[%dma_start3A_198] : memref<8x!tpu.dma_semaphore, #tpu.memory_space<semaphore_mem>> -> memref<1x!tpu.dma_semaphore, #tpu.memory_space<semaphore_mem>>
    %dma_start3A_210 = tpu.memref_squeeze %dma_start3A_209 : memref<1x!tpu.dma_semaphore, #tpu.memory_space<semaphore_mem>> -> memref<!tpu.dma_semaphore, #tpu.memory_space<semaphore_mem>>
    tpu.enqueue_indirect_dma source(%dma_start3A_208 : memref<1000000x64xf32, #tpu.memory_space<hbm>>) target(%dma_start3A_202 : memref<200x64xf32, #tpu.memory_space<vmem>>) offsets(%dma_start3A_205 : memref<200xi32, #tpu.memory_space<vmem>>) semaphore(%dma_start3A_210 : memref<!tpu.dma_semaphore, #tpu.memory_space<semaphore_mem>>)
    %dma_wait3A_211 = arith.constant 0 : i32
    %dma_wait3A_212 = arith.constant 3 : i32
    %dma_wait3A_213 = arith.constant 3 : i32
    %dma_wait3A_214 = arith.constant 0 : i32
    %dma_wait3A_215 = arith.constant 0 : i32
    %dma_wait3A_216 = tpu.memref_slice %arg6[%dma_wait3A_212, %dma_wait3A_214, %dma_wait3A_215] : memref<8x200x64xf32, #tpu.memory_space<vmem>> -> memref<1x200x64xf32, #tpu.memory_space<vmem>>
    %dma_wait3A_217 = tpu.memref_squeeze %dma_wait3A_216 : memref<1x200x64xf32, #tpu.memory_space<vmem>> -> memref<200x64xf32, #tpu.memory_space<vmem>>
    %dma_wait3A_218 = arith.constant 0 : i32
    %dma_wait3A_219 = tpu.memref_slice %arg5[%dma_wait3A_211, %dma_wait3A_218] : memref<128x200xi32, #tpu.memory_space<vmem>> -> memref<1x200xi32, #tpu.memory_space<vmem>>
    %dma_wait3A_220 = tpu.memref_squeeze %dma_wait3A_219 : memref<1x200xi32, #tpu.memory_space<vmem>> -> memref<200xi32, #tpu.memory_space<vmem>>
    %dma_wait3A_221 = arith.constant 0 : i32
    %dma_wait3A_222 = arith.constant 0 : i32
    %dma_wait3A_223 = tpu.memref_slice %arg3[%dma_wait3A_221, %dma_wait3A_222] : memref<1000000x64xf32, #tpu.memory_space<hbm>> -> memref<1000000x64xf32, #tpu.memory_space<hbm>>
    %dma_wait3A_224 = tpu.memref_slice %arg7[%dma_wait3A_213] : memref<8x!tpu.dma_semaphore, #tpu.memory_space<semaphore_mem>> -> memref<1x!tpu.dma_semaphore, #tpu.memory_space<semaphore_mem>>
    %dma_wait3A_225 = tpu.memref_squeeze %dma_wait3A_224 : memref<1x!tpu.dma_semaphore, #tpu.memory_space<semaphore_mem>> -> memref<!tpu.dma_semaphore, #tpu.memory_space<semaphore_mem>>
    tpu.wait_indirect_dma semaphore(%dma_wait3A_225 : memref<!tpu.dma_semaphore, #tpu.memory_space<semaphore_mem>>) src(%dma_wait3A_223 : memref<1000000x64xf32, #tpu.memory_space<hbm>>) dst(%dma_wait3A_217 : memref<200x64xf32, #tpu.memory_space<vmem>>)
    %add3A_226 = arith.constant 3 : i32
    %add3A_227 = arith.addi %mul3A_2, %add3A_226 : i32
    %mul3A_228 = arith.constant 200 : i32
    %mul3A_229 = arith.muli %add3A_227, %mul3A_228 : i32
    %dma_start3A_230 = arith.constant 3 : i32
    %dma_start3A_231 = arith.constant 3 : i32
    %dma_start3A_232 = arith.constant 0 : i32
    %dma_start3A_233 = arith.constant 0 : i32
    %dma_start3A_234 = tpu.memref_slice %arg6[%dma_start3A_230, %dma_start3A_232, %dma_start3A_233] : memref<8x200x64xf32, #tpu.memory_space<vmem>> -> memref<1x200x64xf32, #tpu.memory_space<vmem>>
    %dma_start3A_235 = tpu.memref_squeeze %dma_start3A_234 : memref<1x200x64xf32, #tpu.memory_space<vmem>> -> memref<200x64xf32, #tpu.memory_space<vmem>>
    %dma_start3A_236 = arith.constant 0 : i32
    %dma_start3A_237 = tpu.memref_slice %arg4[%mul3A_229, %dma_start3A_236] : memref<819200x64xf32, #tpu.memory_space<hbm>> -> memref<200x64xf32, #tpu.memory_space<hbm>>
    %dma_start3A_238 = tpu.memref_slice %arg8[%dma_start3A_231] : memref<8x!tpu.dma_semaphore, #tpu.memory_space<semaphore_mem>> -> memref<1x!tpu.dma_semaphore, #tpu.memory_space<semaphore_mem>>
    %dma_start3A_239 = tpu.memref_squeeze %dma_start3A_238 : memref<1x!tpu.dma_semaphore, #tpu.memory_space<semaphore_mem>> -> memref<!tpu.dma_semaphore, #tpu.memory_space<semaphore_mem>>
    %dma_start3A_240 = arith.constant 0 : i32
    %dma_start3A_241 = tpu.memref_slice %arg4[%mul3A_229, %dma_start3A_240] : memref<819200x64xf32, #tpu.memory_space<hbm>> -> memref<200x64xf32, #tpu.memory_space<hbm>>
    %dma_start3A_242 = arith.constant 0 : i32
    %dma_start3A_243 = arith.constant 0 : i32
    %dma_start3A_244 = tpu.memref_slice %arg6[%dma_start3A_230, %dma_start3A_242, %dma_start3A_243] : memref<8x200x64xf32, #tpu.memory_space<vmem>> -> memref<1x200x64xf32, #tpu.memory_space<vmem>>
    %dma_start3A_245 = tpu.memref_squeeze %dma_start3A_244 : memref<1x200x64xf32, #tpu.memory_space<vmem>> -> memref<200x64xf32, #tpu.memory_space<vmem>>
    tpu.enqueue_dma source(%dma_start3A_245 : memref<200x64xf32, #tpu.memory_space<vmem>>) target(%dma_start3A_241 : memref<200x64xf32, #tpu.memory_space<hbm>>) target_semaphore(%dma_start3A_239 : memref<!tpu.dma_semaphore, #tpu.memory_space<semaphore_mem>>)
    %dma_start3A_246 = arith.constant 7 : i32
    %dma_start3A_247 = arith.constant 7 : i32
    %dma_start3A_248 = arith.constant 7 : i32
    %dma_start3A_249 = arith.constant 0 : i32
    %dma_start3A_250 = arith.constant 0 : i32
    %dma_start3A_251 = tpu.memref_slice %arg6[%dma_start3A_247, %dma_start3A_249, %dma_start3A_250] : memref<8x200x64xf32, #tpu.memory_space<vmem>> -> memref<1x200x64xf32, #tpu.memory_space<vmem>>
    %dma_start3A_252 = tpu.memref_squeeze %dma_start3A_251 : memref<1x200x64xf32, #tpu.memory_space<vmem>> -> memref<200x64xf32, #tpu.memory_space<vmem>>
    %dma_start3A_253 = arith.constant 0 : i32
    %dma_start3A_254 = tpu.memref_slice %arg5[%dma_start3A_246, %dma_start3A_253] : memref<128x200xi32, #tpu.memory_space<vmem>> -> memref<1x200xi32, #tpu.memory_space<vmem>>
    %dma_start3A_255 = tpu.memref_squeeze %dma_start3A_254 : memref<1x200xi32, #tpu.memory_space<vmem>> -> memref<200xi32, #tpu.memory_space<vmem>>
    %dma_start3A_256 = arith.constant 0 : i32
    %dma_start3A_257 = arith.constant 0 : i32
    %dma_start3A_258 = tpu.memref_slice %arg3[%dma_start3A_256, %dma_start3A_257] : memref<1000000x64xf32, #tpu.memory_space<hbm>> -> memref<1000000x64xf32, #tpu.memory_space<hbm>>
    %dma_start3A_259 = tpu.memref_slice %arg7[%dma_start3A_248] : memref<8x!tpu.dma_semaphore, #tpu.memory_space<semaphore_mem>> -> memref<1x!tpu.dma_semaphore, #tpu.memory_space<semaphore_mem>>
    %dma_start3A_260 = tpu.memref_squeeze %dma_start3A_259 : memref<1x!tpu.dma_semaphore, #tpu.memory_space<semaphore_mem>> -> memref<!tpu.dma_semaphore, #tpu.memory_space<semaphore_mem>>
    tpu.enqueue_indirect_dma source(%dma_start3A_258 : memref<1000000x64xf32, #tpu.memory_space<hbm>>) target(%dma_start3A_252 : memref<200x64xf32, #tpu.memory_space<vmem>>) offsets(%dma_start3A_255 : memref<200xi32, #tpu.memory_space<vmem>>) semaphore(%dma_start3A_260 : memref<!tpu.dma_semaphore, #tpu.memory_space<semaphore_mem>>)
    %dma_wait3A_261 = arith.constant 0 : i32
    %dma_wait3A_262 = arith.constant 4 : i32
    %dma_wait3A_263 = arith.constant 4 : i32
    %dma_wait3A_264 = arith.constant 0 : i32
    %dma_wait3A_265 = arith.constant 0 : i32
    %dma_wait3A_266 = tpu.memref_slice %arg6[%dma_wait3A_262, %dma_wait3A_264, %dma_wait3A_265] : memref<8x200x64xf32, #tpu.memory_space<vmem>> -> memref<1x200x64xf32, #tpu.memory_space<vmem>>
    %dma_wait3A_267 = tpu.memref_squeeze %dma_wait3A_266 : memref<1x200x64xf32, #tpu.memory_space<vmem>> -> memref<200x64xf32, #tpu.memory_space<vmem>>
    %dma_wait3A_268 = arith.constant 0 : i32
    %dma_wait3A_269 = tpu.memref_slice %arg5[%dma_wait3A_261, %dma_wait3A_268] : memref<128x200xi32, #tpu.memory_space<vmem>> -> memref<1x200xi32, #tpu.memory_space<vmem>>
    %dma_wait3A_270 = tpu.memref_squeeze %dma_wait3A_269 : memref<1x200xi32, #tpu.memory_space<vmem>> -> memref<200xi32, #tpu.memory_space<vmem>>
    %dma_wait3A_271 = arith.constant 0 : i32
    %dma_wait3A_272 = arith.constant 0 : i32
    %dma_wait3A_273 = tpu.memref_slice %arg3[%dma_wait3A_271, %dma_wait3A_272] : memref<1000000x64xf32, #tpu.memory_space<hbm>> -> memref<1000000x64xf32, #tpu.memory_space<hbm>>
    %dma_wait3A_274 = tpu.memref_slice %arg7[%dma_wait3A_263] : memref<8x!tpu.dma_semaphore, #tpu.memory_space<semaphore_mem>> -> memref<1x!tpu.dma_semaphore, #tpu.memory_space<semaphore_mem>>
    %dma_wait3A_275 = tpu.memref_squeeze %dma_wait3A_274 : memref<1x!tpu.dma_semaphore, #tpu.memory_space<semaphore_mem>> -> memref<!tpu.dma_semaphore, #tpu.memory_space<semaphore_mem>>
    tpu.wait_indirect_dma semaphore(%dma_wait3A_275 : memref<!tpu.dma_semaphore, #tpu.memory_space<semaphore_mem>>) src(%dma_wait3A_273 : memref<1000000x64xf32, #tpu.memory_space<hbm>>) dst(%dma_wait3A_267 : memref<200x64xf32, #tpu.memory_space<vmem>>)
    %add3A_276 = arith.constant 4 : i32
    %add3A_277 = arith.addi %mul3A_2, %add3A_276 : i32
    %mul3A_278 = arith.constant 200 : i32
    %mul3A_279 = arith.muli %add3A_277, %mul3A_278 : i32
    %dma_start3A_280 = arith.constant 4 : i32
    %dma_start3A_281 = arith.constant 4 : i32
    %dma_start3A_282 = arith.constant 0 : i32
    %dma_start3A_283 = arith.constant 0 : i32
    %dma_start3A_284 = tpu.memref_slice %arg6[%dma_start3A_280, %dma_start3A_282, %dma_start3A_283] : memref<8x200x64xf32, #tpu.memory_space<vmem>> -> memref<1x200x64xf32, #tpu.memory_space<vmem>>
    %dma_start3A_285 = tpu.memref_squeeze %dma_start3A_284 : memref<1x200x64xf32, #tpu.memory_space<vmem>> -> memref<200x64xf32, #tpu.memory_space<vmem>>
    %dma_start3A_286 = arith.constant 0 : i32
    %dma_start3A_287 = tpu.memref_slice %arg4[%mul3A_279, %dma_start3A_286] : memref<819200x64xf32, #tpu.memory_space<hbm>> -> memref<200x64xf32, #tpu.memory_space<hbm>>
    %dma_start3A_288 = tpu.memref_slice %arg8[%dma_start3A_281] : memref<8x!tpu.dma_semaphore, #tpu.memory_space<semaphore_mem>> -> memref<1x!tpu.dma_semaphore, #tpu.memory_space<semaphore_mem>>
    %dma_start3A_289 = tpu.memref_squeeze %dma_start3A_288 : memref<1x!tpu.dma_semaphore, #tpu.memory_space<semaphore_mem>> -> memref<!tpu.dma_semaphore, #tpu.memory_space<semaphore_mem>>
    %dma_start3A_290 = arith.constant 0 : i32
    %dma_start3A_291 = tpu.memref_slice %arg4[%mul3A_279, %dma_start3A_290] : memref<819200x64xf32, #tpu.memory_space<hbm>> -> memref<200x64xf32, #tpu.memory_space<hbm>>
    %dma_start3A_292 = arith.constant 0 : i32
    %dma_start3A_293 = arith.constant 0 : i32
    %dma_start3A_294 = tpu.memref_slice %arg6[%dma_start3A_280, %dma_start3A_292, %dma_start3A_293] : memref<8x200x64xf32, #tpu.memory_space<vmem>> -> memref<1x200x64xf32, #tpu.memory_space<vmem>>
    %dma_start3A_295 = tpu.memref_squeeze %dma_start3A_294 : memref<1x200x64xf32, #tpu.memory_space<vmem>> -> memref<200x64xf32, #tpu.memory_space<vmem>>
    tpu.enqueue_dma source(%dma_start3A_295 : memref<200x64xf32, #tpu.memory_space<vmem>>) target(%dma_start3A_291 : memref<200x64xf32, #tpu.memory_space<hbm>>) target_semaphore(%dma_start3A_289 : memref<!tpu.dma_semaphore, #tpu.memory_space<semaphore_mem>>)
    %dma_wait3A_296 = arith.constant 0 : i32
    %dma_wait3A_297 = arith.constant 0 : i32
    %dma_wait3A_298 = arith.constant 0 : i32
    %dma_wait3A_299 = arith.constant 0 : i32
    %dma_wait3A_300 = tpu.memref_slice %arg6[%dma_wait3A_296, %dma_wait3A_298, %dma_wait3A_299] : memref<8x200x64xf32, #tpu.memory_space<vmem>> -> memref<1x200x64xf32, #tpu.memory_space<vmem>>
    %dma_wait3A_301 = tpu.memref_squeeze %dma_wait3A_300 : memref<1x200x64xf32, #tpu.memory_space<vmem>> -> memref<200x64xf32, #tpu.memory_space<vmem>>
    %dma_wait3A_302 = arith.constant 0 : i32
    %dma_wait3A_303 = arith.constant 0 : i32
    %dma_wait3A_304 = tpu.memref_slice %arg4[%dma_wait3A_302, %dma_wait3A_303] : memref<819200x64xf32, #tpu.memory_space<hbm>> -> memref<200x64xf32, #tpu.memory_space<hbm>>
    %dma_wait3A_305 = tpu.memref_slice %arg8[%dma_wait3A_297] : memref<8x!tpu.dma_semaphore, #tpu.memory_space<semaphore_mem>> -> memref<1x!tpu.dma_semaphore, #tpu.memory_space<semaphore_mem>>
    %dma_wait3A_306 = tpu.memref_squeeze %dma_wait3A_305 : memref<1x!tpu.dma_semaphore, #tpu.memory_space<semaphore_mem>> -> memref<!tpu.dma_semaphore, #tpu.memory_space<semaphore_mem>>
    %dma_wait3A_307 = arith.constant 0 : i32
    %dma_wait3A_308 = arith.constant 0 : i32
    %dma_wait3A_309 = tpu.memref_slice %arg4[%dma_wait3A_307, %dma_wait3A_308] : memref<819200x64xf32, #tpu.memory_space<hbm>> -> memref<200x64xf32, #tpu.memory_space<hbm>>
    %dma_wait3A_310 = arith.constant 0 : i32
    %dma_wait3A_311 = arith.constant 0 : i32
    %dma_wait3A_312 = tpu.memref_slice %arg6[%dma_wait3A_296, %dma_wait3A_310, %dma_wait3A_311] : memref<8x200x64xf32, #tpu.memory_space<vmem>> -> memref<1x200x64xf32, #tpu.memory_space<vmem>>
    %dma_wait3A_313 = tpu.memref_squeeze %dma_wait3A_312 : memref<1x200x64xf32, #tpu.memory_space<vmem>> -> memref<200x64xf32, #tpu.memory_space<vmem>>
    tpu.wait_dma2 semaphore(%dma_wait3A_306 : memref<!tpu.dma_semaphore, #tpu.memory_space<semaphore_mem>>) src(%dma_wait3A_313 : memref<200x64xf32, #tpu.memory_space<vmem>>) dst(%dma_wait3A_309 : memref<200x64xf32, #tpu.memory_space<hbm>>)
    %dma_start3A_314 = arith.constant 8 : i32
    %dma_start3A_315 = arith.constant 0 : i32
    %dma_start3A_316 = arith.constant 0 : i32
    %dma_start3A_317 = arith.constant 0 : i32
    %dma_start3A_318 = arith.constant 0 : i32
    %dma_start3A_319 = tpu.memref_slice %arg6[%dma_start3A_315, %dma_start3A_317, %dma_start3A_318] : memref<8x200x64xf32, #tpu.memory_space<vmem>> -> memref<1x200x64xf32, #tpu.memory_space<vmem>>
    %dma_start3A_320 = tpu.memref_squeeze %dma_start3A_319 : memref<1x200x64xf32, #tpu.memory_space<vmem>> -> memref<200x64xf32, #tpu.memory_space<vmem>>
    %dma_start3A_321 = arith.constant 0 : i32
    %dma_start3A_322 = tpu.memref_slice %arg5[%dma_start3A_314, %dma_start3A_321] : memref<128x200xi32, #tpu.memory_space<vmem>> -> memref<1x200xi32, #tpu.memory_space<vmem>>
    %dma_start3A_323 = tpu.memref_squeeze %dma_start3A_322 : memref<1x200xi32, #tpu.memory_space<vmem>> -> memref<200xi32, #tpu.memory_space<vmem>>
    %dma_start3A_324 = arith.constant 0 : i32
    %dma_start3A_325 = arith.constant 0 : i32
    %dma_start3A_326 = tpu.memref_slice %arg3[%dma_start3A_324, %dma_start3A_325] : memref<1000000x64xf32, #tpu.memory_space<hbm>> -> memref<1000000x64xf32, #tpu.memory_space<hbm>>
    %dma_start3A_327 = tpu.memref_slice %arg7[%dma_start3A_316] : memref<8x!tpu.dma_semaphore, #tpu.memory_space<semaphore_mem>> -> memref<1x!tpu.dma_semaphore, #tpu.memory_space<semaphore_mem>>
    %dma_start3A_328 = tpu.memref_squeeze %dma_start3A_327 : memref<1x!tpu.dma_semaphore, #tpu.memory_space<semaphore_mem>> -> memref<!tpu.dma_semaphore, #tpu.memory_space<semaphore_mem>>
    tpu.enqueue_indirect_dma source(%dma_start3A_326 : memref<1000000x64xf32, #tpu.memory_space<hbm>>) target(%dma_start3A_320 : memref<200x64xf32, #tpu.memory_space<vmem>>) offsets(%dma_start3A_323 : memref<200xi32, #tpu.memory_space<vmem>>) semaphore(%dma_start3A_328 : memref<!tpu.dma_semaphore, #tpu.memory_space<semaphore_mem>>)
    %dma_wait3A_329 = arith.constant 0 : i32
    %dma_wait3A_330 = arith.constant 5 : i32
    %dma_wait3A_331 = arith.constant 5 : i32
    %dma_wait3A_332 = arith.constant 0 : i32
    %dma_wait3A_333 = arith.constant 0 : i32
    %dma_wait3A_334 = tpu.memref_slice %arg6[%dma_wait3A_330, %dma_wait3A_332, %dma_wait3A_333] : memref<8x200x64xf32, #tpu.memory_space<vmem>> -> memref<1x200x64xf32, #tpu.memory_space<vmem>>
    %dma_wait3A_335 = tpu.memref_squeeze %dma_wait3A_334 : memref<1x200x64xf32, #tpu.memory_space<vmem>> -> memref<200x64xf32, #tpu.memory_space<vmem>>
    %dma_wait3A_336 = arith.constant 0 : i32
    %dma_wait3A_337 = tpu.memref_slice %arg5[%dma_wait3A_329, %dma_wait3A_336] : memref<128x200xi32, #tpu.memory_space<vmem>> -> memref<1x200xi32, #tpu.memory_space<vmem>>
    %dma_wait3A_338 = tpu.memref_squeeze %dma_wait3A_337 : memref<1x200xi32, #tpu.memory_space<vmem>> -> memref<200xi32, #tpu.memory_space<vmem>>
    %dma_wait3A_339 = arith.constant 0 : i32
    %dma_wait3A_340 = arith.constant 0 : i32
    %dma_wait3A_341 = tpu.memref_slice %arg3[%dma_wait3A_339, %dma_wait3A_340] : memref<1000000x64xf32, #tpu.memory_space<hbm>> -> memref<1000000x64xf32, #tpu.memory_space<hbm>>
    %dma_wait3A_342 = tpu.memref_slice %arg7[%dma_wait3A_331] : memref<8x!tpu.dma_semaphore, #tpu.memory_space<semaphore_mem>> -> memref<1x!tpu.dma_semaphore, #tpu.memory_space<semaphore_mem>>
    %dma_wait3A_343 = tpu.memref_squeeze %dma_wait3A_342 : memref<1x!tpu.dma_semaphore, #tpu.memory_space<semaphore_mem>> -> memref<!tpu.dma_semaphore, #tpu.memory_space<semaphore_mem>>
    tpu.wait_indirect_dma semaphore(%dma_wait3A_343 : memref<!tpu.dma_semaphore, #tpu.memory_space<semaphore_mem>>) src(%dma_wait3A_341 : memref<1000000x64xf32, #tpu.memory_space<hbm>>) dst(%dma_wait3A_335 : memref<200x64xf32, #tpu.memory_space<vmem>>)
    %add3A_344 = arith.constant 5 : i32
    %add3A_345 = arith.addi %mul3A_2, %add3A_344 : i32
    %mul3A_346 = arith.constant 200 : i32
    %mul3A_347 = arith.muli %add3A_345, %mul3A_346 : i32
    %dma_start3A_348 = arith.constant 5 : i32
    %dma_start3A_349 = arith.constant 5 : i32
    %dma_start3A_350 = arith.constant 0 : i32
    %dma_start3A_351 = arith.constant 0 : i32
    %dma_start3A_352 = tpu.memref_slice %arg6[%dma_start3A_348, %dma_start3A_350, %dma_start3A_351] : memref<8x200x64xf32, #tpu.memory_space<vmem>> -> memref<1x200x64xf32, #tpu.memory_space<vmem>>
    %dma_start3A_353 = tpu.memref_squeeze %dma_start3A_352 : memref<1x200x64xf32, #tpu.memory_space<vmem>> -> memref<200x64xf32, #tpu.memory_space<vmem>>
    %dma_start3A_354 = arith.constant 0 : i32
    %dma_start3A_355 = tpu.memref_slice %arg4[%mul3A_347, %dma_start3A_354] : memref<819200x64xf32, #tpu.memory_space<hbm>> -> memref<200x64xf32, #tpu.memory_space<hbm>>
    %dma_start3A_356 = tpu.memref_slice %arg8[%dma_start3A_349] : memref<8x!tpu.dma_semaphore, #tpu.memory_space<semaphore_mem>> -> memref<1x!tpu.dma_semaphore, #tpu.memory_space<semaphore_mem>>
    %dma_start3A_357 = tpu.memref_squeeze %dma_start3A_356 : memref<1x!tpu.dma_semaphore, #tpu.memory_space<semaphore_mem>> -> memref<!tpu.dma_semaphore, #tpu.memory_space<semaphore_mem>>
    %dma_start3A_358 = arith.constant 0 : i32
    %dma_start3A_359 = tpu.memref_slice %arg4[%mul3A_347, %dma_start3A_358] : memref<819200x64xf32, #tpu.memory_space<hbm>> -> memref<200x64xf32, #tpu.memory_space<hbm>>
    %dma_start3A_360 = arith.constant 0 : i32
    %dma_start3A_361 = arith.constant 0 : i32
    %dma_start3A_362 = tpu.memref_slice %arg6[%dma_start3A_348, %dma_start3A_360, %dma_start3A_361] : memref<8x200x64xf32, #tpu.memory_space<vmem>> -> memref<1x200x64xf32, #tpu.memory_space<vmem>>
    %dma_start3A_363 = tpu.memref_squeeze %dma_start3A_362 : memref<1x200x64xf32, #tpu.memory_space<vmem>> -> memref<200x64xf32, #tpu.memory_space<vmem>>
    tpu.enqueue_dma source(%dma_start3A_363 : memref<200x64xf32, #tpu.memory_space<vmem>>) target(%dma_start3A_359 : memref<200x64xf32, #tpu.memory_space<hbm>>) target_semaphore(%dma_start3A_357 : memref<!tpu.dma_semaphore, #tpu.memory_space<semaphore_mem>>)
    %dma_wait3A_364 = arith.constant 1 : i32
    %dma_wait3A_365 = arith.constant 1 : i32
    %dma_wait3A_366 = arith.constant 0 : i32
    %dma_wait3A_367 = arith.constant 0 : i32
    %dma_wait3A_368 = tpu.memref_slice %arg6[%dma_wait3A_364, %dma_wait3A_366, %dma_wait3A_367] : memref<8x200x64xf32, #tpu.memory_space<vmem>> -> memref<1x200x64xf32, #tpu.memory_space<vmem>>
    %dma_wait3A_369 = tpu.memref_squeeze %dma_wait3A_368 : memref<1x200x64xf32, #tpu.memory_space<vmem>> -> memref<200x64xf32, #tpu.memory_space<vmem>>
    %dma_wait3A_370 = arith.constant 0 : i32
    %dma_wait3A_371 = arith.constant 0 : i32
    %dma_wait3A_372 = tpu.memref_slice %arg4[%dma_wait3A_370, %dma_wait3A_371] : memref<819200x64xf32, #tpu.memory_space<hbm>> -> memref<200x64xf32, #tpu.memory_space<hbm>>
    %dma_wait3A_373 = tpu.memref_slice %arg8[%dma_wait3A_365] : memref<8x!tpu.dma_semaphore, #tpu.memory_space<semaphore_mem>> -> memref<1x!tpu.dma_semaphore, #tpu.memory_space<semaphore_mem>>
    %dma_wait3A_374 = tpu.memref_squeeze %dma_wait3A_373 : memref<1x!tpu.dma_semaphore, #tpu.memory_space<semaphore_mem>> -> memref<!tpu.dma_semaphore, #tpu.memory_space<semaphore_mem>>
    %dma_wait3A_375 = arith.constant 0 : i32
    %dma_wait3A_376 = arith.constant 0 : i32
    %dma_wait3A_377 = tpu.memref_slice %arg4[%dma_wait3A_375, %dma_wait3A_376] : memref<819200x64xf32, #tpu.memory_space<hbm>> -> memref<200x64xf32, #tpu.memory_space<hbm>>
    %dma_wait3A_378 = arith.constant 0 : i32
    %dma_wait3A_379 = arith.constant 0 : i32
    %dma_wait3A_380 = tpu.memref_slice %arg6[%dma_wait3A_364, %dma_wait3A_378, %dma_wait3A_379] : memref<8x200x64xf32, #tpu.memory_space<vmem>> -> memref<1x200x64xf32, #tpu.memory_space<vmem>>
    %dma_wait3A_381 = tpu.memref_squeeze %dma_wait3A_380 : memref<1x200x64xf32, #tpu.memory_space<vmem>> -> memref<200x64xf32, #tpu.memory_space<vmem>>
    tpu.wait_dma2 semaphore(%dma_wait3A_374 : memref<!tpu.dma_semaphore, #tpu.memory_space<semaphore_mem>>) src(%dma_wait3A_381 : memref<200x64xf32, #tpu.memory_space<vmem>>) dst(%dma_wait3A_377 : memref<200x64xf32, #tpu.memory_space<hbm>>)
    %dma_start3A_382 = arith.constant 9 : i32
    %dma_start3A_383 = arith.constant 1 : i32
    %dma_start3A_384 = arith.constant 1 : i32
    %dma_start3A_385 = arith.constant 0 : i32
    %dma_start3A_386 = arith.constant 0 : i32
    %dma_start3A_387 = tpu.memref_slice %arg6[%dma_start3A_383, %dma_start3A_385, %dma_start3A_386] : memref<8x200x64xf32, #tpu.memory_space<vmem>> -> memref<1x200x64xf32, #tpu.memory_space<vmem>>
    %dma_start3A_388 = tpu.memref_squeeze %dma_start3A_387 : memref<1x200x64xf32, #tpu.memory_space<vmem>> -> memref<200x64xf32, #tpu.memory_space<vmem>>
    %dma_start3A_389 = arith.constant 0 : i32
    %dma_start3A_390 = tpu.memref_slice %arg5[%dma_start3A_382, %dma_start3A_389] : memref<128x200xi32, #tpu.memory_space<vmem>> -> memref<1x200xi32, #tpu.memory_space<vmem>>
    %dma_start3A_391 = tpu.memref_squeeze %dma_start3A_390 : memref<1x200xi32, #tpu.memory_space<vmem>> -> memref<200xi32, #tpu.memory_space<vmem>>
    %dma_start3A_392 = arith.constant 0 : i32
    %dma_start3A_393 = arith.constant 0 : i32
    %dma_start3A_394 = tpu.memref_slice %arg3[%dma_start3A_392, %dma_start3A_393] : memref<1000000x64xf32, #tpu.memory_space<hbm>> -> memref<1000000x64xf32, #tpu.memory_space<hbm>>
    %dma_start3A_395 = tpu.memref_slice %arg7[%dma_start3A_384] : memref<8x!tpu.dma_semaphore, #tpu.memory_space<semaphore_mem>> -> memref<1x!tpu.dma_semaphore, #tpu.memory_space<semaphore_mem>>
    %dma_start3A_396 = tpu.memref_squeeze %dma_start3A_395 : memref<1x!tpu.dma_semaphore, #tpu.memory_space<semaphore_mem>> -> memref<!tpu.dma_semaphore, #tpu.memory_space<semaphore_mem>>
    tpu.enqueue_indirect_dma source(%dma_start3A_394 : memref<1000000x64xf32, #tpu.memory_space<hbm>>) target(%dma_start3A_388 : memref<200x64xf32, #tpu.memory_space<vmem>>) offsets(%dma_start3A_391 : memref<200xi32, #tpu.memory_space<vmem>>) semaphore(%dma_start3A_396 : memref<!tpu.dma_semaphore, #tpu.memory_space<semaphore_mem>>)
    %dma_wait3A_397 = arith.constant 0 : i32
    %dma_wait3A_398 = arith.constant 6 : i32
    %dma_wait3A_399 = arith.constant 6 : i32
    %dma_wait3A_400 = arith.constant 0 : i32
    %dma_wait3A_401 = arith.constant 0 : i32
    %dma_wait3A_402 = tpu.memref_slice %arg6[%dma_wait3A_398, %dma_wait3A_400, %dma_wait3A_401] : memref<8x200x64xf32, #tpu.memory_space<vmem>> -> memref<1x200x64xf32, #tpu.memory_space<vmem>>
    %dma_wait3A_403 = tpu.memref_squeeze %dma_wait3A_402 : memref<1x200x64xf32, #tpu.memory_space<vmem>> -> memref<200x64xf32, #tpu.memory_space<vmem>>
    %dma_wait3A_404 = arith.constant 0 : i32
    %dma_wait3A_405 = tpu.memref_slice %arg5[%dma_wait3A_397, %dma_wait3A_404] : memref<128x200xi32, #tpu.memory_space<vmem>> -> memref<1x200xi32, #tpu.memory_space<vmem>>
    %dma_wait3A_406 = tpu.memref_squeeze %dma_wait3A_405 : memref<1x200xi32, #tpu.memory_space<vmem>> -> memref<200xi32, #tpu.memory_space<vmem>>
    %dma_wait3A_407 = arith.constant 0 : i32
    %dma_wait3A_408 = arith.constant 0 : i32
    %dma_wait3A_409 = tpu.memref_slice %arg3[%dma_wait3A_407, %dma_wait3A_408] : memref<1000000x64xf32, #tpu.memory_space<hbm>> -> memref<1000000x64xf32, #tpu.memory_space<hbm>>
    %dma_wait3A_410 = tpu.memref_slice %arg7[%dma_wait3A_399] : memref<8x!tpu.dma_semaphore, #tpu.memory_space<semaphore_mem>> -> memref<1x!tpu.dma_semaphore, #tpu.memory_space<semaphore_mem>>
    %dma_wait3A_411 = tpu.memref_squeeze %dma_wait3A_410 : memref<1x!tpu.dma_semaphore, #tpu.memory_space<semaphore_mem>> -> memref<!tpu.dma_semaphore, #tpu.memory_space<semaphore_mem>>
    tpu.wait_indirect_dma semaphore(%dma_wait3A_411 : memref<!tpu.dma_semaphore, #tpu.memory_space<semaphore_mem>>) src(%dma_wait3A_409 : memref<1000000x64xf32, #tpu.memory_space<hbm>>) dst(%dma_wait3A_403 : memref<200x64xf32, #tpu.memory_space<vmem>>)
    %add3A_412 = arith.constant 6 : i32
    %add3A_413 = arith.addi %mul3A_2, %add3A_412 : i32
    %mul3A_414 = arith.constant 200 : i32
    %mul3A_415 = arith.muli %add3A_413, %mul3A_414 : i32
    %dma_start3A_416 = arith.constant 6 : i32
    %dma_start3A_417 = arith.constant 6 : i32
    %dma_start3A_418 = arith.constant 0 : i32
    %dma_start3A_419 = arith.constant 0 : i32
    %dma_start3A_420 = tpu.memref_slice %arg6[%dma_start3A_416, %dma_start3A_418, %dma_start3A_419] : memref<8x200x64xf32, #tpu.memory_space<vmem>> -> memref<1x200x64xf32, #tpu.memory_space<vmem>>
    %dma_start3A_421 = tpu.memref_squeeze %dma_start3A_420 : memref<1x200x64xf32, #tpu.memory_space<vmem>> -> memref<200x64xf32, #tpu.memory_space<vmem>>
    %dma_start3A_422 = arith.constant 0 : i32
    %dma_start3A_423 = tpu.memref_slice %arg4[%mul3A_415, %dma_start3A_422] : memref<819200x64xf32, #tpu.memory_space<hbm>> -> memref<200x64xf32, #tpu.memory_space<hbm>>
    %dma_start3A_424 = tpu.memref_slice %arg8[%dma_start3A_417] : memref<8x!tpu.dma_semaphore, #tpu.memory_space<semaphore_mem>> -> memref<1x!tpu.dma_semaphore, #tpu.memory_space<semaphore_mem>>
    %dma_start3A_425 = tpu.memref_squeeze %dma_start3A_424 : memref<1x!tpu.dma_semaphore, #tpu.memory_space<semaphore_mem>> -> memref<!tpu.dma_semaphore, #tpu.memory_space<semaphore_mem>>
    %dma_start3A_426 = arith.constant 0 : i32
    %dma_start3A_427 = tpu.memref_slice %arg4[%mul3A_415, %dma_start3A_426] : memref<819200x64xf32, #tpu.memory_space<hbm>> -> memref<200x64xf32, #tpu.memory_space<hbm>>
    %dma_start3A_428 = arith.constant 0 : i32
    %dma_start3A_429 = arith.constant 0 : i32
    %dma_start3A_430 = tpu.memref_slice %arg6[%dma_start3A_416, %dma_start3A_428, %dma_start3A_429] : memref<8x200x64xf32, #tpu.memory_space<vmem>> -> memref<1x200x64xf32, #tpu.memory_space<vmem>>
    %dma_start3A_431 = tpu.memref_squeeze %dma_start3A_430 : memref<1x200x64xf32, #tpu.memory_space<vmem>> -> memref<200x64xf32, #tpu.memory_space<vmem>>
    tpu.enqueue_dma source(%dma_start3A_431 : memref<200x64xf32, #tpu.memory_space<vmem>>) target(%dma_start3A_427 : memref<200x64xf32, #tpu.memory_space<hbm>>) target_semaphore(%dma_start3A_425 : memref<!tpu.dma_semaphore, #tpu.memory_space<semaphore_mem>>)
    %dma_wait3A_432 = arith.constant 2 : i32
    %dma_wait3A_433 = arith.constant 2 : i32
    %dma_wait3A_434 = arith.constant 0 : i32
    %dma_wait3A_435 = arith.constant 0 : i32
    %dma_wait3A_436 = tpu.memref_slice %arg6[%dma_wait3A_432, %dma_wait3A_434, %dma_wait3A_435] : memref<8x200x64xf32, #tpu.memory_space<vmem>> -> memref<1x200x64xf32, #tpu.memory_space<vmem>>
    %dma_wait3A_437 = tpu.memref_squeeze %dma_wait3A_436 : memref<1x200x64xf32, #tpu.memory_space<vmem>> -> memref<200x64xf32, #tpu.memory_space<vmem>>
    %dma_wait3A_438 = arith.constant 0 : i32
    %dma_wait3A_439 = arith.constant 0 : i32
    %dma_wait3A_440 = tpu.memref_slice %arg4[%dma_wait3A_438, %dma_wait3A_439] : memref<819200x64xf32, #tpu.memory_space<hbm>> -> memref<200x64xf32, #tpu.memory_space<hbm>>
    %dma_wait3A_441 = tpu.memref_slice %arg8[%dma_wait3A_433] : memref<8x!tpu.dma_semaphore, #tpu.memory_space<semaphore_mem>> -> memref<1x!tpu.dma_semaphore, #tpu.memory_space<semaphore_mem>>
    %dma_wait3A_442 = tpu.memref_squeeze %dma_wait3A_441 : memref<1x!tpu.dma_semaphore, #tpu.memory_space<semaphore_mem>> -> memref<!tpu.dma_semaphore, #tpu.memory_space<semaphore_mem>>
    %dma_wait3A_443 = arith.constant 0 : i32
    %dma_wait3A_444 = arith.constant 0 : i32
    %dma_wait3A_445 = tpu.memref_slice %arg4[%dma_wait3A_443, %dma_wait3A_444] : memref<819200x64xf32, #tpu.memory_space<hbm>> -> memref<200x64xf32, #tpu.memory_space<hbm>>
    %dma_wait3A_446 = arith.constant 0 : i32
    %dma_wait3A_447 = arith.constant 0 : i32
    %dma_wait3A_448 = tpu.memref_slice %arg6[%dma_wait3A_432, %dma_wait3A_446, %dma_wait3A_447] : memref<8x200x64xf32, #tpu.memory_space<vmem>> -> memref<1x200x64xf32, #tpu.memory_space<vmem>>
    %dma_wait3A_449 = tpu.memref_squeeze %dma_wait3A_448 : memref<1x200x64xf32, #tpu.memory_space<vmem>> -> memref<200x64xf32, #tpu.memory_space<vmem>>
    tpu.wait_dma2 semaphore(%dma_wait3A_442 : memref<!tpu.dma_semaphore, #tpu.memory_space<semaphore_mem>>) src(%dma_wait3A_449 : memref<200x64xf32, #tpu.memory_space<vmem>>) dst(%dma_wait3A_445 : memref<200x64xf32, #tpu.memory_space<hbm>>)
    %dma_start3A_450 = arith.constant 10 : i32
    %dma_start3A_451 = arith.constant 2 : i32
    %dma_start3A_452 = arith.constant 2 : i32
    %dma_start3A_453 = arith.constant 0 : i32
    %dma_start3A_454 = arith.constant 0 : i32
    %dma_start3A_455 = tpu.memref_slice %arg6[%dma_start3A_451, %dma_start3A_453, %dma_start3A_454] : memref<8x200x64xf32, #tpu.memory_space<vmem>> -> memref<1x200x64xf32, #tpu.memory_space<vmem>>
    %dma_start3A_456 = tpu.memref_squeeze %dma_start3A_455 : memref<1x200x64xf32, #tpu.memory_space<vmem>> -> memref<200x64xf32, #tpu.memory_space<vmem>>
    %dma_start3A_457 = arith.constant 0 : i32
    %dma_start3A_458 = tpu.memref_slice %arg5[%dma_start3A_450, %dma_start3A_457] : memref<128x200xi32, #tpu.memory_space<vmem>> -> memref<1x200xi32, #tpu.memory_space<vmem>>
    %dma_start3A_459 = tpu.memref_squeeze %dma_start3A_458 : memref<1x200xi32, #tpu.memory_space<vmem>> -> memref<200xi32, #tpu.memory_space<vmem>>
    %dma_start3A_460 = arith.constant 0 : i32
    %dma_start3A_461 = arith.constant 0 : i32
    %dma_start3A_462 = tpu.memref_slice %arg3[%dma_start3A_460, %dma_start3A_461] : memref<1000000x64xf32, #tpu.memory_space<hbm>> -> memref<1000000x64xf32, #tpu.memory_space<hbm>>
    %dma_start3A_463 = tpu.memref_slice %arg7[%dma_start3A_452] : memref<8x!tpu.dma_semaphore, #tpu.memory_space<semaphore_mem>> -> memref<1x!tpu.dma_semaphore, #tpu.memory_space<semaphore_mem>>
    %dma_start3A_464 = tpu.memref_squeeze %dma_start3A_463 : memref<1x!tpu.dma_semaphore, #tpu.memory_space<semaphore_mem>> -> memref<!tpu.dma_semaphore, #tpu.memory_space<semaphore_mem>>
    tpu.enqueue_indirect_dma source(%dma_start3A_462 : memref<1000000x64xf32, #tpu.memory_space<hbm>>) target(%dma_start3A_456 : memref<200x64xf32, #tpu.memory_space<vmem>>) offsets(%dma_start3A_459 : memref<200xi32, #tpu.memory_space<vmem>>) semaphore(%dma_start3A_464 : memref<!tpu.dma_semaphore, #tpu.memory_space<semaphore_mem>>)
    %dma_wait3A_465 = arith.constant 0 : i32
    %dma_wait3A_466 = arith.constant 7 : i32
    %dma_wait3A_467 = arith.constant 7 : i32
    %dma_wait3A_468 = arith.constant 0 : i32
    %dma_wait3A_469 = arith.constant 0 : i32
    %dma_wait3A_470 = tpu.memref_slice %arg6[%dma_wait3A_466, %dma_wait3A_468, %dma_wait3A_469] : memref<8x200x64xf32, #tpu.memory_space<vmem>> -> memref<1x200x64xf32, #tpu.memory_space<vmem>>
    %dma_wait3A_471 = tpu.memref_squeeze %dma_wait3A_470 : memref<1x200x64xf32, #tpu.memory_space<vmem>> -> memref<200x64xf32, #tpu.memory_space<vmem>>
    %dma_wait3A_472 = arith.constant 0 : i32
    %dma_wait3A_473 = tpu.memref_slice %arg5[%dma_wait3A_465, %dma_wait3A_472] : memref<128x200xi32, #tpu.memory_space<vmem>> -> memref<1x200xi32, #tpu.memory_space<vmem>>
    %dma_wait3A_474 = tpu.memref_squeeze %dma_wait3A_473 : memref<1x200xi32, #tpu.memory_space<vmem>> -> memref<200xi32, #tpu.memory_space<vmem>>
    %dma_wait3A_475 = arith.constant 0 : i32
    %dma_wait3A_476 = arith.constant 0 : i32
    %dma_wait3A_477 = tpu.memref_slice %arg3[%dma_wait3A_475, %dma_wait3A_476] : memref<1000000x64xf32, #tpu.memory_space<hbm>> -> memref<1000000x64xf32, #tpu.memory_space<hbm>>
    %dma_wait3A_478 = tpu.memref_slice %arg7[%dma_wait3A_467] : memref<8x!tpu.dma_semaphore, #tpu.memory_space<semaphore_mem>> -> memref<1x!tpu.dma_semaphore, #tpu.memory_space<semaphore_mem>>
    %dma_wait3A_479 = tpu.memref_squeeze %dma_wait3A_478 : memref<1x!tpu.dma_semaphore, #tpu.memory_space<semaphore_mem>> -> memref<!tpu.dma_semaphore, #tpu.memory_space<semaphore_mem>>
    tpu.wait_indirect_dma semaphore(%dma_wait3A_479 : memref<!tpu.dma_semaphore, #tpu.memory_space<semaphore_mem>>) src(%dma_wait3A_477 : memref<1000000x64xf32, #tpu.memory_space<hbm>>) dst(%dma_wait3A_471 : memref<200x64xf32, #tpu.memory_space<vmem>>)
    %add3A_480 = arith.constant 7 : i32
    %add3A_481 = arith.addi %mul3A_2, %add3A_480 : i32
    %mul3A_482 = arith.constant 200 : i32
    %mul3A_483 = arith.muli %add3A_481, %mul3A_482 : i32
    %dma_start3A_484 = arith.constant 7 : i32
    %dma_start3A_485 = arith.constant 7 : i32
    %dma_start3A_486 = arith.constant 0 : i32
    %dma_start3A_487 = arith.constant 0 : i32
    %dma_start3A_488 = tpu.memref_slice %arg6[%dma_start3A_484, %dma_start3A_486, %dma_start3A_487] : memref<8x200x64xf32, #tpu.memory_space<vmem>> -> memref<1x200x64xf32, #tpu.memory_space<vmem>>
    %dma_start3A_489 = tpu.memref_squeeze %dma_start3A_488 : memref<1x200x64xf32, #tpu.memory_space<vmem>> -> memref<200x64xf32, #tpu.memory_space<vmem>>
    %dma_start3A_490 = arith.constant 0 : i32
    %dma_start3A_491 = tpu.memref_slice %arg4[%mul3A_483, %dma_start3A_490] : memref<819200x64xf32, #tpu.memory_space<hbm>> -> memref<200x64xf32, #tpu.memory_space<hbm>>
    %dma_start3A_492 = tpu.memref_slice %arg8[%dma_start3A_485] : memref<8x!tpu.dma_semaphore, #tpu.memory_space<semaphore_mem>> -> memref<1x!tpu.dma_semaphore, #tpu.memory_space<semaphore_mem>>
    %dma_start3A_493 = tpu.memref_squeeze %dma_start3A_492 : memref<1x!tpu.dma_semaphore, #tpu.memory_space<semaphore_mem>> -> memref<!tpu.dma_semaphore, #tpu.memory_space<semaphore_mem>>
    %dma_start3A_494 = arith.constant 0 : i32
    %dma_start3A_495 = tpu.memref_slice %arg4[%mul3A_483, %dma_start3A_494] : memref<819200x64xf32, #tpu.memory_space<hbm>> -> memref<200x64xf32, #tpu.memory_space<hbm>>
    %dma_start3A_496 = arith.constant 0 : i32
    %dma_start3A_497 = arith.constant 0 : i32
    %dma_start3A_498 = tpu.memref_slice %arg6[%dma_start3A_484, %dma_start3A_496, %dma_start3A_497] : memref<8x200x64xf32, #tpu.memory_space<vmem>> -> memref<1x200x64xf32, #tpu.memory_space<vmem>>
    %dma_start3A_499 = tpu.memref_squeeze %dma_start3A_498 : memref<1x200x64xf32, #tpu.memory_space<vmem>> -> memref<200x64xf32, #tpu.memory_space<vmem>>
    tpu.enqueue_dma source(%dma_start3A_499 : memref<200x64xf32, #tpu.memory_space<vmem>>) target(%dma_start3A_495 : memref<200x64xf32, #tpu.memory_space<hbm>>) target_semaphore(%dma_start3A_493 : memref<!tpu.dma_semaphore, #tpu.memory_space<semaphore_mem>>)
    %dma_wait3A_500 = arith.constant 3 : i32
    %dma_wait3A_501 = arith.constant 3 : i32
    %dma_wait3A_502 = arith.constant 0 : i32
    %dma_wait3A_503 = arith.constant 0 : i32
    %dma_wait3A_504 = tpu.memref_slice %arg6[%dma_wait3A_500, %dma_wait3A_502, %dma_wait3A_503] : memref<8x200x64xf32, #tpu.memory_space<vmem>> -> memref<1x200x64xf32, #tpu.memory_space<vmem>>
    %dma_wait3A_505 = tpu.memref_squeeze %dma_wait3A_504 : memref<1x200x64xf32, #tpu.memory_space<vmem>> -> memref<200x64xf32, #tpu.memory_space<vmem>>
    %dma_wait3A_506 = arith.constant 0 : i32
    %dma_wait3A_507 = arith.constant 0 : i32
    %dma_wait3A_508 = tpu.memref_slice %arg4[%dma_wait3A_506, %dma_wait3A_507] : memref<819200x64xf32, #tpu.memory_space<hbm>> -> memref<200x64xf32, #tpu.memory_space<hbm>>
    %dma_wait3A_509 = tpu.memref_slice %arg8[%dma_wait3A_501] : memref<8x!tpu.dma_semaphore, #tpu.memory_space<semaphore_mem>> -> memref<1x!tpu.dma_semaphore, #tpu.memory_space<semaphore_mem>>
    %dma_wait3A_510 = tpu.memref_squeeze %dma_wait3A_509 : memref<1x!tpu.dma_semaphore, #tpu.memory_space<semaphore_mem>> -> memref<!tpu.dma_semaphore, #tpu.memory_space<semaphore_mem>>
    %dma_wait3A_511 = arith.constant 0 : i32
    %dma_wait3A_512 = arith.constant 0 : i32
    %dma_wait3A_513 = tpu.memref_slice %arg4[%dma_wait3A_511, %dma_wait3A_512] : memref<819200x64xf32, #tpu.memory_space<hbm>> -> memref<200x64xf32, #tpu.memory_space<hbm>>
    %dma_wait3A_514 = arith.constant 0 : i32
    %dma_wait3A_515 = arith.constant 0 : i32
    %dma_wait3A_516 = tpu.memref_slice %arg6[%dma_wait3A_500, %dma_wait3A_514, %dma_wait3A_515] : memref<8x200x64xf32, #tpu.memory_space<vmem>> -> memref<1x200x64xf32, #tpu.memory_space<vmem>>
    %dma_wait3A_517 = tpu.memref_squeeze %dma_wait3A_516 : memref<1x200x64xf32, #tpu.memory_space<vmem>> -> memref<200x64xf32, #tpu.memory_space<vmem>>
    tpu.wait_dma2 semaphore(%dma_wait3A_510 : memref<!tpu.dma_semaphore, #tpu.memory_space<semaphore_mem>>) src(%dma_wait3A_517 : memref<200x64xf32, #tpu.memory_space<vmem>>) dst(%dma_wait3A_513 : memref<200x64xf32, #tpu.memory_space<hbm>>)
    %dma_start3A_518 = arith.constant 11 : i32
    %dma_start3A_519 = arith.constant 3 : i32
    %dma_start3A_520 = arith.constant 3 : i32
    %dma_start3A_521 = arith.constant 0 : i32
    %dma_start3A_522 = arith.constant 0 : i32
    %dma_start3A_523 = tpu.memref_slice %arg6[%dma_start3A_519, %dma_start3A_521, %dma_start3A_522] : memref<8x200x64xf32, #tpu.memory_space<vmem>> -> memref<1x200x64xf32, #tpu.memory_space<vmem>>
    %dma_start3A_524 = tpu.memref_squeeze %dma_start3A_523 : memref<1x200x64xf32, #tpu.memory_space<vmem>> -> memref<200x64xf32, #tpu.memory_space<vmem>>
    %dma_start3A_525 = arith.constant 0 : i32
    %dma_start3A_526 = tpu.memref_slice %arg5[%dma_start3A_518, %dma_start3A_525] : memref<128x200xi32, #tpu.memory_space<vmem>> -> memref<1x200xi32, #tpu.memory_space<vmem>>
    %dma_start3A_527 = tpu.memref_squeeze %dma_start3A_526 : memref<1x200xi32, #tpu.memory_space<vmem>> -> memref<200xi32, #tpu.memory_space<vmem>>
    %dma_start3A_528 = arith.constant 0 : i32
    %dma_start3A_529 = arith.constant 0 : i32
    %dma_start3A_530 = tpu.memref_slice %arg3[%dma_start3A_528, %dma_start3A_529] : memref<1000000x64xf32, #tpu.memory_space<hbm>> -> memref<1000000x64xf32, #tpu.memory_space<hbm>>
    %dma_start3A_531 = tpu.memref_slice %arg7[%dma_start3A_520] : memref<8x!tpu.dma_semaphore, #tpu.memory_space<semaphore_mem>> -> memref<1x!tpu.dma_semaphore, #tpu.memory_space<semaphore_mem>>
    %dma_start3A_532 = tpu.memref_squeeze %dma_start3A_531 : memref<1x!tpu.dma_semaphore, #tpu.memory_space<semaphore_mem>> -> memref<!tpu.dma_semaphore, #tpu.memory_space<semaphore_mem>>
    tpu.enqueue_indirect_dma source(%dma_start3A_530 : memref<1000000x64xf32, #tpu.memory_space<hbm>>) target(%dma_start3A_524 : memref<200x64xf32, #tpu.memory_space<vmem>>) offsets(%dma_start3A_527 : memref<200xi32, #tpu.memory_space<vmem>>) semaphore(%dma_start3A_532 : memref<!tpu.dma_semaphore, #tpu.memory_space<semaphore_mem>>)
    %scan3A = arith.constant 0 : i32
    %scan3A_533 = arith.constant 1 : i32
    %scan3A_534 = arith.constant 14 : i32
    %scan3A_535 = arith.addi %scan3A_533, %scan3A_534 : i32
    %scan3A_536 = arith.constant 1 : i32
    scf.for %scan3A_1094 = %scan3A_533 to %scan3A_535 step %scan3A_536  : i32 {
      %mul3A_1095 = arith.constant 8 : i32
      %mul3A_1096 = arith.muli %scan3A_1094, %mul3A_1095 : i32
      %add3A_1097 = arith.constant 0 : i32
      %add3A_1098 = arith.addi %mul3A_1096, %add3A_1097 : i32
      %dma_wait3A_1099 = arith.constant 0 : i32
      %dma_wait3A_1100 = arith.constant 0 : i32
      %dma_wait3A_1101 = arith.constant 0 : i32
      %dma_wait3A_1102 = arith.constant 0 : i32
      %dma_wait3A_1103 = arith.constant 0 : i32
      %dma_wait3A_1104 = tpu.memref_slice %arg6[%dma_wait3A_1100, %dma_wait3A_1102, %dma_wait3A_1103] : memref<8x200x64xf32, #tpu.memory_space<vmem>> -> memref<1x200x64xf32, #tpu.memory_space<vmem>>
      %dma_wait3A_1105 = tpu.memref_squeeze %dma_wait3A_1104 : memref<1x200x64xf32, #tpu.memory_space<vmem>> -> memref<200x64xf32, #tpu.memory_space<vmem>>
      %dma_wait3A_1106 = arith.constant 0 : i32
      %dma_wait3A_1107 = tpu.memref_slice %arg5[%dma_wait3A_1099, %dma_wait3A_1106] : memref<128x200xi32, #tpu.memory_space<vmem>> -> memref<1x200xi32, #tpu.memory_space<vmem>>
      %dma_wait3A_1108 = tpu.memref_squeeze %dma_wait3A_1107 : memref<1x200xi32, #tpu.memory_space<vmem>> -> memref<200xi32, #tpu.memory_space<vmem>>
      %dma_wait3A_1109 = arith.constant 0 : i32
      %dma_wait3A_1110 = arith.constant 0 : i32
      %dma_wait3A_1111 = tpu.memref_slice %arg3[%dma_wait3A_1109, %dma_wait3A_1110] : memref<1000000x64xf32, #tpu.memory_space<hbm>> -> memref<1000000x64xf32, #tpu.memory_space<hbm>>
      %dma_wait3A_1112 = tpu.memref_slice %arg7[%dma_wait3A_1101] : memref<8x!tpu.dma_semaphore, #tpu.memory_space<semaphore_mem>> -> memref<1x!tpu.dma_semaphore, #tpu.memory_space<semaphore_mem>>
      %dma_wait3A_1113 = tpu.memref_squeeze %dma_wait3A_1112 : memref<1x!tpu.dma_semaphore, #tpu.memory_space<semaphore_mem>> -> memref<!tpu.dma_semaphore, #tpu.memory_space<semaphore_mem>>
      tpu.wait_indirect_dma semaphore(%dma_wait3A_1113 : memref<!tpu.dma_semaphore, #tpu.memory_space<semaphore_mem>>) src(%dma_wait3A_1111 : memref<1000000x64xf32, #tpu.memory_space<hbm>>) dst(%dma_wait3A_1105 : memref<200x64xf32, #tpu.memory_space<vmem>>)
      %add3A_1114 = arith.addi %mul3A_2, %add3A_1098 : i32
      %mul3A_1115 = arith.constant 200 : i32
      %mul3A_1116 = arith.muli %add3A_1114, %mul3A_1115 : i32
      %dma_start3A_1117 = arith.constant 0 : i32
      %dma_start3A_1118 = arith.constant 0 : i32
      %dma_start3A_1119 = arith.constant 0 : i32
      %dma_start3A_1120 = arith.constant 0 : i32
      %dma_start3A_1121 = tpu.memref_slice %arg6[%dma_start3A_1117, %dma_start3A_1119, %dma_start3A_1120] : memref<8x200x64xf32, #tpu.memory_space<vmem>> -> memref<1x200x64xf32, #tpu.memory_space<vmem>>
      %dma_start3A_1122 = tpu.memref_squeeze %dma_start3A_1121 : memref<1x200x64xf32, #tpu.memory_space<vmem>> -> memref<200x64xf32, #tpu.memory_space<vmem>>
      %dma_start3A_1123 = arith.constant 0 : i32
      %dma_start3A_1124 = tpu.memref_slice %arg4[%mul3A_1116, %dma_start3A_1123] : memref<819200x64xf32, #tpu.memory_space<hbm>> -> memref<200x64xf32, #tpu.memory_space<hbm>>
      %dma_start3A_1125 = tpu.memref_slice %arg8[%dma_start3A_1118] : memref<8x!tpu.dma_semaphore, #tpu.memory_space<semaphore_mem>> -> memref<1x!tpu.dma_semaphore, #tpu.memory_space<semaphore_mem>>
      %dma_start3A_1126 = tpu.memref_squeeze %dma_start3A_1125 : memref<1x!tpu.dma_semaphore, #tpu.memory_space<semaphore_mem>> -> memref<!tpu.dma_semaphore, #tpu.memory_space<semaphore_mem>>
      %dma_start3A_1127 = arith.constant 0 : i32
      %dma_start3A_1128 = tpu.memref_slice %arg4[%mul3A_1116, %dma_start3A_1127] : memref<819200x64xf32, #tpu.memory_space<hbm>> -> memref<200x64xf32, #tpu.memory_space<hbm>>
      %dma_start3A_1129 = arith.constant 0 : i32
      %dma_start3A_1130 = arith.constant 0 : i32
      %dma_start3A_1131 = tpu.memref_slice %arg6[%dma_start3A_1117, %dma_start3A_1129, %dma_start3A_1130] : memref<8x200x64xf32, #tpu.memory_space<vmem>> -> memref<1x200x64xf32, #tpu.memory_space<vmem>>
      %dma_start3A_1132 = tpu.memref_squeeze %dma_start3A_1131 : memref<1x200x64xf32, #tpu.memory_space<vmem>> -> memref<200x64xf32, #tpu.memory_space<vmem>>
      tpu.enqueue_dma source(%dma_start3A_1132 : memref<200x64xf32, #tpu.memory_space<vmem>>) target(%dma_start3A_1128 : memref<200x64xf32, #tpu.memory_space<hbm>>) target_semaphore(%dma_start3A_1126 : memref<!tpu.dma_semaphore, #tpu.memory_space<semaphore_mem>>)
      %dma_wait3A_1133 = arith.constant 4 : i32
      %dma_wait3A_1134 = arith.constant 4 : i32
      %dma_wait3A_1135 = arith.constant 0 : i32
      %dma_wait3A_1136 = arith.constant 0 : i32
      %dma_wait3A_1137 = tpu.memref_slice %arg6[%dma_wait3A_1133, %dma_wait3A_1135, %dma_wait3A_1136] : memref<8x200x64xf32, #tpu.memory_space<vmem>> -> memref<1x200x64xf32, #tpu.memory_space<vmem>>
      %dma_wait3A_1138 = tpu.memref_squeeze %dma_wait3A_1137 : memref<1x200x64xf32, #tpu.memory_space<vmem>> -> memref<200x64xf32, #tpu.memory_space<vmem>>
      %dma_wait3A_1139 = arith.constant 0 : i32
      %dma_wait3A_1140 = arith.constant 0 : i32
      %dma_wait3A_1141 = tpu.memref_slice %arg4[%dma_wait3A_1139, %dma_wait3A_1140] : memref<819200x64xf32, #tpu.memory_space<hbm>> -> memref<200x64xf32, #tpu.memory_space<hbm>>
      %dma_wait3A_1142 = tpu.memref_slice %arg8[%dma_wait3A_1134] : memref<8x!tpu.dma_semaphore, #tpu.memory_space<semaphore_mem>> -> memref<1x!tpu.dma_semaphore, #tpu.memory_space<semaphore_mem>>
      %dma_wait3A_1143 = tpu.memref_squeeze %dma_wait3A_1142 : memref<1x!tpu.dma_semaphore, #tpu.memory_space<semaphore_mem>> -> memref<!tpu.dma_semaphore, #tpu.memory_space<semaphore_mem>>
      %dma_wait3A_1144 = arith.constant 0 : i32
      %dma_wait3A_1145 = arith.constant 0 : i32
      %dma_wait3A_1146 = tpu.memref_slice %arg4[%dma_wait3A_1144, %dma_wait3A_1145] : memref<819200x64xf32, #tpu.memory_space<hbm>> -> memref<200x64xf32, #tpu.memory_space<hbm>>
      %dma_wait3A_1147 = arith.constant 0 : i32
      %dma_wait3A_1148 = arith.constant 0 : i32
      %dma_wait3A_1149 = tpu.memref_slice %arg6[%dma_wait3A_1133, %dma_wait3A_1147, %dma_wait3A_1148] : memref<8x200x64xf32, #tpu.memory_space<vmem>> -> memref<1x200x64xf32, #tpu.memory_space<vmem>>
      %dma_wait3A_1150 = tpu.memref_squeeze %dma_wait3A_1149 : memref<1x200x64xf32, #tpu.memory_space<vmem>> -> memref<200x64xf32, #tpu.memory_space<vmem>>
      tpu.wait_dma2 semaphore(%dma_wait3A_1143 : memref<!tpu.dma_semaphore, #tpu.memory_space<semaphore_mem>>) src(%dma_wait3A_1150 : memref<200x64xf32, #tpu.memory_space<vmem>>) dst(%dma_wait3A_1146 : memref<200x64xf32, #tpu.memory_space<hbm>>)
      %add3A_1151 = arith.constant 4 : i32
      %add3A_1152 = arith.addi %add3A_1098, %add3A_1151 : i32
      %dma_start3A_1153 = arith.constant 4 : i32
      %dma_start3A_1154 = arith.constant 4 : i32
      %dma_start3A_1155 = arith.constant 0 : i32
      %dma_start3A_1156 = arith.constant 0 : i32
      %dma_start3A_1157 = tpu.memref_slice %arg6[%dma_start3A_1153, %dma_start3A_1155, %dma_start3A_1156] : memref<8x200x64xf32, #tpu.memory_space<vmem>> -> memref<1x200x64xf32, #tpu.memory_space<vmem>>
      %dma_start3A_1158 = tpu.memref_squeeze %dma_start3A_1157 : memref<1x200x64xf32, #tpu.memory_space<vmem>> -> memref<200x64xf32, #tpu.memory_space<vmem>>
      %dma_start3A_1159 = arith.constant 0 : i32
      %dma_start3A_1160 = tpu.memref_slice %arg5[%add3A_1152, %dma_start3A_1159] : memref<128x200xi32, #tpu.memory_space<vmem>> -> memref<1x200xi32, #tpu.memory_space<vmem>>
      %dma_start3A_1161 = tpu.memref_squeeze %dma_start3A_1160 : memref<1x200xi32, #tpu.memory_space<vmem>> -> memref<200xi32, #tpu.memory_space<vmem>>
      %dma_start3A_1162 = arith.constant 0 : i32
      %dma_start3A_1163 = arith.constant 0 : i32
      %dma_start3A_1164 = tpu.memref_slice %arg3[%dma_start3A_1162, %dma_start3A_1163] : memref<1000000x64xf32, #tpu.memory_space<hbm>> -> memref<1000000x64xf32, #tpu.memory_space<hbm>>
      %dma_start3A_1165 = tpu.memref_slice %arg7[%dma_start3A_1154] : memref<8x!tpu.dma_semaphore, #tpu.memory_space<semaphore_mem>> -> memref<1x!tpu.dma_semaphore, #tpu.memory_space<semaphore_mem>>
      %dma_start3A_1166 = tpu.memref_squeeze %dma_start3A_1165 : memref<1x!tpu.dma_semaphore, #tpu.memory_space<semaphore_mem>> -> memref<!tpu.dma_semaphore, #tpu.memory_space<semaphore_mem>>
      tpu.enqueue_indirect_dma source(%dma_start3A_1164 : memref<1000000x64xf32, #tpu.memory_space<hbm>>) target(%dma_start3A_1158 : memref<200x64xf32, #tpu.memory_space<vmem>>) offsets(%dma_start3A_1161 : memref<200xi32, #tpu.memory_space<vmem>>) semaphore(%dma_start3A_1166 : memref<!tpu.dma_semaphore, #tpu.memory_space<semaphore_mem>>)
      %mul3A_1167 = arith.constant 8 : i32
      %mul3A_1168 = arith.muli %scan3A_1094, %mul3A_1167 : i32
      %add3A_1169 = arith.constant 1 : i32
      %add3A_1170 = arith.addi %mul3A_1168, %add3A_1169 : i32
      %dma_wait3A_1171 = arith.constant 0 : i32
      %dma_wait3A_1172 = arith.constant 1 : i32
      %dma_wait3A_1173 = arith.constant 1 : i32
      %dma_wait3A_1174 = arith.constant 0 : i32
      %dma_wait3A_1175 = arith.constant 0 : i32
      %dma_wait3A_1176 = tpu.memref_slice %arg6[%dma_wait3A_1172, %dma_wait3A_1174, %dma_wait3A_1175] : memref<8x200x64xf32, #tpu.memory_space<vmem>> -> memref<1x200x64xf32, #tpu.memory_space<vmem>>
      %dma_wait3A_1177 = tpu.memref_squeeze %dma_wait3A_1176 : memref<1x200x64xf32, #tpu.memory_space<vmem>> -> memref<200x64xf32, #tpu.memory_space<vmem>>
      %dma_wait3A_1178 = arith.constant 0 : i32
      %dma_wait3A_1179 = tpu.memref_slice %arg5[%dma_wait3A_1171, %dma_wait3A_1178] : memref<128x200xi32, #tpu.memory_space<vmem>> -> memref<1x200xi32, #tpu.memory_space<vmem>>
      %dma_wait3A_1180 = tpu.memref_squeeze %dma_wait3A_1179 : memref<1x200xi32, #tpu.memory_space<vmem>> -> memref<200xi32, #tpu.memory_space<vmem>>
      %dma_wait3A_1181 = arith.constant 0 : i32
      %dma_wait3A_1182 = arith.constant 0 : i32
      %dma_wait3A_1183 = tpu.memref_slice %arg3[%dma_wait3A_1181, %dma_wait3A_1182] : memref<1000000x64xf32, #tpu.memory_space<hbm>> -> memref<1000000x64xf32, #tpu.memory_space<hbm>>
      %dma_wait3A_1184 = tpu.memref_slice %arg7[%dma_wait3A_1173] : memref<8x!tpu.dma_semaphore, #tpu.memory_space<semaphore_mem>> -> memref<1x!tpu.dma_semaphore, #tpu.memory_space<semaphore_mem>>
      %dma_wait3A_1185 = tpu.memref_squeeze %dma_wait3A_1184 : memref<1x!tpu.dma_semaphore, #tpu.memory_space<semaphore_mem>> -> memref<!tpu.dma_semaphore, #tpu.memory_space<semaphore_mem>>
      tpu.wait_indirect_dma semaphore(%dma_wait3A_1185 : memref<!tpu.dma_semaphore, #tpu.memory_space<semaphore_mem>>) src(%dma_wait3A_1183 : memref<1000000x64xf32, #tpu.memory_space<hbm>>) dst(%dma_wait3A_1177 : memref<200x64xf32, #tpu.memory_space<vmem>>)
      %add3A_1186 = arith.addi %mul3A_2, %add3A_1170 : i32
      %mul3A_1187 = arith.constant 200 : i32
      %mul3A_1188 = arith.muli %add3A_1186, %mul3A_1187 : i32
      %dma_start3A_1189 = arith.constant 1 : i32
      %dma_start3A_1190 = arith.constant 1 : i32
      %dma_start3A_1191 = arith.constant 0 : i32
      %dma_start3A_1192 = arith.constant 0 : i32
      %dma_start3A_1193 = tpu.memref_slice %arg6[%dma_start3A_1189, %dma_start3A_1191, %dma_start3A_1192] : memref<8x200x64xf32, #tpu.memory_space<vmem>> -> memref<1x200x64xf32, #tpu.memory_space<vmem>>
      %dma_start3A_1194 = tpu.memref_squeeze %dma_start3A_1193 : memref<1x200x64xf32, #tpu.memory_space<vmem>> -> memref<200x64xf32, #tpu.memory_space<vmem>>
      %dma_start3A_1195 = arith.constant 0 : i32
      %dma_start3A_1196 = tpu.memref_slice %arg4[%mul3A_1188, %dma_start3A_1195] : memref<819200x64xf32, #tpu.memory_space<hbm>> -> memref<200x64xf32, #tpu.memory_space<hbm>>
      %dma_start3A_1197 = tpu.memref_slice %arg8[%dma_start3A_1190] : memref<8x!tpu.dma_semaphore, #tpu.memory_space<semaphore_mem>> -> memref<1x!tpu.dma_semaphore, #tpu.memory_space<semaphore_mem>>
      %dma_start3A_1198 = tpu.memref_squeeze %dma_start3A_1197 : memref<1x!tpu.dma_semaphore, #tpu.memory_space<semaphore_mem>> -> memref<!tpu.dma_semaphore, #tpu.memory_space<semaphore_mem>>
      %dma_start3A_1199 = arith.constant 0 : i32
      %dma_start3A_1200 = tpu.memref_slice %arg4[%mul3A_1188, %dma_start3A_1199] : memref<819200x64xf32, #tpu.memory_space<hbm>> -> memref<200x64xf32, #tpu.memory_space<hbm>>
      %dma_start3A_1201 = arith.constant 0 : i32
      %dma_start3A_1202 = arith.constant 0 : i32
      %dma_start3A_1203 = tpu.memref_slice %arg6[%dma_start3A_1189, %dma_start3A_1201, %dma_start3A_1202] : memref<8x200x64xf32, #tpu.memory_space<vmem>> -> memref<1x200x64xf32, #tpu.memory_space<vmem>>
      %dma_start3A_1204 = tpu.memref_squeeze %dma_start3A_1203 : memref<1x200x64xf32, #tpu.memory_space<vmem>> -> memref<200x64xf32, #tpu.memory_space<vmem>>
      tpu.enqueue_dma source(%dma_start3A_1204 : memref<200x64xf32, #tpu.memory_space<vmem>>) target(%dma_start3A_1200 : memref<200x64xf32, #tpu.memory_space<hbm>>) target_semaphore(%dma_start3A_1198 : memref<!tpu.dma_semaphore, #tpu.memory_space<semaphore_mem>>)
      %dma_wait3A_1205 = arith.constant 5 : i32
      %dma_wait3A_1206 = arith.constant 5 : i32
      %dma_wait3A_1207 = arith.constant 0 : i32
      %dma_wait3A_1208 = arith.constant 0 : i32
      %dma_wait3A_1209 = tpu.memref_slice %arg6[%dma_wait3A_1205, %dma_wait3A_1207, %dma_wait3A_1208] : memref<8x200x64xf32, #tpu.memory_space<vmem>> -> memref<1x200x64xf32, #tpu.memory_space<vmem>>
      %dma_wait3A_1210 = tpu.memref_squeeze %dma_wait3A_1209 : memref<1x200x64xf32, #tpu.memory_space<vmem>> -> memref<200x64xf32, #tpu.memory_space<vmem>>
      %dma_wait3A_1211 = arith.constant 0 : i32
      %dma_wait3A_1212 = arith.constant 0 : i32
      %dma_wait3A_1213 = tpu.memref_slice %arg4[%dma_wait3A_1211, %dma_wait3A_1212] : memref<819200x64xf32, #tpu.memory_space<hbm>> -> memref<200x64xf32, #tpu.memory_space<hbm>>
      %dma_wait3A_1214 = tpu.memref_slice %arg8[%dma_wait3A_1206] : memref<8x!tpu.dma_semaphore, #tpu.memory_space<semaphore_mem>> -> memref<1x!tpu.dma_semaphore, #tpu.memory_space<semaphore_mem>>
      %dma_wait3A_1215 = tpu.memref_squeeze %dma_wait3A_1214 : memref<1x!tpu.dma_semaphore, #tpu.memory_space<semaphore_mem>> -> memref<!tpu.dma_semaphore, #tpu.memory_space<semaphore_mem>>
      %dma_wait3A_1216 = arith.constant 0 : i32
      %dma_wait3A_1217 = arith.constant 0 : i32
      %dma_wait3A_1218 = tpu.memref_slice %arg4[%dma_wait3A_1216, %dma_wait3A_1217] : memref<819200x64xf32, #tpu.memory_space<hbm>> -> memref<200x64xf32, #tpu.memory_space<hbm>>
      %dma_wait3A_1219 = arith.constant 0 : i32
      %dma_wait3A_1220 = arith.constant 0 : i32
      %dma_wait3A_1221 = tpu.memref_slice %arg6[%dma_wait3A_1205, %dma_wait3A_1219, %dma_wait3A_1220] : memref<8x200x64xf32, #tpu.memory_space<vmem>> -> memref<1x200x64xf32, #tpu.memory_space<vmem>>
      %dma_wait3A_1222 = tpu.memref_squeeze %dma_wait3A_1221 : memref<1x200x64xf32, #tpu.memory_space<vmem>> -> memref<200x64xf32, #tpu.memory_space<vmem>>
      tpu.wait_dma2 semaphore(%dma_wait3A_1215 : memref<!tpu.dma_semaphore, #tpu.memory_space<semaphore_mem>>) src(%dma_wait3A_1222 : memref<200x64xf32, #tpu.memory_space<vmem>>) dst(%dma_wait3A_1218 : memref<200x64xf32, #tpu.memory_space<hbm>>)
      %add3A_1223 = arith.constant 4 : i32
      %add3A_1224 = arith.addi %add3A_1170, %add3A_1223 : i32
      %dma_start3A_1225 = arith.constant 5 : i32
      %dma_start3A_1226 = arith.constant 5 : i32
      %dma_start3A_1227 = arith.constant 0 : i32
      %dma_start3A_1228 = arith.constant 0 : i32
      %dma_start3A_1229 = tpu.memref_slice %arg6[%dma_start3A_1225, %dma_start3A_1227, %dma_start3A_1228] : memref<8x200x64xf32, #tpu.memory_space<vmem>> -> memref<1x200x64xf32, #tpu.memory_space<vmem>>
      %dma_start3A_1230 = tpu.memref_squeeze %dma_start3A_1229 : memref<1x200x64xf32, #tpu.memory_space<vmem>> -> memref<200x64xf32, #tpu.memory_space<vmem>>
      %dma_start3A_1231 = arith.constant 0 : i32
      %dma_start3A_1232 = tpu.memref_slice %arg5[%add3A_1224, %dma_start3A_1231] : memref<128x200xi32, #tpu.memory_space<vmem>> -> memref<1x200xi32, #tpu.memory_space<vmem>>
      %dma_start3A_1233 = tpu.memref_squeeze %dma_start3A_1232 : memref<1x200xi32, #tpu.memory_space<vmem>> -> memref<200xi32, #tpu.memory_space<vmem>>
      %dma_start3A_1234 = arith.constant 0 : i32
      %dma_start3A_1235 = arith.constant 0 : i32
      %dma_start3A_1236 = tpu.memref_slice %arg3[%dma_start3A_1234, %dma_start3A_1235] : memref<1000000x64xf32, #tpu.memory_space<hbm>> -> memref<1000000x64xf32, #tpu.memory_space<hbm>>
      %dma_start3A_1237 = tpu.memref_slice %arg7[%dma_start3A_1226] : memref<8x!tpu.dma_semaphore, #tpu.memory_space<semaphore_mem>> -> memref<1x!tpu.dma_semaphore, #tpu.memory_space<semaphore_mem>>
      %dma_start3A_1238 = tpu.memref_squeeze %dma_start3A_1237 : memref<1x!tpu.dma_semaphore, #tpu.memory_space<semaphore_mem>> -> memref<!tpu.dma_semaphore, #tpu.memory_space<semaphore_mem>>
      tpu.enqueue_indirect_dma source(%dma_start3A_1236 : memref<1000000x64xf32, #tpu.memory_space<hbm>>) target(%dma_start3A_1230 : memref<200x64xf32, #tpu.memory_space<vmem>>) offsets(%dma_start3A_1233 : memref<200xi32, #tpu.memory_space<vmem>>) semaphore(%dma_start3A_1238 : memref<!tpu.dma_semaphore, #tpu.memory_space<semaphore_mem>>)
      %mul3A_1239 = arith.constant 8 : i32
      %mul3A_1240 = arith.muli %scan3A_1094, %mul3A_1239 : i32
      %add3A_1241 = arith.constant 2 : i32
      %add3A_1242 = arith.addi %mul3A_1240, %add3A_1241 : i32
      %dma_wait3A_1243 = arith.constant 0 : i32
      %dma_wait3A_1244 = arith.constant 2 : i32
      %dma_wait3A_1245 = arith.constant 2 : i32
      %dma_wait3A_1246 = arith.constant 0 : i32
      %dma_wait3A_1247 = arith.constant 0 : i32
      %dma_wait3A_1248 = tpu.memref_slice %arg6[%dma_wait3A_1244, %dma_wait3A_1246, %dma_wait3A_1247] : memref<8x200x64xf32, #tpu.memory_space<vmem>> -> memref<1x200x64xf32, #tpu.memory_space<vmem>>
      %dma_wait3A_1249 = tpu.memref_squeeze %dma_wait3A_1248 : memref<1x200x64xf32, #tpu.memory_space<vmem>> -> memref<200x64xf32, #tpu.memory_space<vmem>>
      %dma_wait3A_1250 = arith.constant 0 : i32
      %dma_wait3A_1251 = tpu.memref_slice %arg5[%dma_wait3A_1243, %dma_wait3A_1250] : memref<128x200xi32, #tpu.memory_space<vmem>> -> memref<1x200xi32, #tpu.memory_space<vmem>>
      %dma_wait3A_1252 = tpu.memref_squeeze %dma_wait3A_1251 : memref<1x200xi32, #tpu.memory_space<vmem>> -> memref<200xi32, #tpu.memory_space<vmem>>
      %dma_wait3A_1253 = arith.constant 0 : i32
      %dma_wait3A_1254 = arith.constant 0 : i32
      %dma_wait3A_1255 = tpu.memref_slice %arg3[%dma_wait3A_1253, %dma_wait3A_1254] : memref<1000000x64xf32, #tpu.memory_space<hbm>> -> memref<1000000x64xf32, #tpu.memory_space<hbm>>
      %dma_wait3A_1256 = tpu.memref_slice %arg7[%dma_wait3A_1245] : memref<8x!tpu.dma_semaphore, #tpu.memory_space<semaphore_mem>> -> memref<1x!tpu.dma_semaphore, #tpu.memory_space<semaphore_mem>>
      %dma_wait3A_1257 = tpu.memref_squeeze %dma_wait3A_1256 : memref<1x!tpu.dma_semaphore, #tpu.memory_space<semaphore_mem>> -> memref<!tpu.dma_semaphore, #tpu.memory_space<semaphore_mem>>
      tpu.wait_indirect_dma semaphore(%dma_wait3A_1257 : memref<!tpu.dma_semaphore, #tpu.memory_space<semaphore_mem>>) src(%dma_wait3A_1255 : memref<1000000x64xf32, #tpu.memory_space<hbm>>) dst(%dma_wait3A_1249 : memref<200x64xf32, #tpu.memory_space<vmem>>)
      %add3A_1258 = arith.addi %mul3A_2, %add3A_1242 : i32
      %mul3A_1259 = arith.constant 200 : i32
      %mul3A_1260 = arith.muli %add3A_1258, %mul3A_1259 : i32
      %dma_start3A_1261 = arith.constant 2 : i32
      %dma_start3A_1262 = arith.constant 2 : i32
      %dma_start3A_1263 = arith.constant 0 : i32
      %dma_start3A_1264 = arith.constant 0 : i32
      %dma_start3A_1265 = tpu.memref_slice %arg6[%dma_start3A_1261, %dma_start3A_1263, %dma_start3A_1264] : memref<8x200x64xf32, #tpu.memory_space<vmem>> -> memref<1x200x64xf32, #tpu.memory_space<vmem>>
      %dma_start3A_1266 = tpu.memref_squeeze %dma_start3A_1265 : memref<1x200x64xf32, #tpu.memory_space<vmem>> -> memref<200x64xf32, #tpu.memory_space<vmem>>
      %dma_start3A_1267 = arith.constant 0 : i32
      %dma_start3A_1268 = tpu.memref_slice %arg4[%mul3A_1260, %dma_start3A_1267] : memref<819200x64xf32, #tpu.memory_space<hbm>> -> memref<200x64xf32, #tpu.memory_space<hbm>>
      %dma_start3A_1269 = tpu.memref_slice %arg8[%dma_start3A_1262] : memref<8x!tpu.dma_semaphore, #tpu.memory_space<semaphore_mem>> -> memref<1x!tpu.dma_semaphore, #tpu.memory_space<semaphore_mem>>
      %dma_start3A_1270 = tpu.memref_squeeze %dma_start3A_1269 : memref<1x!tpu.dma_semaphore, #tpu.memory_space<semaphore_mem>> -> memref<!tpu.dma_semaphore, #tpu.memory_space<semaphore_mem>>
      %dma_start3A_1271 = arith.constant 0 : i32
      %dma_start3A_1272 = tpu.memref_slice %arg4[%mul3A_1260, %dma_start3A_1271] : memref<819200x64xf32, #tpu.memory_space<hbm>> -> memref<200x64xf32, #tpu.memory_space<hbm>>
      %dma_start3A_1273 = arith.constant 0 : i32
      %dma_start3A_1274 = arith.constant 0 : i32
      %dma_start3A_1275 = tpu.memref_slice %arg6[%dma_start3A_1261, %dma_start3A_1273, %dma_start3A_1274] : memref<8x200x64xf32, #tpu.memory_space<vmem>> -> memref<1x200x64xf32, #tpu.memory_space<vmem>>
      %dma_start3A_1276 = tpu.memref_squeeze %dma_start3A_1275 : memref<1x200x64xf32, #tpu.memory_space<vmem>> -> memref<200x64xf32, #tpu.memory_space<vmem>>
      tpu.enqueue_dma source(%dma_start3A_1276 : memref<200x64xf32, #tpu.memory_space<vmem>>) target(%dma_start3A_1272 : memref<200x64xf32, #tpu.memory_space<hbm>>) target_semaphore(%dma_start3A_1270 : memref<!tpu.dma_semaphore, #tpu.memory_space<semaphore_mem>>)
      %dma_wait3A_1277 = arith.constant 6 : i32
      %dma_wait3A_1278 = arith.constant 6 : i32
      %dma_wait3A_1279 = arith.constant 0 : i32
      %dma_wait3A_1280 = arith.constant 0 : i32
      %dma_wait3A_1281 = tpu.memref_slice %arg6[%dma_wait3A_1277, %dma_wait3A_1279, %dma_wait3A_1280] : memref<8x200x64xf32, #tpu.memory_space<vmem>> -> memref<1x200x64xf32, #tpu.memory_space<vmem>>
      %dma_wait3A_1282 = tpu.memref_squeeze %dma_wait3A_1281 : memref<1x200x64xf32, #tpu.memory_space<vmem>> -> memref<200x64xf32, #tpu.memory_space<vmem>>
      %dma_wait3A_1283 = arith.constant 0 : i32
      %dma_wait3A_1284 = arith.constant 0 : i32
      %dma_wait3A_1285 = tpu.memref_slice %arg4[%dma_wait3A_1283, %dma_wait3A_1284] : memref<819200x64xf32, #tpu.memory_space<hbm>> -> memref<200x64xf32, #tpu.memory_space<hbm>>
      %dma_wait3A_1286 = tpu.memref_slice %arg8[%dma_wait3A_1278] : memref<8x!tpu.dma_semaphore, #tpu.memory_space<semaphore_mem>> -> memref<1x!tpu.dma_semaphore, #tpu.memory_space<semaphore_mem>>
      %dma_wait3A_1287 = tpu.memref_squeeze %dma_wait3A_1286 : memref<1x!tpu.dma_semaphore, #tpu.memory_space<semaphore_mem>> -> memref<!tpu.dma_semaphore, #tpu.memory_space<semaphore_mem>>
      %dma_wait3A_1288 = arith.constant 0 : i32
      %dma_wait3A_1289 = arith.constant 0 : i32
      %dma_wait3A_1290 = tpu.memref_slice %arg4[%dma_wait3A_1288, %dma_wait3A_1289] : memref<819200x64xf32, #tpu.memory_space<hbm>> -> memref<200x64xf32, #tpu.memory_space<hbm>>
      %dma_wait3A_1291 = arith.constant 0 : i32
      %dma_wait3A_1292 = arith.constant 0 : i32
      %dma_wait3A_1293 = tpu.memref_slice %arg6[%dma_wait3A_1277, %dma_wait3A_1291, %dma_wait3A_1292] : memref<8x200x64xf32, #tpu.memory_space<vmem>> -> memref<1x200x64xf32, #tpu.memory_space<vmem>>
      %dma_wait3A_1294 = tpu.memref_squeeze %dma_wait3A_1293 : memref<1x200x64xf32, #tpu.memory_space<vmem>> -> memref<200x64xf32, #tpu.memory_space<vmem>>
      tpu.wait_dma2 semaphore(%dma_wait3A_1287 : memref<!tpu.dma_semaphore, #tpu.memory_space<semaphore_mem>>) src(%dma_wait3A_1294 : memref<200x64xf32, #tpu.memory_space<vmem>>) dst(%dma_wait3A_1290 : memref<200x64xf32, #tpu.memory_space<hbm>>)
      %add3A_1295 = arith.constant 4 : i32
      %add3A_1296 = arith.addi %add3A_1242, %add3A_1295 : i32
      %dma_start3A_1297 = arith.constant 6 : i32
      %dma_start3A_1298 = arith.constant 6 : i32
      %dma_start3A_1299 = arith.constant 0 : i32
      %dma_start3A_1300 = arith.constant 0 : i32
      %dma_start3A_1301 = tpu.memref_slice %arg6[%dma_start3A_1297, %dma_start3A_1299, %dma_start3A_1300] : memref<8x200x64xf32, #tpu.memory_space<vmem>> -> memref<1x200x64xf32, #tpu.memory_space<vmem>>
      %dma_start3A_1302 = tpu.memref_squeeze %dma_start3A_1301 : memref<1x200x64xf32, #tpu.memory_space<vmem>> -> memref<200x64xf32, #tpu.memory_space<vmem>>
      %dma_start3A_1303 = arith.constant 0 : i32
      %dma_start3A_1304 = tpu.memref_slice %arg5[%add3A_1296, %dma_start3A_1303] : memref<128x200xi32, #tpu.memory_space<vmem>> -> memref<1x200xi32, #tpu.memory_space<vmem>>
      %dma_start3A_1305 = tpu.memref_squeeze %dma_start3A_1304 : memref<1x200xi32, #tpu.memory_space<vmem>> -> memref<200xi32, #tpu.memory_space<vmem>>
      %dma_start3A_1306 = arith.constant 0 : i32
      %dma_start3A_1307 = arith.constant 0 : i32
      %dma_start3A_1308 = tpu.memref_slice %arg3[%dma_start3A_1306, %dma_start3A_1307] : memref<1000000x64xf32, #tpu.memory_space<hbm>> -> memref<1000000x64xf32, #tpu.memory_space<hbm>>
      %dma_start3A_1309 = tpu.memref_slice %arg7[%dma_start3A_1298] : memref<8x!tpu.dma_semaphore, #tpu.memory_space<semaphore_mem>> -> memref<1x!tpu.dma_semaphore, #tpu.memory_space<semaphore_mem>>
      %dma_start3A_1310 = tpu.memref_squeeze %dma_start3A_1309 : memref<1x!tpu.dma_semaphore, #tpu.memory_space<semaphore_mem>> -> memref<!tpu.dma_semaphore, #tpu.memory_space<semaphore_mem>>
      tpu.enqueue_indirect_dma source(%dma_start3A_1308 : memref<1000000x64xf32, #tpu.memory_space<hbm>>) target(%dma_start3A_1302 : memref<200x64xf32, #tpu.memory_space<vmem>>) offsets(%dma_start3A_1305 : memref<200xi32, #tpu.memory_space<vmem>>) semaphore(%dma_start3A_1310 : memref<!tpu.dma_semaphore, #tpu.memory_space<semaphore_mem>>)
      %mul3A_1311 = arith.constant 8 : i32
      %mul3A_1312 = arith.muli %scan3A_1094, %mul3A_1311 : i32
      %add3A_1313 = arith.constant 3 : i32
      %add3A_1314 = arith.addi %mul3A_1312, %add3A_1313 : i32
      %dma_wait3A_1315 = arith.constant 0 : i32
      %dma_wait3A_1316 = arith.constant 3 : i32
      %dma_wait3A_1317 = arith.constant 3 : i32
      %dma_wait3A_1318 = arith.constant 0 : i32
      %dma_wait3A_1319 = arith.constant 0 : i32
      %dma_wait3A_1320 = tpu.memref_slice %arg6[%dma_wait3A_1316, %dma_wait3A_1318, %dma_wait3A_1319] : memref<8x200x64xf32, #tpu.memory_space<vmem>> -> memref<1x200x64xf32, #tpu.memory_space<vmem>>
      %dma_wait3A_1321 = tpu.memref_squeeze %dma_wait3A_1320 : memref<1x200x64xf32, #tpu.memory_space<vmem>> -> memref<200x64xf32, #tpu.memory_space<vmem>>
      %dma_wait3A_1322 = arith.constant 0 : i32
      %dma_wait3A_1323 = tpu.memref_slice %arg5[%dma_wait3A_1315, %dma_wait3A_1322] : memref<128x200xi32, #tpu.memory_space<vmem>> -> memref<1x200xi32, #tpu.memory_space<vmem>>
      %dma_wait3A_1324 = tpu.memref_squeeze %dma_wait3A_1323 : memref<1x200xi32, #tpu.memory_space<vmem>> -> memref<200xi32, #tpu.memory_space<vmem>>
      %dma_wait3A_1325 = arith.constant 0 : i32
      %dma_wait3A_1326 = arith.constant 0 : i32
      %dma_wait3A_1327 = tpu.memref_slice %arg3[%dma_wait3A_1325, %dma_wait3A_1326] : memref<1000000x64xf32, #tpu.memory_space<hbm>> -> memref<1000000x64xf32, #tpu.memory_space<hbm>>
      %dma_wait3A_1328 = tpu.memref_slice %arg7[%dma_wait3A_1317] : memref<8x!tpu.dma_semaphore, #tpu.memory_space<semaphore_mem>> -> memref<1x!tpu.dma_semaphore, #tpu.memory_space<semaphore_mem>>
      %dma_wait3A_1329 = tpu.memref_squeeze %dma_wait3A_1328 : memref<1x!tpu.dma_semaphore, #tpu.memory_space<semaphore_mem>> -> memref<!tpu.dma_semaphore, #tpu.memory_space<semaphore_mem>>
      tpu.wait_indirect_dma semaphore(%dma_wait3A_1329 : memref<!tpu.dma_semaphore, #tpu.memory_space<semaphore_mem>>) src(%dma_wait3A_1327 : memref<1000000x64xf32, #tpu.memory_space<hbm>>) dst(%dma_wait3A_1321 : memref<200x64xf32, #tpu.memory_space<vmem>>)
      %add3A_1330 = arith.addi %mul3A_2, %add3A_1314 : i32
      %mul3A_1331 = arith.constant 200 : i32
      %mul3A_1332 = arith.muli %add3A_1330, %mul3A_1331 : i32
      %dma_start3A_1333 = arith.constant 3 : i32
      %dma_start3A_1334 = arith.constant 3 : i32
      %dma_start3A_1335 = arith.constant 0 : i32
      %dma_start3A_1336 = arith.constant 0 : i32
      %dma_start3A_1337 = tpu.memref_slice %arg6[%dma_start3A_1333, %dma_start3A_1335, %dma_start3A_1336] : memref<8x200x64xf32, #tpu.memory_space<vmem>> -> memref<1x200x64xf32, #tpu.memory_space<vmem>>
      %dma_start3A_1338 = tpu.memref_squeeze %dma_start3A_1337 : memref<1x200x64xf32, #tpu.memory_space<vmem>> -> memref<200x64xf32, #tpu.memory_space<vmem>>
      %dma_start3A_1339 = arith.constant 0 : i32
      %dma_start3A_1340 = tpu.memref_slice %arg4[%mul3A_1332, %dma_start3A_1339] : memref<819200x64xf32, #tpu.memory_space<hbm>> -> memref<200x64xf32, #tpu.memory_space<hbm>>
      %dma_start3A_1341 = tpu.memref_slice %arg8[%dma_start3A_1334] : memref<8x!tpu.dma_semaphore, #tpu.memory_space<semaphore_mem>> -> memref<1x!tpu.dma_semaphore, #tpu.memory_space<semaphore_mem>>
      %dma_start3A_1342 = tpu.memref_squeeze %dma_start3A_1341 : memref<1x!tpu.dma_semaphore, #tpu.memory_space<semaphore_mem>> -> memref<!tpu.dma_semaphore, #tpu.memory_space<semaphore_mem>>
      %dma_start3A_1343 = arith.constant 0 : i32
      %dma_start3A_1344 = tpu.memref_slice %arg4[%mul3A_1332, %dma_start3A_1343] : memref<819200x64xf32, #tpu.memory_space<hbm>> -> memref<200x64xf32, #tpu.memory_space<hbm>>
      %dma_start3A_1345 = arith.constant 0 : i32
      %dma_start3A_1346 = arith.constant 0 : i32
      %dma_start3A_1347 = tpu.memref_slice %arg6[%dma_start3A_1333, %dma_start3A_1345, %dma_start3A_1346] : memref<8x200x64xf32, #tpu.memory_space<vmem>> -> memref<1x200x64xf32, #tpu.memory_space<vmem>>
      %dma_start3A_1348 = tpu.memref_squeeze %dma_start3A_1347 : memref<1x200x64xf32, #tpu.memory_space<vmem>> -> memref<200x64xf32, #tpu.memory_space<vmem>>
      tpu.enqueue_dma source(%dma_start3A_1348 : memref<200x64xf32, #tpu.memory_space<vmem>>) target(%dma_start3A_1344 : memref<200x64xf32, #tpu.memory_space<hbm>>) target_semaphore(%dma_start3A_1342 : memref<!tpu.dma_semaphore, #tpu.memory_space<semaphore_mem>>)
      %dma_wait3A_1349 = arith.constant 7 : i32
      %dma_wait3A_1350 = arith.constant 7 : i32
      %dma_wait3A_1351 = arith.constant 0 : i32
      %dma_wait3A_1352 = arith.constant 0 : i32
      %dma_wait3A_1353 = tpu.memref_slice %arg6[%dma_wait3A_1349, %dma_wait3A_1351, %dma_wait3A_1352] : memref<8x200x64xf32, #tpu.memory_space<vmem>> -> memref<1x200x64xf32, #tpu.memory_space<vmem>>
      %dma_wait3A_1354 = tpu.memref_squeeze %dma_wait3A_1353 : memref<1x200x64xf32, #tpu.memory_space<vmem>> -> memref<200x64xf32, #tpu.memory_space<vmem>>
      %dma_wait3A_1355 = arith.constant 0 : i32
      %dma_wait3A_1356 = arith.constant 0 : i32
      %dma_wait3A_1357 = tpu.memref_slice %arg4[%dma_wait3A_1355, %dma_wait3A_1356] : memref<819200x64xf32, #tpu.memory_space<hbm>> -> memref<200x64xf32, #tpu.memory_space<hbm>>
      %dma_wait3A_1358 = tpu.memref_slice %arg8[%dma_wait3A_1350] : memref<8x!tpu.dma_semaphore, #tpu.memory_space<semaphore_mem>> -> memref<1x!tpu.dma_semaphore, #tpu.memory_space<semaphore_mem>>
      %dma_wait3A_1359 = tpu.memref_squeeze %dma_wait3A_1358 : memref<1x!tpu.dma_semaphore, #tpu.memory_space<semaphore_mem>> -> memref<!tpu.dma_semaphore, #tpu.memory_space<semaphore_mem>>
      %dma_wait3A_1360 = arith.constant 0 : i32
      %dma_wait3A_1361 = arith.constant 0 : i32
      %dma_wait3A_1362 = tpu.memref_slice %arg4[%dma_wait3A_1360, %dma_wait3A_1361] : memref<819200x64xf32, #tpu.memory_space<hbm>> -> memref<200x64xf32, #tpu.memory_space<hbm>>
      %dma_wait3A_1363 = arith.constant 0 : i32
      %dma_wait3A_1364 = arith.constant 0 : i32
      %dma_wait3A_1365 = tpu.memref_slice %arg6[%dma_wait3A_1349, %dma_wait3A_1363, %dma_wait3A_1364] : memref<8x200x64xf32, #tpu.memory_space<vmem>> -> memref<1x200x64xf32, #tpu.memory_space<vmem>>
      %dma_wait3A_1366 = tpu.memref_squeeze %dma_wait3A_1365 : memref<1x200x64xf32, #tpu.memory_space<vmem>> -> memref<200x64xf32, #tpu.memory_space<vmem>>
      tpu.wait_dma2 semaphore(%dma_wait3A_1359 : memref<!tpu.dma_semaphore, #tpu.memory_space<semaphore_mem>>) src(%dma_wait3A_1366 : memref<200x64xf32, #tpu.memory_space<vmem>>) dst(%dma_wait3A_1362 : memref<200x64xf32, #tpu.memory_space<hbm>>)
      %add3A_1367 = arith.constant 4 : i32
      %add3A_1368 = arith.addi %add3A_1314, %add3A_1367 : i32
      %dma_start3A_1369 = arith.constant 7 : i32
      %dma_start3A_1370 = arith.constant 7 : i32
      %dma_start3A_1371 = arith.constant 0 : i32
      %dma_start3A_1372 = arith.constant 0 : i32
      %dma_start3A_1373 = tpu.memref_slice %arg6[%dma_start3A_1369, %dma_start3A_1371, %dma_start3A_1372] : memref<8x200x64xf32, #tpu.memory_space<vmem>> -> memref<1x200x64xf32, #tpu.memory_space<vmem>>
      %dma_start3A_1374 = tpu.memref_squeeze %dma_start3A_1373 : memref<1x200x64xf32, #tpu.memory_space<vmem>> -> memref<200x64xf32, #tpu.memory_space<vmem>>
      %dma_start3A_1375 = arith.constant 0 : i32
      %dma_start3A_1376 = tpu.memref_slice %arg5[%add3A_1368, %dma_start3A_1375] : memref<128x200xi32, #tpu.memory_space<vmem>> -> memref<1x200xi32, #tpu.memory_space<vmem>>
      %dma_start3A_1377 = tpu.memref_squeeze %dma_start3A_1376 : memref<1x200xi32, #tpu.memory_space<vmem>> -> memref<200xi32, #tpu.memory_space<vmem>>
      %dma_start3A_1378 = arith.constant 0 : i32
      %dma_start3A_1379 = arith.constant 0 : i32
      %dma_start3A_1380 = tpu.memref_slice %arg3[%dma_start3A_1378, %dma_start3A_1379] : memref<1000000x64xf32, #tpu.memory_space<hbm>> -> memref<1000000x64xf32, #tpu.memory_space<hbm>>
      %dma_start3A_1381 = tpu.memref_slice %arg7[%dma_start3A_1370] : memref<8x!tpu.dma_semaphore, #tpu.memory_space<semaphore_mem>> -> memref<1x!tpu.dma_semaphore, #tpu.memory_space<semaphore_mem>>
      %dma_start3A_1382 = tpu.memref_squeeze %dma_start3A_1381 : memref<1x!tpu.dma_semaphore, #tpu.memory_space<semaphore_mem>> -> memref<!tpu.dma_semaphore, #tpu.memory_space<semaphore_mem>>
      tpu.enqueue_indirect_dma source(%dma_start3A_1380 : memref<1000000x64xf32, #tpu.memory_space<hbm>>) target(%dma_start3A_1374 : memref<200x64xf32, #tpu.memory_space<vmem>>) offsets(%dma_start3A_1377 : memref<200xi32, #tpu.memory_space<vmem>>) semaphore(%dma_start3A_1382 : memref<!tpu.dma_semaphore, #tpu.memory_space<semaphore_mem>>)
      %mul3A_1383 = arith.constant 8 : i32
      %mul3A_1384 = arith.muli %scan3A_1094, %mul3A_1383 : i32
      %add3A_1385 = arith.constant 4 : i32
      %add3A_1386 = arith.addi %mul3A_1384, %add3A_1385 : i32
      %dma_wait3A_1387 = arith.constant 0 : i32
      %dma_wait3A_1388 = arith.constant 4 : i32
      %dma_wait3A_1389 = arith.constant 4 : i32
      %dma_wait3A_1390 = arith.constant 0 : i32
      %dma_wait3A_1391 = arith.constant 0 : i32
      %dma_wait3A_1392 = tpu.memref_slice %arg6[%dma_wait3A_1388, %dma_wait3A_1390, %dma_wait3A_1391] : memref<8x200x64xf32, #tpu.memory_space<vmem>> -> memref<1x200x64xf32, #tpu.memory_space<vmem>>
      %dma_wait3A_1393 = tpu.memref_squeeze %dma_wait3A_1392 : memref<1x200x64xf32, #tpu.memory_space<vmem>> -> memref<200x64xf32, #tpu.memory_space<vmem>>
      %dma_wait3A_1394 = arith.constant 0 : i32
      %dma_wait3A_1395 = tpu.memref_slice %arg5[%dma_wait3A_1387, %dma_wait3A_1394] : memref<128x200xi32, #tpu.memory_space<vmem>> -> memref<1x200xi32, #tpu.memory_space<vmem>>
      %dma_wait3A_1396 = tpu.memref_squeeze %dma_wait3A_1395 : memref<1x200xi32, #tpu.memory_space<vmem>> -> memref<200xi32, #tpu.memory_space<vmem>>
      %dma_wait3A_1397 = arith.constant 0 : i32
      %dma_wait3A_1398 = arith.constant 0 : i32
      %dma_wait3A_1399 = tpu.memref_slice %arg3[%dma_wait3A_1397, %dma_wait3A_1398] : memref<1000000x64xf32, #tpu.memory_space<hbm>> -> memref<1000000x64xf32, #tpu.memory_space<hbm>>
      %dma_wait3A_1400 = tpu.memref_slice %arg7[%dma_wait3A_1389] : memref<8x!tpu.dma_semaphore, #tpu.memory_space<semaphore_mem>> -> memref<1x!tpu.dma_semaphore, #tpu.memory_space<semaphore_mem>>
      %dma_wait3A_1401 = tpu.memref_squeeze %dma_wait3A_1400 : memref<1x!tpu.dma_semaphore, #tpu.memory_space<semaphore_mem>> -> memref<!tpu.dma_semaphore, #tpu.memory_space<semaphore_mem>>
      tpu.wait_indirect_dma semaphore(%dma_wait3A_1401 : memref<!tpu.dma_semaphore, #tpu.memory_space<semaphore_mem>>) src(%dma_wait3A_1399 : memref<1000000x64xf32, #tpu.memory_space<hbm>>) dst(%dma_wait3A_1393 : memref<200x64xf32, #tpu.memory_space<vmem>>)
      %add3A_1402 = arith.addi %mul3A_2, %add3A_1386 : i32
      %mul3A_1403 = arith.constant 200 : i32
      %mul3A_1404 = arith.muli %add3A_1402, %mul3A_1403 : i32
      %dma_start3A_1405 = arith.constant 4 : i32
      %dma_start3A_1406 = arith.constant 4 : i32
      %dma_start3A_1407 = arith.constant 0 : i32
      %dma_start3A_1408 = arith.constant 0 : i32
      %dma_start3A_1409 = tpu.memref_slice %arg6[%dma_start3A_1405, %dma_start3A_1407, %dma_start3A_1408] : memref<8x200x64xf32, #tpu.memory_space<vmem>> -> memref<1x200x64xf32, #tpu.memory_space<vmem>>
      %dma_start3A_1410 = tpu.memref_squeeze %dma_start3A_1409 : memref<1x200x64xf32, #tpu.memory_space<vmem>> -> memref<200x64xf32, #tpu.memory_space<vmem>>
      %dma_start3A_1411 = arith.constant 0 : i32
      %dma_start3A_1412 = tpu.memref_slice %arg4[%mul3A_1404, %dma_start3A_1411] : memref<819200x64xf32, #tpu.memory_space<hbm>> -> memref<200x64xf32, #tpu.memory_space<hbm>>
      %dma_start3A_1413 = tpu.memref_slice %arg8[%dma_start3A_1406] : memref<8x!tpu.dma_semaphore, #tpu.memory_space<semaphore_mem>> -> memref<1x!tpu.dma_semaphore, #tpu.memory_space<semaphore_mem>>
      %dma_start3A_1414 = tpu.memref_squeeze %dma_start3A_1413 : memref<1x!tpu.dma_semaphore, #tpu.memory_space<semaphore_mem>> -> memref<!tpu.dma_semaphore, #tpu.memory_space<semaphore_mem>>
      %dma_start3A_1415 = arith.constant 0 : i32
      %dma_start3A_1416 = tpu.memref_slice %arg4[%mul3A_1404, %dma_start3A_1415] : memref<819200x64xf32, #tpu.memory_space<hbm>> -> memref<200x64xf32, #tpu.memory_space<hbm>>
      %dma_start3A_1417 = arith.constant 0 : i32
      %dma_start3A_1418 = arith.constant 0 : i32
      %dma_start3A_1419 = tpu.memref_slice %arg6[%dma_start3A_1405, %dma_start3A_1417, %dma_start3A_1418] : memref<8x200x64xf32, #tpu.memory_space<vmem>> -> memref<1x200x64xf32, #tpu.memory_space<vmem>>
      %dma_start3A_1420 = tpu.memref_squeeze %dma_start3A_1419 : memref<1x200x64xf32, #tpu.memory_space<vmem>> -> memref<200x64xf32, #tpu.memory_space<vmem>>
      tpu.enqueue_dma source(%dma_start3A_1420 : memref<200x64xf32, #tpu.memory_space<vmem>>) target(%dma_start3A_1416 : memref<200x64xf32, #tpu.memory_space<hbm>>) target_semaphore(%dma_start3A_1414 : memref<!tpu.dma_semaphore, #tpu.memory_space<semaphore_mem>>)
      %dma_wait3A_1421 = arith.constant 0 : i32
      %dma_wait3A_1422 = arith.constant 0 : i32
      %dma_wait3A_1423 = arith.constant 0 : i32
      %dma_wait3A_1424 = arith.constant 0 : i32
      %dma_wait3A_1425 = tpu.memref_slice %arg6[%dma_wait3A_1421, %dma_wait3A_1423, %dma_wait3A_1424] : memref<8x200x64xf32, #tpu.memory_space<vmem>> -> memref<1x200x64xf32, #tpu.memory_space<vmem>>
      %dma_wait3A_1426 = tpu.memref_squeeze %dma_wait3A_1425 : memref<1x200x64xf32, #tpu.memory_space<vmem>> -> memref<200x64xf32, #tpu.memory_space<vmem>>
      %dma_wait3A_1427 = arith.constant 0 : i32
      %dma_wait3A_1428 = arith.constant 0 : i32
      %dma_wait3A_1429 = tpu.memref_slice %arg4[%dma_wait3A_1427, %dma_wait3A_1428] : memref<819200x64xf32, #tpu.memory_space<hbm>> -> memref<200x64xf32, #tpu.memory_space<hbm>>
      %dma_wait3A_1430 = tpu.memref_slice %arg8[%dma_wait3A_1422] : memref<8x!tpu.dma_semaphore, #tpu.memory_space<semaphore_mem>> -> memref<1x!tpu.dma_semaphore, #tpu.memory_space<semaphore_mem>>
      %dma_wait3A_1431 = tpu.memref_squeeze %dma_wait3A_1430 : memref<1x!tpu.dma_semaphore, #tpu.memory_space<semaphore_mem>> -> memref<!tpu.dma_semaphore, #tpu.memory_space<semaphore_mem>>
      %dma_wait3A_1432 = arith.constant 0 : i32
      %dma_wait3A_1433 = arith.constant 0 : i32
      %dma_wait3A_1434 = tpu.memref_slice %arg4[%dma_wait3A_1432, %dma_wait3A_1433] : memref<819200x64xf32, #tpu.memory_space<hbm>> -> memref<200x64xf32, #tpu.memory_space<hbm>>
      %dma_wait3A_1435 = arith.constant 0 : i32
      %dma_wait3A_1436 = arith.constant 0 : i32
      %dma_wait3A_1437 = tpu.memref_slice %arg6[%dma_wait3A_1421, %dma_wait3A_1435, %dma_wait3A_1436] : memref<8x200x64xf32, #tpu.memory_space<vmem>> -> memref<1x200x64xf32, #tpu.memory_space<vmem>>
      %dma_wait3A_1438 = tpu.memref_squeeze %dma_wait3A_1437 : memref<1x200x64xf32, #tpu.memory_space<vmem>> -> memref<200x64xf32, #tpu.memory_space<vmem>>
      tpu.wait_dma2 semaphore(%dma_wait3A_1431 : memref<!tpu.dma_semaphore, #tpu.memory_space<semaphore_mem>>) src(%dma_wait3A_1438 : memref<200x64xf32, #tpu.memory_space<vmem>>) dst(%dma_wait3A_1434 : memref<200x64xf32, #tpu.memory_space<hbm>>)
      %add3A_1439 = arith.constant 4 : i32
      %add3A_1440 = arith.addi %add3A_1386, %add3A_1439 : i32
      %dma_start3A_1441 = arith.constant 0 : i32
      %dma_start3A_1442 = arith.constant 0 : i32
      %dma_start3A_1443 = arith.constant 0 : i32
      %dma_start3A_1444 = arith.constant 0 : i32
      %dma_start3A_1445 = tpu.memref_slice %arg6[%dma_start3A_1441, %dma_start3A_1443, %dma_start3A_1444] : memref<8x200x64xf32, #tpu.memory_space<vmem>> -> memref<1x200x64xf32, #tpu.memory_space<vmem>>
      %dma_start3A_1446 = tpu.memref_squeeze %dma_start3A_1445 : memref<1x200x64xf32, #tpu.memory_space<vmem>> -> memref<200x64xf32, #tpu.memory_space<vmem>>
      %dma_start3A_1447 = arith.constant 0 : i32
      %dma_start3A_1448 = tpu.memref_slice %arg5[%add3A_1440, %dma_start3A_1447] : memref<128x200xi32, #tpu.memory_space<vmem>> -> memref<1x200xi32, #tpu.memory_space<vmem>>
      %dma_start3A_1449 = tpu.memref_squeeze %dma_start3A_1448 : memref<1x200xi32, #tpu.memory_space<vmem>> -> memref<200xi32, #tpu.memory_space<vmem>>
      %dma_start3A_1450 = arith.constant 0 : i32
      %dma_start3A_1451 = arith.constant 0 : i32
      %dma_start3A_1452 = tpu.memref_slice %arg3[%dma_start3A_1450, %dma_start3A_1451] : memref<1000000x64xf32, #tpu.memory_space<hbm>> -> memref<1000000x64xf32, #tpu.memory_space<hbm>>
      %dma_start3A_1453 = tpu.memref_slice %arg7[%dma_start3A_1442] : memref<8x!tpu.dma_semaphore, #tpu.memory_space<semaphore_mem>> -> memref<1x!tpu.dma_semaphore, #tpu.memory_space<semaphore_mem>>
      %dma_start3A_1454 = tpu.memref_squeeze %dma_start3A_1453 : memref<1x!tpu.dma_semaphore, #tpu.memory_space<semaphore_mem>> -> memref<!tpu.dma_semaphore, #tpu.memory_space<semaphore_mem>>
      tpu.enqueue_indirect_dma source(%dma_start3A_1452 : memref<1000000x64xf32, #tpu.memory_space<hbm>>) target(%dma_start3A_1446 : memref<200x64xf32, #tpu.memory_space<vmem>>) offsets(%dma_start3A_1449 : memref<200xi32, #tpu.memory_space<vmem>>) semaphore(%dma_start3A_1454 : memref<!tpu.dma_semaphore, #tpu.memory_space<semaphore_mem>>)
      %mul3A_1455 = arith.constant 8 : i32
      %mul3A_1456 = arith.muli %scan3A_1094, %mul3A_1455 : i32
      %add3A_1457 = arith.constant 5 : i32
      %add3A_1458 = arith.addi %mul3A_1456, %add3A_1457 : i32
      %dma_wait3A_1459 = arith.constant 0 : i32
      %dma_wait3A_1460 = arith.constant 5 : i32
      %dma_wait3A_1461 = arith.constant 5 : i32
      %dma_wait3A_1462 = arith.constant 0 : i32
      %dma_wait3A_1463 = arith.constant 0 : i32
      %dma_wait3A_1464 = tpu.memref_slice %arg6[%dma_wait3A_1460, %dma_wait3A_1462, %dma_wait3A_1463] : memref<8x200x64xf32, #tpu.memory_space<vmem>> -> memref<1x200x64xf32, #tpu.memory_space<vmem>>
      %dma_wait3A_1465 = tpu.memref_squeeze %dma_wait3A_1464 : memref<1x200x64xf32, #tpu.memory_space<vmem>> -> memref<200x64xf32, #tpu.memory_space<vmem>>
      %dma_wait3A_1466 = arith.constant 0 : i32
      %dma_wait3A_1467 = tpu.memref_slice %arg5[%dma_wait3A_1459, %dma_wait3A_1466] : memref<128x200xi32, #tpu.memory_space<vmem>> -> memref<1x200xi32, #tpu.memory_space<vmem>>
      %dma_wait3A_1468 = tpu.memref_squeeze %dma_wait3A_1467 : memref<1x200xi32, #tpu.memory_space<vmem>> -> memref<200xi32, #tpu.memory_space<vmem>>
      %dma_wait3A_1469 = arith.constant 0 : i32
      %dma_wait3A_1470 = arith.constant 0 : i32
      %dma_wait3A_1471 = tpu.memref_slice %arg3[%dma_wait3A_1469, %dma_wait3A_1470] : memref<1000000x64xf32, #tpu.memory_space<hbm>> -> memref<1000000x64xf32, #tpu.memory_space<hbm>>
      %dma_wait3A_1472 = tpu.memref_slice %arg7[%dma_wait3A_1461] : memref<8x!tpu.dma_semaphore, #tpu.memory_space<semaphore_mem>> -> memref<1x!tpu.dma_semaphore, #tpu.memory_space<semaphore_mem>>
      %dma_wait3A_1473 = tpu.memref_squeeze %dma_wait3A_1472 : memref<1x!tpu.dma_semaphore, #tpu.memory_space<semaphore_mem>> -> memref<!tpu.dma_semaphore, #tpu.memory_space<semaphore_mem>>
      tpu.wait_indirect_dma semaphore(%dma_wait3A_1473 : memref<!tpu.dma_semaphore, #tpu.memory_space<semaphore_mem>>) src(%dma_wait3A_1471 : memref<1000000x64xf32, #tpu.memory_space<hbm>>) dst(%dma_wait3A_1465 : memref<200x64xf32, #tpu.memory_space<vmem>>)
      %add3A_1474 = arith.addi %mul3A_2, %add3A_1458 : i32
      %mul3A_1475 = arith.constant 200 : i32
      %mul3A_1476 = arith.muli %add3A_1474, %mul3A_1475 : i32
      %dma_start3A_1477 = arith.constant 5 : i32
      %dma_start3A_1478 = arith.constant 5 : i32
      %dma_start3A_1479 = arith.constant 0 : i32
      %dma_start3A_1480 = arith.constant 0 : i32
      %dma_start3A_1481 = tpu.memref_slice %arg6[%dma_start3A_1477, %dma_start3A_1479, %dma_start3A_1480] : memref<8x200x64xf32, #tpu.memory_space<vmem>> -> memref<1x200x64xf32, #tpu.memory_space<vmem>>
      %dma_start3A_1482 = tpu.memref_squeeze %dma_start3A_1481 : memref<1x200x64xf32, #tpu.memory_space<vmem>> -> memref<200x64xf32, #tpu.memory_space<vmem>>
      %dma_start3A_1483 = arith.constant 0 : i32
      %dma_start3A_1484 = tpu.memref_slice %arg4[%mul3A_1476, %dma_start3A_1483] : memref<819200x64xf32, #tpu.memory_space<hbm>> -> memref<200x64xf32, #tpu.memory_space<hbm>>
      %dma_start3A_1485 = tpu.memref_slice %arg8[%dma_start3A_1478] : memref<8x!tpu.dma_semaphore, #tpu.memory_space<semaphore_mem>> -> memref<1x!tpu.dma_semaphore, #tpu.memory_space<semaphore_mem>>
      %dma_start3A_1486 = tpu.memref_squeeze %dma_start3A_1485 : memref<1x!tpu.dma_semaphore, #tpu.memory_space<semaphore_mem>> -> memref<!tpu.dma_semaphore, #tpu.memory_space<semaphore_mem>>
      %dma_start3A_1487 = arith.constant 0 : i32
      %dma_start3A_1488 = tpu.memref_slice %arg4[%mul3A_1476, %dma_start3A_1487] : memref<819200x64xf32, #tpu.memory_space<hbm>> -> memref<200x64xf32, #tpu.memory_space<hbm>>
      %dma_start3A_1489 = arith.constant 0 : i32
      %dma_start3A_1490 = arith.constant 0 : i32
      %dma_start3A_1491 = tpu.memref_slice %arg6[%dma_start3A_1477, %dma_start3A_1489, %dma_start3A_1490] : memref<8x200x64xf32, #tpu.memory_space<vmem>> -> memref<1x200x64xf32, #tpu.memory_space<vmem>>
      %dma_start3A_1492 = tpu.memref_squeeze %dma_start3A_1491 : memref<1x200x64xf32, #tpu.memory_space<vmem>> -> memref<200x64xf32, #tpu.memory_space<vmem>>
      tpu.enqueue_dma source(%dma_start3A_1492 : memref<200x64xf32, #tpu.memory_space<vmem>>) target(%dma_start3A_1488 : memref<200x64xf32, #tpu.memory_space<hbm>>) target_semaphore(%dma_start3A_1486 : memref<!tpu.dma_semaphore, #tpu.memory_space<semaphore_mem>>)
      %dma_wait3A_1493 = arith.constant 1 : i32
      %dma_wait3A_1494 = arith.constant 1 : i32
      %dma_wait3A_1495 = arith.constant 0 : i32
      %dma_wait3A_1496 = arith.constant 0 : i32
      %dma_wait3A_1497 = tpu.memref_slice %arg6[%dma_wait3A_1493, %dma_wait3A_1495, %dma_wait3A_1496] : memref<8x200x64xf32, #tpu.memory_space<vmem>> -> memref<1x200x64xf32, #tpu.memory_space<vmem>>
      %dma_wait3A_1498 = tpu.memref_squeeze %dma_wait3A_1497 : memref<1x200x64xf32, #tpu.memory_space<vmem>> -> memref<200x64xf32, #tpu.memory_space<vmem>>
      %dma_wait3A_1499 = arith.constant 0 : i32
      %dma_wait3A_1500 = arith.constant 0 : i32
      %dma_wait3A_1501 = tpu.memref_slice %arg4[%dma_wait3A_1499, %dma_wait3A_1500] : memref<819200x64xf32, #tpu.memory_space<hbm>> -> memref<200x64xf32, #tpu.memory_space<hbm>>
      %dma_wait3A_1502 = tpu.memref_slice %arg8[%dma_wait3A_1494] : memref<8x!tpu.dma_semaphore, #tpu.memory_space<semaphore_mem>> -> memref<1x!tpu.dma_semaphore, #tpu.memory_space<semaphore_mem>>
      %dma_wait3A_1503 = tpu.memref_squeeze %dma_wait3A_1502 : memref<1x!tpu.dma_semaphore, #tpu.memory_space<semaphore_mem>> -> memref<!tpu.dma_semaphore, #tpu.memory_space<semaphore_mem>>
      %dma_wait3A_1504 = arith.constant 0 : i32
      %dma_wait3A_1505 = arith.constant 0 : i32
      %dma_wait3A_1506 = tpu.memref_slice %arg4[%dma_wait3A_1504, %dma_wait3A_1505] : memref<819200x64xf32, #tpu.memory_space<hbm>> -> memref<200x64xf32, #tpu.memory_space<hbm>>
      %dma_wait3A_1507 = arith.constant 0 : i32
      %dma_wait3A_1508 = arith.constant 0 : i32
      %dma_wait3A_1509 = tpu.memref_slice %arg6[%dma_wait3A_1493, %dma_wait3A_1507, %dma_wait3A_1508] : memref<8x200x64xf32, #tpu.memory_space<vmem>> -> memref<1x200x64xf32, #tpu.memory_space<vmem>>
      %dma_wait3A_1510 = tpu.memref_squeeze %dma_wait3A_1509 : memref<1x200x64xf32, #tpu.memory_space<vmem>> -> memref<200x64xf32, #tpu.memory_space<vmem>>
      tpu.wait_dma2 semaphore(%dma_wait3A_1503 : memref<!tpu.dma_semaphore, #tpu.memory_space<semaphore_mem>>) src(%dma_wait3A_1510 : memref<200x64xf32, #tpu.memory_space<vmem>>) dst(%dma_wait3A_1506 : memref<200x64xf32, #tpu.memory_space<hbm>>)
      %add3A_1511 = arith.constant 4 : i32
      %add3A_1512 = arith.addi %add3A_1458, %add3A_1511 : i32
      %dma_start3A_1513 = arith.constant 1 : i32
      %dma_start3A_1514 = arith.constant 1 : i32
      %dma_start3A_1515 = arith.constant 0 : i32
      %dma_start3A_1516 = arith.constant 0 : i32
      %dma_start3A_1517 = tpu.memref_slice %arg6[%dma_start3A_1513, %dma_start3A_1515, %dma_start3A_1516] : memref<8x200x64xf32, #tpu.memory_space<vmem>> -> memref<1x200x64xf32, #tpu.memory_space<vmem>>
      %dma_start3A_1518 = tpu.memref_squeeze %dma_start3A_1517 : memref<1x200x64xf32, #tpu.memory_space<vmem>> -> memref<200x64xf32, #tpu.memory_space<vmem>>
      %dma_start3A_1519 = arith.constant 0 : i32
      %dma_start3A_1520 = tpu.memref_slice %arg5[%add3A_1512, %dma_start3A_1519] : memref<128x200xi32, #tpu.memory_space<vmem>> -> memref<1x200xi32, #tpu.memory_space<vmem>>
      %dma_start3A_1521 = tpu.memref_squeeze %dma_start3A_1520 : memref<1x200xi32, #tpu.memory_space<vmem>> -> memref<200xi32, #tpu.memory_space<vmem>>
      %dma_start3A_1522 = arith.constant 0 : i32
      %dma_start3A_1523 = arith.constant 0 : i32
      %dma_start3A_1524 = tpu.memref_slice %arg3[%dma_start3A_1522, %dma_start3A_1523] : memref<1000000x64xf32, #tpu.memory_space<hbm>> -> memref<1000000x64xf32, #tpu.memory_space<hbm>>
      %dma_start3A_1525 = tpu.memref_slice %arg7[%dma_start3A_1514] : memref<8x!tpu.dma_semaphore, #tpu.memory_space<semaphore_mem>> -> memref<1x!tpu.dma_semaphore, #tpu.memory_space<semaphore_mem>>
      %dma_start3A_1526 = tpu.memref_squeeze %dma_start3A_1525 : memref<1x!tpu.dma_semaphore, #tpu.memory_space<semaphore_mem>> -> memref<!tpu.dma_semaphore, #tpu.memory_space<semaphore_mem>>
      tpu.enqueue_indirect_dma source(%dma_start3A_1524 : memref<1000000x64xf32, #tpu.memory_space<hbm>>) target(%dma_start3A_1518 : memref<200x64xf32, #tpu.memory_space<vmem>>) offsets(%dma_start3A_1521 : memref<200xi32, #tpu.memory_space<vmem>>) semaphore(%dma_start3A_1526 : memref<!tpu.dma_semaphore, #tpu.memory_space<semaphore_mem>>)
      %mul3A_1527 = arith.constant 8 : i32
      %mul3A_1528 = arith.muli %scan3A_1094, %mul3A_1527 : i32
      %add3A_1529 = arith.constant 6 : i32
      %add3A_1530 = arith.addi %mul3A_1528, %add3A_1529 : i32
      %dma_wait3A_1531 = arith.constant 0 : i32
      %dma_wait3A_1532 = arith.constant 6 : i32
      %dma_wait3A_1533 = arith.constant 6 : i32
      %dma_wait3A_1534 = arith.constant 0 : i32
      %dma_wait3A_1535 = arith.constant 0 : i32
      %dma_wait3A_1536 = tpu.memref_slice %arg6[%dma_wait3A_1532, %dma_wait3A_1534, %dma_wait3A_1535] : memref<8x200x64xf32, #tpu.memory_space<vmem>> -> memref<1x200x64xf32, #tpu.memory_space<vmem>>
      %dma_wait3A_1537 = tpu.memref_squeeze %dma_wait3A_1536 : memref<1x200x64xf32, #tpu.memory_space<vmem>> -> memref<200x64xf32, #tpu.memory_space<vmem>>
      %dma_wait3A_1538 = arith.constant 0 : i32
      %dma_wait3A_1539 = tpu.memref_slice %arg5[%dma_wait3A_1531, %dma_wait3A_1538] : memref<128x200xi32, #tpu.memory_space<vmem>> -> memref<1x200xi32, #tpu.memory_space<vmem>>
      %dma_wait3A_1540 = tpu.memref_squeeze %dma_wait3A_1539 : memref<1x200xi32, #tpu.memory_space<vmem>> -> memref<200xi32, #tpu.memory_space<vmem>>
      %dma_wait3A_1541 = arith.constant 0 : i32
      %dma_wait3A_1542 = arith.constant 0 : i32
      %dma_wait3A_1543 = tpu.memref_slice %arg3[%dma_wait3A_1541, %dma_wait3A_1542] : memref<1000000x64xf32, #tpu.memory_space<hbm>> -> memref<1000000x64xf32, #tpu.memory_space<hbm>>
      %dma_wait3A_1544 = tpu.memref_slice %arg7[%dma_wait3A_1533] : memref<8x!tpu.dma_semaphore, #tpu.memory_space<semaphore_mem>> -> memref<1x!tpu.dma_semaphore, #tpu.memory_space<semaphore_mem>>
      %dma_wait3A_1545 = tpu.memref_squeeze %dma_wait3A_1544 : memref<1x!tpu.dma_semaphore, #tpu.memory_space<semaphore_mem>> -> memref<!tpu.dma_semaphore, #tpu.memory_space<semaphore_mem>>
      tpu.wait_indirect_dma semaphore(%dma_wait3A_1545 : memref<!tpu.dma_semaphore, #tpu.memory_space<semaphore_mem>>) src(%dma_wait3A_1543 : memref<1000000x64xf32, #tpu.memory_space<hbm>>) dst(%dma_wait3A_1537 : memref<200x64xf32, #tpu.memory_space<vmem>>)
      %add3A_1546 = arith.addi %mul3A_2, %add3A_1530 : i32
      %mul3A_1547 = arith.constant 200 : i32
      %mul3A_1548 = arith.muli %add3A_1546, %mul3A_1547 : i32
      %dma_start3A_1549 = arith.constant 6 : i32
      %dma_start3A_1550 = arith.constant 6 : i32
      %dma_start3A_1551 = arith.constant 0 : i32
      %dma_start3A_1552 = arith.constant 0 : i32
      %dma_start3A_1553 = tpu.memref_slice %arg6[%dma_start3A_1549, %dma_start3A_1551, %dma_start3A_1552] : memref<8x200x64xf32, #tpu.memory_space<vmem>> -> memref<1x200x64xf32, #tpu.memory_space<vmem>>
      %dma_start3A_1554 = tpu.memref_squeeze %dma_start3A_1553 : memref<1x200x64xf32, #tpu.memory_space<vmem>> -> memref<200x64xf32, #tpu.memory_space<vmem>>
      %dma_start3A_1555 = arith.constant 0 : i32
      %dma_start3A_1556 = tpu.memref_slice %arg4[%mul3A_1548, %dma_start3A_1555] : memref<819200x64xf32, #tpu.memory_space<hbm>> -> memref<200x64xf32, #tpu.memory_space<hbm>>
      %dma_start3A_1557 = tpu.memref_slice %arg8[%dma_start3A_1550] : memref<8x!tpu.dma_semaphore, #tpu.memory_space<semaphore_mem>> -> memref<1x!tpu.dma_semaphore, #tpu.memory_space<semaphore_mem>>
      %dma_start3A_1558 = tpu.memref_squeeze %dma_start3A_1557 : memref<1x!tpu.dma_semaphore, #tpu.memory_space<semaphore_mem>> -> memref<!tpu.dma_semaphore, #tpu.memory_space<semaphore_mem>>
      %dma_start3A_1559 = arith.constant 0 : i32
      %dma_start3A_1560 = tpu.memref_slice %arg4[%mul3A_1548, %dma_start3A_1559] : memref<819200x64xf32, #tpu.memory_space<hbm>> -> memref<200x64xf32, #tpu.memory_space<hbm>>
      %dma_start3A_1561 = arith.constant 0 : i32
      %dma_start3A_1562 = arith.constant 0 : i32
      %dma_start3A_1563 = tpu.memref_slice %arg6[%dma_start3A_1549, %dma_start3A_1561, %dma_start3A_1562] : memref<8x200x64xf32, #tpu.memory_space<vmem>> -> memref<1x200x64xf32, #tpu.memory_space<vmem>>
      %dma_start3A_1564 = tpu.memref_squeeze %dma_start3A_1563 : memref<1x200x64xf32, #tpu.memory_space<vmem>> -> memref<200x64xf32, #tpu.memory_space<vmem>>
      tpu.enqueue_dma source(%dma_start3A_1564 : memref<200x64xf32, #tpu.memory_space<vmem>>) target(%dma_start3A_1560 : memref<200x64xf32, #tpu.memory_space<hbm>>) target_semaphore(%dma_start3A_1558 : memref<!tpu.dma_semaphore, #tpu.memory_space<semaphore_mem>>)
      %dma_wait3A_1565 = arith.constant 2 : i32
      %dma_wait3A_1566 = arith.constant 2 : i32
      %dma_wait3A_1567 = arith.constant 0 : i32
      %dma_wait3A_1568 = arith.constant 0 : i32
      %dma_wait3A_1569 = tpu.memref_slice %arg6[%dma_wait3A_1565, %dma_wait3A_1567, %dma_wait3A_1568] : memref<8x200x64xf32, #tpu.memory_space<vmem>> -> memref<1x200x64xf32, #tpu.memory_space<vmem>>
      %dma_wait3A_1570 = tpu.memref_squeeze %dma_wait3A_1569 : memref<1x200x64xf32, #tpu.memory_space<vmem>> -> memref<200x64xf32, #tpu.memory_space<vmem>>
      %dma_wait3A_1571 = arith.constant 0 : i32
      %dma_wait3A_1572 = arith.constant 0 : i32
      %dma_wait3A_1573 = tpu.memref_slice %arg4[%dma_wait3A_1571, %dma_wait3A_1572] : memref<819200x64xf32, #tpu.memory_space<hbm>> -> memref<200x64xf32, #tpu.memory_space<hbm>>
      %dma_wait3A_1574 = tpu.memref_slice %arg8[%dma_wait3A_1566] : memref<8x!tpu.dma_semaphore, #tpu.memory_space<semaphore_mem>> -> memref<1x!tpu.dma_semaphore, #tpu.memory_space<semaphore_mem>>
      %dma_wait3A_1575 = tpu.memref_squeeze %dma_wait3A_1574 : memref<1x!tpu.dma_semaphore, #tpu.memory_space<semaphore_mem>> -> memref<!tpu.dma_semaphore, #tpu.memory_space<semaphore_mem>>
      %dma_wait3A_1576 = arith.constant 0 : i32
      %dma_wait3A_1577 = arith.constant 0 : i32
      %dma_wait3A_1578 = tpu.memref_slice %arg4[%dma_wait3A_1576, %dma_wait3A_1577] : memref<819200x64xf32, #tpu.memory_space<hbm>> -> memref<200x64xf32, #tpu.memory_space<hbm>>
      %dma_wait3A_1579 = arith.constant 0 : i32
      %dma_wait3A_1580 = arith.constant 0 : i32
      %dma_wait3A_1581 = tpu.memref_slice %arg6[%dma_wait3A_1565, %dma_wait3A_1579, %dma_wait3A_1580] : memref<8x200x64xf32, #tpu.memory_space<vmem>> -> memref<1x200x64xf32, #tpu.memory_space<vmem>>
      %dma_wait3A_1582 = tpu.memref_squeeze %dma_wait3A_1581 : memref<1x200x64xf32, #tpu.memory_space<vmem>> -> memref<200x64xf32, #tpu.memory_space<vmem>>
      tpu.wait_dma2 semaphore(%dma_wait3A_1575 : memref<!tpu.dma_semaphore, #tpu.memory_space<semaphore_mem>>) src(%dma_wait3A_1582 : memref<200x64xf32, #tpu.memory_space<vmem>>) dst(%dma_wait3A_1578 : memref<200x64xf32, #tpu.memory_space<hbm>>)
      %add3A_1583 = arith.constant 4 : i32
      %add3A_1584 = arith.addi %add3A_1530, %add3A_1583 : i32
      %dma_start3A_1585 = arith.constant 2 : i32
      %dma_start3A_1586 = arith.constant 2 : i32
      %dma_start3A_1587 = arith.constant 0 : i32
      %dma_start3A_1588 = arith.constant 0 : i32
      %dma_start3A_1589 = tpu.memref_slice %arg6[%dma_start3A_1585, %dma_start3A_1587, %dma_start3A_1588] : memref<8x200x64xf32, #tpu.memory_space<vmem>> -> memref<1x200x64xf32, #tpu.memory_space<vmem>>
      %dma_start3A_1590 = tpu.memref_squeeze %dma_start3A_1589 : memref<1x200x64xf32, #tpu.memory_space<vmem>> -> memref<200x64xf32, #tpu.memory_space<vmem>>
      %dma_start3A_1591 = arith.constant 0 : i32
      %dma_start3A_1592 = tpu.memref_slice %arg5[%add3A_1584, %dma_start3A_1591] : memref<128x200xi32, #tpu.memory_space<vmem>> -> memref<1x200xi32, #tpu.memory_space<vmem>>
      %dma_start3A_1593 = tpu.memref_squeeze %dma_start3A_1592 : memref<1x200xi32, #tpu.memory_space<vmem>> -> memref<200xi32, #tpu.memory_space<vmem>>
      %dma_start3A_1594 = arith.constant 0 : i32
      %dma_start3A_1595 = arith.constant 0 : i32
      %dma_start3A_1596 = tpu.memref_slice %arg3[%dma_start3A_1594, %dma_start3A_1595] : memref<1000000x64xf32, #tpu.memory_space<hbm>> -> memref<1000000x64xf32, #tpu.memory_space<hbm>>
      %dma_start3A_1597 = tpu.memref_slice %arg7[%dma_start3A_1586] : memref<8x!tpu.dma_semaphore, #tpu.memory_space<semaphore_mem>> -> memref<1x!tpu.dma_semaphore, #tpu.memory_space<semaphore_mem>>
      %dma_start3A_1598 = tpu.memref_squeeze %dma_start3A_1597 : memref<1x!tpu.dma_semaphore, #tpu.memory_space<semaphore_mem>> -> memref<!tpu.dma_semaphore, #tpu.memory_space<semaphore_mem>>
      tpu.enqueue_indirect_dma source(%dma_start3A_1596 : memref<1000000x64xf32, #tpu.memory_space<hbm>>) target(%dma_start3A_1590 : memref<200x64xf32, #tpu.memory_space<vmem>>) offsets(%dma_start3A_1593 : memref<200xi32, #tpu.memory_space<vmem>>) semaphore(%dma_start3A_1598 : memref<!tpu.dma_semaphore, #tpu.memory_space<semaphore_mem>>)
      %mul3A_1599 = arith.constant 8 : i32
      %mul3A_1600 = arith.muli %scan3A_1094, %mul3A_1599 : i32
      %add3A_1601 = arith.constant 7 : i32
      %add3A_1602 = arith.addi %mul3A_1600, %add3A_1601 : i32
      %dma_wait3A_1603 = arith.constant 0 : i32
      %dma_wait3A_1604 = arith.constant 7 : i32
      %dma_wait3A_1605 = arith.constant 7 : i32
      %dma_wait3A_1606 = arith.constant 0 : i32
      %dma_wait3A_1607 = arith.constant 0 : i32
      %dma_wait3A_1608 = tpu.memref_slice %arg6[%dma_wait3A_1604, %dma_wait3A_1606, %dma_wait3A_1607] : memref<8x200x64xf32, #tpu.memory_space<vmem>> -> memref<1x200x64xf32, #tpu.memory_space<vmem>>
      %dma_wait3A_1609 = tpu.memref_squeeze %dma_wait3A_1608 : memref<1x200x64xf32, #tpu.memory_space<vmem>> -> memref<200x64xf32, #tpu.memory_space<vmem>>
      %dma_wait3A_1610 = arith.constant 0 : i32
      %dma_wait3A_1611 = tpu.memref_slice %arg5[%dma_wait3A_1603, %dma_wait3A_1610] : memref<128x200xi32, #tpu.memory_space<vmem>> -> memref<1x200xi32, #tpu.memory_space<vmem>>
      %dma_wait3A_1612 = tpu.memref_squeeze %dma_wait3A_1611 : memref<1x200xi32, #tpu.memory_space<vmem>> -> memref<200xi32, #tpu.memory_space<vmem>>
      %dma_wait3A_1613 = arith.constant 0 : i32
      %dma_wait3A_1614 = arith.constant 0 : i32
      %dma_wait3A_1615 = tpu.memref_slice %arg3[%dma_wait3A_1613, %dma_wait3A_1614] : memref<1000000x64xf32, #tpu.memory_space<hbm>> -> memref<1000000x64xf32, #tpu.memory_space<hbm>>
      %dma_wait3A_1616 = tpu.memref_slice %arg7[%dma_wait3A_1605] : memref<8x!tpu.dma_semaphore, #tpu.memory_space<semaphore_mem>> -> memref<1x!tpu.dma_semaphore, #tpu.memory_space<semaphore_mem>>
      %dma_wait3A_1617 = tpu.memref_squeeze %dma_wait3A_1616 : memref<1x!tpu.dma_semaphore, #tpu.memory_space<semaphore_mem>> -> memref<!tpu.dma_semaphore, #tpu.memory_space<semaphore_mem>>
      tpu.wait_indirect_dma semaphore(%dma_wait3A_1617 : memref<!tpu.dma_semaphore, #tpu.memory_space<semaphore_mem>>) src(%dma_wait3A_1615 : memref<1000000x64xf32, #tpu.memory_space<hbm>>) dst(%dma_wait3A_1609 : memref<200x64xf32, #tpu.memory_space<vmem>>)
      %add3A_1618 = arith.addi %mul3A_2, %add3A_1602 : i32
      %mul3A_1619 = arith.constant 200 : i32
      %mul3A_1620 = arith.muli %add3A_1618, %mul3A_1619 : i32
      %dma_start3A_1621 = arith.constant 7 : i32
      %dma_start3A_1622 = arith.constant 7 : i32
      %dma_start3A_1623 = arith.constant 0 : i32
      %dma_start3A_1624 = arith.constant 0 : i32
      %dma_start3A_1625 = tpu.memref_slice %arg6[%dma_start3A_1621, %dma_start3A_1623, %dma_start3A_1624] : memref<8x200x64xf32, #tpu.memory_space<vmem>> -> memref<1x200x64xf32, #tpu.memory_space<vmem>>
      %dma_start3A_1626 = tpu.memref_squeeze %dma_start3A_1625 : memref<1x200x64xf32, #tpu.memory_space<vmem>> -> memref<200x64xf32, #tpu.memory_space<vmem>>
      %dma_start3A_1627 = arith.constant 0 : i32
      %dma_start3A_1628 = tpu.memref_slice %arg4[%mul3A_1620, %dma_start3A_1627] : memref<819200x64xf32, #tpu.memory_space<hbm>> -> memref<200x64xf32, #tpu.memory_space<hbm>>
      %dma_start3A_1629 = tpu.memref_slice %arg8[%dma_start3A_1622] : memref<8x!tpu.dma_semaphore, #tpu.memory_space<semaphore_mem>> -> memref<1x!tpu.dma_semaphore, #tpu.memory_space<semaphore_mem>>
      %dma_start3A_1630 = tpu.memref_squeeze %dma_start3A_1629 : memref<1x!tpu.dma_semaphore, #tpu.memory_space<semaphore_mem>> -> memref<!tpu.dma_semaphore, #tpu.memory_space<semaphore_mem>>
      %dma_start3A_1631 = arith.constant 0 : i32
      %dma_start3A_1632 = tpu.memref_slice %arg4[%mul3A_1620, %dma_start3A_1631] : memref<819200x64xf32, #tpu.memory_space<hbm>> -> memref<200x64xf32, #tpu.memory_space<hbm>>
      %dma_start3A_1633 = arith.constant 0 : i32
      %dma_start3A_1634 = arith.constant 0 : i32
      %dma_start3A_1635 = tpu.memref_slice %arg6[%dma_start3A_1621, %dma_start3A_1633, %dma_start3A_1634] : memref<8x200x64xf32, #tpu.memory_space<vmem>> -> memref<1x200x64xf32, #tpu.memory_space<vmem>>
      %dma_start3A_1636 = tpu.memref_squeeze %dma_start3A_1635 : memref<1x200x64xf32, #tpu.memory_space<vmem>> -> memref<200x64xf32, #tpu.memory_space<vmem>>
      tpu.enqueue_dma source(%dma_start3A_1636 : memref<200x64xf32, #tpu.memory_space<vmem>>) target(%dma_start3A_1632 : memref<200x64xf32, #tpu.memory_space<hbm>>) target_semaphore(%dma_start3A_1630 : memref<!tpu.dma_semaphore, #tpu.memory_space<semaphore_mem>>)
      %dma_wait3A_1637 = arith.constant 3 : i32
      %dma_wait3A_1638 = arith.constant 3 : i32
      %dma_wait3A_1639 = arith.constant 0 : i32
      %dma_wait3A_1640 = arith.constant 0 : i32
      %dma_wait3A_1641 = tpu.memref_slice %arg6[%dma_wait3A_1637, %dma_wait3A_1639, %dma_wait3A_1640] : memref<8x200x64xf32, #tpu.memory_space<vmem>> -> memref<1x200x64xf32, #tpu.memory_space<vmem>>
      %dma_wait3A_1642 = tpu.memref_squeeze %dma_wait3A_1641 : memref<1x200x64xf32, #tpu.memory_space<vmem>> -> memref<200x64xf32, #tpu.memory_space<vmem>>
      %dma_wait3A_1643 = arith.constant 0 : i32
      %dma_wait3A_1644 = arith.constant 0 : i32
      %dma_wait3A_1645 = tpu.memref_slice %arg4[%dma_wait3A_1643, %dma_wait3A_1644] : memref<819200x64xf32, #tpu.memory_space<hbm>> -> memref<200x64xf32, #tpu.memory_space<hbm>>
      %dma_wait3A_1646 = tpu.memref_slice %arg8[%dma_wait3A_1638] : memref<8x!tpu.dma_semaphore, #tpu.memory_space<semaphore_mem>> -> memref<1x!tpu.dma_semaphore, #tpu.memory_space<semaphore_mem>>
      %dma_wait3A_1647 = tpu.memref_squeeze %dma_wait3A_1646 : memref<1x!tpu.dma_semaphore, #tpu.memory_space<semaphore_mem>> -> memref<!tpu.dma_semaphore, #tpu.memory_space<semaphore_mem>>
      %dma_wait3A_1648 = arith.constant 0 : i32
      %dma_wait3A_1649 = arith.constant 0 : i32
      %dma_wait3A_1650 = tpu.memref_slice %arg4[%dma_wait3A_1648, %dma_wait3A_1649] : memref<819200x64xf32, #tpu.memory_space<hbm>> -> memref<200x64xf32, #tpu.memory_space<hbm>>
      %dma_wait3A_1651 = arith.constant 0 : i32
      %dma_wait3A_1652 = arith.constant 0 : i32
      %dma_wait3A_1653 = tpu.memref_slice %arg6[%dma_wait3A_1637, %dma_wait3A_1651, %dma_wait3A_1652] : memref<8x200x64xf32, #tpu.memory_space<vmem>> -> memref<1x200x64xf32, #tpu.memory_space<vmem>>
      %dma_wait3A_1654 = tpu.memref_squeeze %dma_wait3A_1653 : memref<1x200x64xf32, #tpu.memory_space<vmem>> -> memref<200x64xf32, #tpu.memory_space<vmem>>
      tpu.wait_dma2 semaphore(%dma_wait3A_1647 : memref<!tpu.dma_semaphore, #tpu.memory_space<semaphore_mem>>) src(%dma_wait3A_1654 : memref<200x64xf32, #tpu.memory_space<vmem>>) dst(%dma_wait3A_1650 : memref<200x64xf32, #tpu.memory_space<hbm>>)
      %add3A_1655 = arith.constant 4 : i32
      %add3A_1656 = arith.addi %add3A_1602, %add3A_1655 : i32
      %dma_start3A_1657 = arith.constant 3 : i32
      %dma_start3A_1658 = arith.constant 3 : i32
      %dma_start3A_1659 = arith.constant 0 : i32
      %dma_start3A_1660 = arith.constant 0 : i32
      %dma_start3A_1661 = tpu.memref_slice %arg6[%dma_start3A_1657, %dma_start3A_1659, %dma_start3A_1660] : memref<8x200x64xf32, #tpu.memory_space<vmem>> -> memref<1x200x64xf32, #tpu.memory_space<vmem>>
      %dma_start3A_1662 = tpu.memref_squeeze %dma_start3A_1661 : memref<1x200x64xf32, #tpu.memory_space<vmem>> -> memref<200x64xf32, #tpu.memory_space<vmem>>
      %dma_start3A_1663 = arith.constant 0 : i32
      %dma_start3A_1664 = tpu.memref_slice %arg5[%add3A_1656, %dma_start3A_1663] : memref<128x200xi32, #tpu.memory_space<vmem>> -> memref<1x200xi32, #tpu.memory_space<vmem>>
      %dma_start3A_1665 = tpu.memref_squeeze %dma_start3A_1664 : memref<1x200xi32, #tpu.memory_space<vmem>> -> memref<200xi32, #tpu.memory_space<vmem>>
      %dma_start3A_1666 = arith.constant 0 : i32
      %dma_start3A_1667 = arith.constant 0 : i32
      %dma_start3A_1668 = tpu.memref_slice %arg3[%dma_start3A_1666, %dma_start3A_1667] : memref<1000000x64xf32, #tpu.memory_space<hbm>> -> memref<1000000x64xf32, #tpu.memory_space<hbm>>
      %dma_start3A_1669 = tpu.memref_slice %arg7[%dma_start3A_1658] : memref<8x!tpu.dma_semaphore, #tpu.memory_space<semaphore_mem>> -> memref<1x!tpu.dma_semaphore, #tpu.memory_space<semaphore_mem>>
      %dma_start3A_1670 = tpu.memref_squeeze %dma_start3A_1669 : memref<1x!tpu.dma_semaphore, #tpu.memory_space<semaphore_mem>> -> memref<!tpu.dma_semaphore, #tpu.memory_space<semaphore_mem>>
      tpu.enqueue_indirect_dma source(%dma_start3A_1668 : memref<1000000x64xf32, #tpu.memory_space<hbm>>) target(%dma_start3A_1662 : memref<200x64xf32, #tpu.memory_space<vmem>>) offsets(%dma_start3A_1665 : memref<200xi32, #tpu.memory_space<vmem>>) semaphore(%dma_start3A_1670 : memref<!tpu.dma_semaphore, #tpu.memory_space<semaphore_mem>>)
    }
    %scan3A_537 = arith.constant 14 : i32
    %dma_wait3A_538 = arith.constant 0 : i32
    %dma_wait3A_539 = arith.constant 0 : i32
    %dma_wait3A_540 = arith.constant 0 : i32
    %dma_wait3A_541 = arith.constant 0 : i32
    %dma_wait3A_542 = arith.constant 0 : i32
    %dma_wait3A_543 = tpu.memref_slice %arg6[%dma_wait3A_539, %dma_wait3A_541, %dma_wait3A_542] : memref<8x200x64xf32, #tpu.memory_space<vmem>> -> memref<1x200x64xf32, #tpu.memory_space<vmem>>
    %dma_wait3A_544 = tpu.memref_squeeze %dma_wait3A_543 : memref<1x200x64xf32, #tpu.memory_space<vmem>> -> memref<200x64xf32, #tpu.memory_space<vmem>>
    %dma_wait3A_545 = arith.constant 0 : i32
    %dma_wait3A_546 = tpu.memref_slice %arg5[%dma_wait3A_538, %dma_wait3A_545] : memref<128x200xi32, #tpu.memory_space<vmem>> -> memref<1x200xi32, #tpu.memory_space<vmem>>
    %dma_wait3A_547 = tpu.memref_squeeze %dma_wait3A_546 : memref<1x200xi32, #tpu.memory_space<vmem>> -> memref<200xi32, #tpu.memory_space<vmem>>
    %dma_wait3A_548 = arith.constant 0 : i32
    %dma_wait3A_549 = arith.constant 0 : i32
    %dma_wait3A_550 = tpu.memref_slice %arg3[%dma_wait3A_548, %dma_wait3A_549] : memref<1000000x64xf32, #tpu.memory_space<hbm>> -> memref<1000000x64xf32, #tpu.memory_space<hbm>>
    %dma_wait3A_551 = tpu.memref_slice %arg7[%dma_wait3A_540] : memref<8x!tpu.dma_semaphore, #tpu.memory_space<semaphore_mem>> -> memref<1x!tpu.dma_semaphore, #tpu.memory_space<semaphore_mem>>
    %dma_wait3A_552 = tpu.memref_squeeze %dma_wait3A_551 : memref<1x!tpu.dma_semaphore, #tpu.memory_space<semaphore_mem>> -> memref<!tpu.dma_semaphore, #tpu.memory_space<semaphore_mem>>
    tpu.wait_indirect_dma semaphore(%dma_wait3A_552 : memref<!tpu.dma_semaphore, #tpu.memory_space<semaphore_mem>>) src(%dma_wait3A_550 : memref<1000000x64xf32, #tpu.memory_space<hbm>>) dst(%dma_wait3A_544 : memref<200x64xf32, #tpu.memory_space<vmem>>)
    %add3A_553 = arith.constant 120 : i32
    %add3A_554 = arith.addi %mul3A_2, %add3A_553 : i32
    %mul3A_555 = arith.constant 200 : i32
    %mul3A_556 = arith.muli %add3A_554, %mul3A_555 : i32
    %dma_start3A_557 = arith.constant 0 : i32
    %dma_start3A_558 = arith.constant 0 : i32
    %dma_start3A_559 = arith.constant 0 : i32
    %dma_start3A_560 = arith.constant 0 : i32
    %dma_start3A_561 = tpu.memref_slice %arg6[%dma_start3A_557, %dma_start3A_559, %dma_start3A_560] : memref<8x200x64xf32, #tpu.memory_space<vmem>> -> memref<1x200x64xf32, #tpu.memory_space<vmem>>
    %dma_start3A_562 = tpu.memref_squeeze %dma_start3A_561 : memref<1x200x64xf32, #tpu.memory_space<vmem>> -> memref<200x64xf32, #tpu.memory_space<vmem>>
    %dma_start3A_563 = arith.constant 0 : i32
    %dma_start3A_564 = tpu.memref_slice %arg4[%mul3A_556, %dma_start3A_563] : memref<819200x64xf32, #tpu.memory_space<hbm>> -> memref<200x64xf32, #tpu.memory_space<hbm>>
    %dma_start3A_565 = tpu.memref_slice %arg8[%dma_start3A_558] : memref<8x!tpu.dma_semaphore, #tpu.memory_space<semaphore_mem>> -> memref<1x!tpu.dma_semaphore, #tpu.memory_space<semaphore_mem>>
    %dma_start3A_566 = tpu.memref_squeeze %dma_start3A_565 : memref<1x!tpu.dma_semaphore, #tpu.memory_space<semaphore_mem>> -> memref<!tpu.dma_semaphore, #tpu.memory_space<semaphore_mem>>
    %dma_start3A_567 = arith.constant 0 : i32
    %dma_start3A_568 = tpu.memref_slice %arg4[%mul3A_556, %dma_start3A_567] : memref<819200x64xf32, #tpu.memory_space<hbm>> -> memref<200x64xf32, #tpu.memory_space<hbm>>
    %dma_start3A_569 = arith.constant 0 : i32
    %dma_start3A_570 = arith.constant 0 : i32
    %dma_start3A_571 = tpu.memref_slice %arg6[%dma_start3A_557, %dma_start3A_569, %dma_start3A_570] : memref<8x200x64xf32, #tpu.memory_space<vmem>> -> memref<1x200x64xf32, #tpu.memory_space<vmem>>
    %dma_start3A_572 = tpu.memref_squeeze %dma_start3A_571 : memref<1x200x64xf32, #tpu.memory_space<vmem>> -> memref<200x64xf32, #tpu.memory_space<vmem>>
    tpu.enqueue_dma source(%dma_start3A_572 : memref<200x64xf32, #tpu.memory_space<vmem>>) target(%dma_start3A_568 : memref<200x64xf32, #tpu.memory_space<hbm>>) target_semaphore(%dma_start3A_566 : memref<!tpu.dma_semaphore, #tpu.memory_space<semaphore_mem>>)
    %dma_wait3A_573 = arith.constant 4 : i32
    %dma_wait3A_574 = arith.constant 4 : i32
    %dma_wait3A_575 = arith.constant 0 : i32
    %dma_wait3A_576 = arith.constant 0 : i32
    %dma_wait3A_577 = tpu.memref_slice %arg6[%dma_wait3A_573, %dma_wait3A_575, %dma_wait3A_576] : memref<8x200x64xf32, #tpu.memory_space<vmem>> -> memref<1x200x64xf32, #tpu.memory_space<vmem>>
    %dma_wait3A_578 = tpu.memref_squeeze %dma_wait3A_577 : memref<1x200x64xf32, #tpu.memory_space<vmem>> -> memref<200x64xf32, #tpu.memory_space<vmem>>
    %dma_wait3A_579 = arith.constant 0 : i32
    %dma_wait3A_580 = arith.constant 0 : i32
    %dma_wait3A_581 = tpu.memref_slice %arg4[%dma_wait3A_579, %dma_wait3A_580] : memref<819200x64xf32, #tpu.memory_space<hbm>> -> memref<200x64xf32, #tpu.memory_space<hbm>>
    %dma_wait3A_582 = tpu.memref_slice %arg8[%dma_wait3A_574] : memref<8x!tpu.dma_semaphore, #tpu.memory_space<semaphore_mem>> -> memref<1x!tpu.dma_semaphore, #tpu.memory_space<semaphore_mem>>
    %dma_wait3A_583 = tpu.memref_squeeze %dma_wait3A_582 : memref<1x!tpu.dma_semaphore, #tpu.memory_space<semaphore_mem>> -> memref<!tpu.dma_semaphore, #tpu.memory_space<semaphore_mem>>
    %dma_wait3A_584 = arith.constant 0 : i32
    %dma_wait3A_585 = arith.constant 0 : i32
    %dma_wait3A_586 = tpu.memref_slice %arg4[%dma_wait3A_584, %dma_wait3A_585] : memref<819200x64xf32, #tpu.memory_space<hbm>> -> memref<200x64xf32, #tpu.memory_space<hbm>>
    %dma_wait3A_587 = arith.constant 0 : i32
    %dma_wait3A_588 = arith.constant 0 : i32
    %dma_wait3A_589 = tpu.memref_slice %arg6[%dma_wait3A_573, %dma_wait3A_587, %dma_wait3A_588] : memref<8x200x64xf32, #tpu.memory_space<vmem>> -> memref<1x200x64xf32, #tpu.memory_space<vmem>>
    %dma_wait3A_590 = tpu.memref_squeeze %dma_wait3A_589 : memref<1x200x64xf32, #tpu.memory_space<vmem>> -> memref<200x64xf32, #tpu.memory_space<vmem>>
    tpu.wait_dma2 semaphore(%dma_wait3A_583 : memref<!tpu.dma_semaphore, #tpu.memory_space<semaphore_mem>>) src(%dma_wait3A_590 : memref<200x64xf32, #tpu.memory_space<vmem>>) dst(%dma_wait3A_586 : memref<200x64xf32, #tpu.memory_space<hbm>>)
    %dma_start3A_591 = arith.constant 124 : i32
    %dma_start3A_592 = arith.constant 4 : i32
    %dma_start3A_593 = arith.constant 4 : i32
    %dma_start3A_594 = arith.constant 0 : i32
    %dma_start3A_595 = arith.constant 0 : i32
    %dma_start3A_596 = tpu.memref_slice %arg6[%dma_start3A_592, %dma_start3A_594, %dma_start3A_595] : memref<8x200x64xf32, #tpu.memory_space<vmem>> -> memref<1x200x64xf32, #tpu.memory_space<vmem>>
    %dma_start3A_597 = tpu.memref_squeeze %dma_start3A_596 : memref<1x200x64xf32, #tpu.memory_space<vmem>> -> memref<200x64xf32, #tpu.memory_space<vmem>>
    %dma_start3A_598 = arith.constant 0 : i32
    %dma_start3A_599 = tpu.memref_slice %arg5[%dma_start3A_591, %dma_start3A_598] : memref<128x200xi32, #tpu.memory_space<vmem>> -> memref<1x200xi32, #tpu.memory_space<vmem>>
    %dma_start3A_600 = tpu.memref_squeeze %dma_start3A_599 : memref<1x200xi32, #tpu.memory_space<vmem>> -> memref<200xi32, #tpu.memory_space<vmem>>
    %dma_start3A_601 = arith.constant 0 : i32
    %dma_start3A_602 = arith.constant 0 : i32
    %dma_start3A_603 = tpu.memref_slice %arg3[%dma_start3A_601, %dma_start3A_602] : memref<1000000x64xf32, #tpu.memory_space<hbm>> -> memref<1000000x64xf32, #tpu.memory_space<hbm>>
    %dma_start3A_604 = tpu.memref_slice %arg7[%dma_start3A_593] : memref<8x!tpu.dma_semaphore, #tpu.memory_space<semaphore_mem>> -> memref<1x!tpu.dma_semaphore, #tpu.memory_space<semaphore_mem>>
    %dma_start3A_605 = tpu.memref_squeeze %dma_start3A_604 : memref<1x!tpu.dma_semaphore, #tpu.memory_space<semaphore_mem>> -> memref<!tpu.dma_semaphore, #tpu.memory_space<semaphore_mem>>
    tpu.enqueue_indirect_dma source(%dma_start3A_603 : memref<1000000x64xf32, #tpu.memory_space<hbm>>) target(%dma_start3A_597 : memref<200x64xf32, #tpu.memory_space<vmem>>) offsets(%dma_start3A_600 : memref<200xi32, #tpu.memory_space<vmem>>) semaphore(%dma_start3A_605 : memref<!tpu.dma_semaphore, #tpu.memory_space<semaphore_mem>>)
    %dma_wait3A_606 = arith.constant 0 : i32
    %dma_wait3A_607 = arith.constant 1 : i32
    %dma_wait3A_608 = arith.constant 1 : i32
    %dma_wait3A_609 = arith.constant 0 : i32
    %dma_wait3A_610 = arith.constant 0 : i32
    %dma_wait3A_611 = tpu.memref_slice %arg6[%dma_wait3A_607, %dma_wait3A_609, %dma_wait3A_610] : memref<8x200x64xf32, #tpu.memory_space<vmem>> -> memref<1x200x64xf32, #tpu.memory_space<vmem>>
    %dma_wait3A_612 = tpu.memref_squeeze %dma_wait3A_611 : memref<1x200x64xf32, #tpu.memory_space<vmem>> -> memref<200x64xf32, #tpu.memory_space<vmem>>
    %dma_wait3A_613 = arith.constant 0 : i32
    %dma_wait3A_614 = tpu.memref_slice %arg5[%dma_wait3A_606, %dma_wait3A_613] : memref<128x200xi32, #tpu.memory_space<vmem>> -> memref<1x200xi32, #tpu.memory_space<vmem>>
    %dma_wait3A_615 = tpu.memref_squeeze %dma_wait3A_614 : memref<1x200xi32, #tpu.memory_space<vmem>> -> memref<200xi32, #tpu.memory_space<vmem>>
    %dma_wait3A_616 = arith.constant 0 : i32
    %dma_wait3A_617 = arith.constant 0 : i32
    %dma_wait3A_618 = tpu.memref_slice %arg3[%dma_wait3A_616, %dma_wait3A_617] : memref<1000000x64xf32, #tpu.memory_space<hbm>> -> memref<1000000x64xf32, #tpu.memory_space<hbm>>
    %dma_wait3A_619 = tpu.memref_slice %arg7[%dma_wait3A_608] : memref<8x!tpu.dma_semaphore, #tpu.memory_space<semaphore_mem>> -> memref<1x!tpu.dma_semaphore, #tpu.memory_space<semaphore_mem>>
    %dma_wait3A_620 = tpu.memref_squeeze %dma_wait3A_619 : memref<1x!tpu.dma_semaphore, #tpu.memory_space<semaphore_mem>> -> memref<!tpu.dma_semaphore, #tpu.memory_space<semaphore_mem>>
    tpu.wait_indirect_dma semaphore(%dma_wait3A_620 : memref<!tpu.dma_semaphore, #tpu.memory_space<semaphore_mem>>) src(%dma_wait3A_618 : memref<1000000x64xf32, #tpu.memory_space<hbm>>) dst(%dma_wait3A_612 : memref<200x64xf32, #tpu.memory_space<vmem>>)
    %add3A_621 = arith.constant 121 : i32
    %add3A_622 = arith.addi %mul3A_2, %add3A_621 : i32
    %mul3A_623 = arith.constant 200 : i32
    %mul3A_624 = arith.muli %add3A_622, %mul3A_623 : i32
    %dma_start3A_625 = arith.constant 1 : i32
    %dma_start3A_626 = arith.constant 1 : i32
    %dma_start3A_627 = arith.constant 0 : i32
    %dma_start3A_628 = arith.constant 0 : i32
    %dma_start3A_629 = tpu.memref_slice %arg6[%dma_start3A_625, %dma_start3A_627, %dma_start3A_628] : memref<8x200x64xf32, #tpu.memory_space<vmem>> -> memref<1x200x64xf32, #tpu.memory_space<vmem>>
    %dma_start3A_630 = tpu.memref_squeeze %dma_start3A_629 : memref<1x200x64xf32, #tpu.memory_space<vmem>> -> memref<200x64xf32, #tpu.memory_space<vmem>>
    %dma_start3A_631 = arith.constant 0 : i32
    %dma_start3A_632 = tpu.memref_slice %arg4[%mul3A_624, %dma_start3A_631] : memref<819200x64xf32, #tpu.memory_space<hbm>> -> memref<200x64xf32, #tpu.memory_space<hbm>>
    %dma_start3A_633 = tpu.memref_slice %arg8[%dma_start3A_626] : memref<8x!tpu.dma_semaphore, #tpu.memory_space<semaphore_mem>> -> memref<1x!tpu.dma_semaphore, #tpu.memory_space<semaphore_mem>>
    %dma_start3A_634 = tpu.memref_squeeze %dma_start3A_633 : memref<1x!tpu.dma_semaphore, #tpu.memory_space<semaphore_mem>> -> memref<!tpu.dma_semaphore, #tpu.memory_space<semaphore_mem>>
    %dma_start3A_635 = arith.constant 0 : i32
    %dma_start3A_636 = tpu.memref_slice %arg4[%mul3A_624, %dma_start3A_635] : memref<819200x64xf32, #tpu.memory_space<hbm>> -> memref<200x64xf32, #tpu.memory_space<hbm>>
    %dma_start3A_637 = arith.constant 0 : i32
    %dma_start3A_638 = arith.constant 0 : i32
    %dma_start3A_639 = tpu.memref_slice %arg6[%dma_start3A_625, %dma_start3A_637, %dma_start3A_638] : memref<8x200x64xf32, #tpu.memory_space<vmem>> -> memref<1x200x64xf32, #tpu.memory_space<vmem>>
    %dma_start3A_640 = tpu.memref_squeeze %dma_start3A_639 : memref<1x200x64xf32, #tpu.memory_space<vmem>> -> memref<200x64xf32, #tpu.memory_space<vmem>>
    tpu.enqueue_dma source(%dma_start3A_640 : memref<200x64xf32, #tpu.memory_space<vmem>>) target(%dma_start3A_636 : memref<200x64xf32, #tpu.memory_space<hbm>>) target_semaphore(%dma_start3A_634 : memref<!tpu.dma_semaphore, #tpu.memory_space<semaphore_mem>>)
    %dma_wait3A_641 = arith.constant 5 : i32
    %dma_wait3A_642 = arith.constant 5 : i32
    %dma_wait3A_643 = arith.constant 0 : i32
    %dma_wait3A_644 = arith.constant 0 : i32
    %dma_wait3A_645 = tpu.memref_slice %arg6[%dma_wait3A_641, %dma_wait3A_643, %dma_wait3A_644] : memref<8x200x64xf32, #tpu.memory_space<vmem>> -> memref<1x200x64xf32, #tpu.memory_space<vmem>>
    %dma_wait3A_646 = tpu.memref_squeeze %dma_wait3A_645 : memref<1x200x64xf32, #tpu.memory_space<vmem>> -> memref<200x64xf32, #tpu.memory_space<vmem>>
    %dma_wait3A_647 = arith.constant 0 : i32
    %dma_wait3A_648 = arith.constant 0 : i32
    %dma_wait3A_649 = tpu.memref_slice %arg4[%dma_wait3A_647, %dma_wait3A_648] : memref<819200x64xf32, #tpu.memory_space<hbm>> -> memref<200x64xf32, #tpu.memory_space<hbm>>
    %dma_wait3A_650 = tpu.memref_slice %arg8[%dma_wait3A_642] : memref<8x!tpu.dma_semaphore, #tpu.memory_space<semaphore_mem>> -> memref<1x!tpu.dma_semaphore, #tpu.memory_space<semaphore_mem>>
    %dma_wait3A_651 = tpu.memref_squeeze %dma_wait3A_650 : memref<1x!tpu.dma_semaphore, #tpu.memory_space<semaphore_mem>> -> memref<!tpu.dma_semaphore, #tpu.memory_space<semaphore_mem>>
    %dma_wait3A_652 = arith.constant 0 : i32
    %dma_wait3A_653 = arith.constant 0 : i32
    %dma_wait3A_654 = tpu.memref_slice %arg4[%dma_wait3A_652, %dma_wait3A_653] : memref<819200x64xf32, #tpu.memory_space<hbm>> -> memref<200x64xf32, #tpu.memory_space<hbm>>
    %dma_wait3A_655 = arith.constant 0 : i32
    %dma_wait3A_656 = arith.constant 0 : i32
    %dma_wait3A_657 = tpu.memref_slice %arg6[%dma_wait3A_641, %dma_wait3A_655, %dma_wait3A_656] : memref<8x200x64xf32, #tpu.memory_space<vmem>> -> memref<1x200x64xf32, #tpu.memory_space<vmem>>
    %dma_wait3A_658 = tpu.memref_squeeze %dma_wait3A_657 : memref<1x200x64xf32, #tpu.memory_space<vmem>> -> memref<200x64xf32, #tpu.memory_space<vmem>>
    tpu.wait_dma2 semaphore(%dma_wait3A_651 : memref<!tpu.dma_semaphore, #tpu.memory_space<semaphore_mem>>) src(%dma_wait3A_658 : memref<200x64xf32, #tpu.memory_space<vmem>>) dst(%dma_wait3A_654 : memref<200x64xf32, #tpu.memory_space<hbm>>)
    %dma_start3A_659 = arith.constant 125 : i32
    %dma_start3A_660 = arith.constant 5 : i32
    %dma_start3A_661 = arith.constant 5 : i32
    %dma_start3A_662 = arith.constant 0 : i32
    %dma_start3A_663 = arith.constant 0 : i32
    %dma_start3A_664 = tpu.memref_slice %arg6[%dma_start3A_660, %dma_start3A_662, %dma_start3A_663] : memref<8x200x64xf32, #tpu.memory_space<vmem>> -> memref<1x200x64xf32, #tpu.memory_space<vmem>>
    %dma_start3A_665 = tpu.memref_squeeze %dma_start3A_664 : memref<1x200x64xf32, #tpu.memory_space<vmem>> -> memref<200x64xf32, #tpu.memory_space<vmem>>
    %dma_start3A_666 = arith.constant 0 : i32
    %dma_start3A_667 = tpu.memref_slice %arg5[%dma_start3A_659, %dma_start3A_666] : memref<128x200xi32, #tpu.memory_space<vmem>> -> memref<1x200xi32, #tpu.memory_space<vmem>>
    %dma_start3A_668 = tpu.memref_squeeze %dma_start3A_667 : memref<1x200xi32, #tpu.memory_space<vmem>> -> memref<200xi32, #tpu.memory_space<vmem>>
    %dma_start3A_669 = arith.constant 0 : i32
    %dma_start3A_670 = arith.constant 0 : i32
    %dma_start3A_671 = tpu.memref_slice %arg3[%dma_start3A_669, %dma_start3A_670] : memref<1000000x64xf32, #tpu.memory_space<hbm>> -> memref<1000000x64xf32, #tpu.memory_space<hbm>>
    %dma_start3A_672 = tpu.memref_slice %arg7[%dma_start3A_661] : memref<8x!tpu.dma_semaphore, #tpu.memory_space<semaphore_mem>> -> memref<1x!tpu.dma_semaphore, #tpu.memory_space<semaphore_mem>>
    %dma_start3A_673 = tpu.memref_squeeze %dma_start3A_672 : memref<1x!tpu.dma_semaphore, #tpu.memory_space<semaphore_mem>> -> memref<!tpu.dma_semaphore, #tpu.memory_space<semaphore_mem>>
    tpu.enqueue_indirect_dma source(%dma_start3A_671 : memref<1000000x64xf32, #tpu.memory_space<hbm>>) target(%dma_start3A_665 : memref<200x64xf32, #tpu.memory_space<vmem>>) offsets(%dma_start3A_668 : memref<200xi32, #tpu.memory_space<vmem>>) semaphore(%dma_start3A_673 : memref<!tpu.dma_semaphore, #tpu.memory_space<semaphore_mem>>)
    %dma_wait3A_674 = arith.constant 0 : i32
    %dma_wait3A_675 = arith.constant 2 : i32
    %dma_wait3A_676 = arith.constant 2 : i32
    %dma_wait3A_677 = arith.constant 0 : i32
    %dma_wait3A_678 = arith.constant 0 : i32
    %dma_wait3A_679 = tpu.memref_slice %arg6[%dma_wait3A_675, %dma_wait3A_677, %dma_wait3A_678] : memref<8x200x64xf32, #tpu.memory_space<vmem>> -> memref<1x200x64xf32, #tpu.memory_space<vmem>>
    %dma_wait3A_680 = tpu.memref_squeeze %dma_wait3A_679 : memref<1x200x64xf32, #tpu.memory_space<vmem>> -> memref<200x64xf32, #tpu.memory_space<vmem>>
    %dma_wait3A_681 = arith.constant 0 : i32
    %dma_wait3A_682 = tpu.memref_slice %arg5[%dma_wait3A_674, %dma_wait3A_681] : memref<128x200xi32, #tpu.memory_space<vmem>> -> memref<1x200xi32, #tpu.memory_space<vmem>>
    %dma_wait3A_683 = tpu.memref_squeeze %dma_wait3A_682 : memref<1x200xi32, #tpu.memory_space<vmem>> -> memref<200xi32, #tpu.memory_space<vmem>>
    %dma_wait3A_684 = arith.constant 0 : i32
    %dma_wait3A_685 = arith.constant 0 : i32
    %dma_wait3A_686 = tpu.memref_slice %arg3[%dma_wait3A_684, %dma_wait3A_685] : memref<1000000x64xf32, #tpu.memory_space<hbm>> -> memref<1000000x64xf32, #tpu.memory_space<hbm>>
    %dma_wait3A_687 = tpu.memref_slice %arg7[%dma_wait3A_676] : memref<8x!tpu.dma_semaphore, #tpu.memory_space<semaphore_mem>> -> memref<1x!tpu.dma_semaphore, #tpu.memory_space<semaphore_mem>>
    %dma_wait3A_688 = tpu.memref_squeeze %dma_wait3A_687 : memref<1x!tpu.dma_semaphore, #tpu.memory_space<semaphore_mem>> -> memref<!tpu.dma_semaphore, #tpu.memory_space<semaphore_mem>>
    tpu.wait_indirect_dma semaphore(%dma_wait3A_688 : memref<!tpu.dma_semaphore, #tpu.memory_space<semaphore_mem>>) src(%dma_wait3A_686 : memref<1000000x64xf32, #tpu.memory_space<hbm>>) dst(%dma_wait3A_680 : memref<200x64xf32, #tpu.memory_space<vmem>>)
    %add3A_689 = arith.constant 122 : i32
    %add3A_690 = arith.addi %mul3A_2, %add3A_689 : i32
    %mul3A_691 = arith.constant 200 : i32
    %mul3A_692 = arith.muli %add3A_690, %mul3A_691 : i32
    %dma_start3A_693 = arith.constant 2 : i32
    %dma_start3A_694 = arith.constant 2 : i32
    %dma_start3A_695 = arith.constant 0 : i32
    %dma_start3A_696 = arith.constant 0 : i32
    %dma_start3A_697 = tpu.memref_slice %arg6[%dma_start3A_693, %dma_start3A_695, %dma_start3A_696] : memref<8x200x64xf32, #tpu.memory_space<vmem>> -> memref<1x200x64xf32, #tpu.memory_space<vmem>>
    %dma_start3A_698 = tpu.memref_squeeze %dma_start3A_697 : memref<1x200x64xf32, #tpu.memory_space<vmem>> -> memref<200x64xf32, #tpu.memory_space<vmem>>
    %dma_start3A_699 = arith.constant 0 : i32
    %dma_start3A_700 = tpu.memref_slice %arg4[%mul3A_692, %dma_start3A_699] : memref<819200x64xf32, #tpu.memory_space<hbm>> -> memref<200x64xf32, #tpu.memory_space<hbm>>
    %dma_start3A_701 = tpu.memref_slice %arg8[%dma_start3A_694] : memref<8x!tpu.dma_semaphore, #tpu.memory_space<semaphore_mem>> -> memref<1x!tpu.dma_semaphore, #tpu.memory_space<semaphore_mem>>
    %dma_start3A_702 = tpu.memref_squeeze %dma_start3A_701 : memref<1x!tpu.dma_semaphore, #tpu.memory_space<semaphore_mem>> -> memref<!tpu.dma_semaphore, #tpu.memory_space<semaphore_mem>>
    %dma_start3A_703 = arith.constant 0 : i32
    %dma_start3A_704 = tpu.memref_slice %arg4[%mul3A_692, %dma_start3A_703] : memref<819200x64xf32, #tpu.memory_space<hbm>> -> memref<200x64xf32, #tpu.memory_space<hbm>>
    %dma_start3A_705 = arith.constant 0 : i32
    %dma_start3A_706 = arith.constant 0 : i32
    %dma_start3A_707 = tpu.memref_slice %arg6[%dma_start3A_693, %dma_start3A_705, %dma_start3A_706] : memref<8x200x64xf32, #tpu.memory_space<vmem>> -> memref<1x200x64xf32, #tpu.memory_space<vmem>>
    %dma_start3A_708 = tpu.memref_squeeze %dma_start3A_707 : memref<1x200x64xf32, #tpu.memory_space<vmem>> -> memref<200x64xf32, #tpu.memory_space<vmem>>
    tpu.enqueue_dma source(%dma_start3A_708 : memref<200x64xf32, #tpu.memory_space<vmem>>) target(%dma_start3A_704 : memref<200x64xf32, #tpu.memory_space<hbm>>) target_semaphore(%dma_start3A_702 : memref<!tpu.dma_semaphore, #tpu.memory_space<semaphore_mem>>)
    %dma_wait3A_709 = arith.constant 6 : i32
    %dma_wait3A_710 = arith.constant 6 : i32
    %dma_wait3A_711 = arith.constant 0 : i32
    %dma_wait3A_712 = arith.constant 0 : i32
    %dma_wait3A_713 = tpu.memref_slice %arg6[%dma_wait3A_709, %dma_wait3A_711, %dma_wait3A_712] : memref<8x200x64xf32, #tpu.memory_space<vmem>> -> memref<1x200x64xf32, #tpu.memory_space<vmem>>
    %dma_wait3A_714 = tpu.memref_squeeze %dma_wait3A_713 : memref<1x200x64xf32, #tpu.memory_space<vmem>> -> memref<200x64xf32, #tpu.memory_space<vmem>>
    %dma_wait3A_715 = arith.constant 0 : i32
    %dma_wait3A_716 = arith.constant 0 : i32
    %dma_wait3A_717 = tpu.memref_slice %arg4[%dma_wait3A_715, %dma_wait3A_716] : memref<819200x64xf32, #tpu.memory_space<hbm>> -> memref<200x64xf32, #tpu.memory_space<hbm>>
    %dma_wait3A_718 = tpu.memref_slice %arg8[%dma_wait3A_710] : memref<8x!tpu.dma_semaphore, #tpu.memory_space<semaphore_mem>> -> memref<1x!tpu.dma_semaphore, #tpu.memory_space<semaphore_mem>>
    %dma_wait3A_719 = tpu.memref_squeeze %dma_wait3A_718 : memref<1x!tpu.dma_semaphore, #tpu.memory_space<semaphore_mem>> -> memref<!tpu.dma_semaphore, #tpu.memory_space<semaphore_mem>>
    %dma_wait3A_720 = arith.constant 0 : i32
    %dma_wait3A_721 = arith.constant 0 : i32
    %dma_wait3A_722 = tpu.memref_slice %arg4[%dma_wait3A_720, %dma_wait3A_721] : memref<819200x64xf32, #tpu.memory_space<hbm>> -> memref<200x64xf32, #tpu.memory_space<hbm>>
    %dma_wait3A_723 = arith.constant 0 : i32
    %dma_wait3A_724 = arith.constant 0 : i32
    %dma_wait3A_725 = tpu.memref_slice %arg6[%dma_wait3A_709, %dma_wait3A_723, %dma_wait3A_724] : memref<8x200x64xf32, #tpu.memory_space<vmem>> -> memref<1x200x64xf32, #tpu.memory_space<vmem>>
    %dma_wait3A_726 = tpu.memref_squeeze %dma_wait3A_725 : memref<1x200x64xf32, #tpu.memory_space<vmem>> -> memref<200x64xf32, #tpu.memory_space<vmem>>
    tpu.wait_dma2 semaphore(%dma_wait3A_719 : memref<!tpu.dma_semaphore, #tpu.memory_space<semaphore_mem>>) src(%dma_wait3A_726 : memref<200x64xf32, #tpu.memory_space<vmem>>) dst(%dma_wait3A_722 : memref<200x64xf32, #tpu.memory_space<hbm>>)
    %dma_start3A_727 = arith.constant 126 : i32
    %dma_start3A_728 = arith.constant 6 : i32
    %dma_start3A_729 = arith.constant 6 : i32
    %dma_start3A_730 = arith.constant 0 : i32
    %dma_start3A_731 = arith.constant 0 : i32
    %dma_start3A_732 = tpu.memref_slice %arg6[%dma_start3A_728, %dma_start3A_730, %dma_start3A_731] : memref<8x200x64xf32, #tpu.memory_space<vmem>> -> memref<1x200x64xf32, #tpu.memory_space<vmem>>
    %dma_start3A_733 = tpu.memref_squeeze %dma_start3A_732 : memref<1x200x64xf32, #tpu.memory_space<vmem>> -> memref<200x64xf32, #tpu.memory_space<vmem>>
    %dma_start3A_734 = arith.constant 0 : i32
    %dma_start3A_735 = tpu.memref_slice %arg5[%dma_start3A_727, %dma_start3A_734] : memref<128x200xi32, #tpu.memory_space<vmem>> -> memref<1x200xi32, #tpu.memory_space<vmem>>
    %dma_start3A_736 = tpu.memref_squeeze %dma_start3A_735 : memref<1x200xi32, #tpu.memory_space<vmem>> -> memref<200xi32, #tpu.memory_space<vmem>>
    %dma_start3A_737 = arith.constant 0 : i32
    %dma_start3A_738 = arith.constant 0 : i32
    %dma_start3A_739 = tpu.memref_slice %arg3[%dma_start3A_737, %dma_start3A_738] : memref<1000000x64xf32, #tpu.memory_space<hbm>> -> memref<1000000x64xf32, #tpu.memory_space<hbm>>
    %dma_start3A_740 = tpu.memref_slice %arg7[%dma_start3A_729] : memref<8x!tpu.dma_semaphore, #tpu.memory_space<semaphore_mem>> -> memref<1x!tpu.dma_semaphore, #tpu.memory_space<semaphore_mem>>
    %dma_start3A_741 = tpu.memref_squeeze %dma_start3A_740 : memref<1x!tpu.dma_semaphore, #tpu.memory_space<semaphore_mem>> -> memref<!tpu.dma_semaphore, #tpu.memory_space<semaphore_mem>>
    tpu.enqueue_indirect_dma source(%dma_start3A_739 : memref<1000000x64xf32, #tpu.memory_space<hbm>>) target(%dma_start3A_733 : memref<200x64xf32, #tpu.memory_space<vmem>>) offsets(%dma_start3A_736 : memref<200xi32, #tpu.memory_space<vmem>>) semaphore(%dma_start3A_741 : memref<!tpu.dma_semaphore, #tpu.memory_space<semaphore_mem>>)
    %dma_wait3A_742 = arith.constant 0 : i32
    %dma_wait3A_743 = arith.constant 3 : i32
    %dma_wait3A_744 = arith.constant 3 : i32
    %dma_wait3A_745 = arith.constant 0 : i32
    %dma_wait3A_746 = arith.constant 0 : i32
    %dma_wait3A_747 = tpu.memref_slice %arg6[%dma_wait3A_743, %dma_wait3A_745, %dma_wait3A_746] : memref<8x200x64xf32, #tpu.memory_space<vmem>> -> memref<1x200x64xf32, #tpu.memory_space<vmem>>
    %dma_wait3A_748 = tpu.memref_squeeze %dma_wait3A_747 : memref<1x200x64xf32, #tpu.memory_space<vmem>> -> memref<200x64xf32, #tpu.memory_space<vmem>>
    %dma_wait3A_749 = arith.constant 0 : i32
    %dma_wait3A_750 = tpu.memref_slice %arg5[%dma_wait3A_742, %dma_wait3A_749] : memref<128x200xi32, #tpu.memory_space<vmem>> -> memref<1x200xi32, #tpu.memory_space<vmem>>
    %dma_wait3A_751 = tpu.memref_squeeze %dma_wait3A_750 : memref<1x200xi32, #tpu.memory_space<vmem>> -> memref<200xi32, #tpu.memory_space<vmem>>
    %dma_wait3A_752 = arith.constant 0 : i32
    %dma_wait3A_753 = arith.constant 0 : i32
    %dma_wait3A_754 = tpu.memref_slice %arg3[%dma_wait3A_752, %dma_wait3A_753] : memref<1000000x64xf32, #tpu.memory_space<hbm>> -> memref<1000000x64xf32, #tpu.memory_space<hbm>>
    %dma_wait3A_755 = tpu.memref_slice %arg7[%dma_wait3A_744] : memref<8x!tpu.dma_semaphore, #tpu.memory_space<semaphore_mem>> -> memref<1x!tpu.dma_semaphore, #tpu.memory_space<semaphore_mem>>
    %dma_wait3A_756 = tpu.memref_squeeze %dma_wait3A_755 : memref<1x!tpu.dma_semaphore, #tpu.memory_space<semaphore_mem>> -> memref<!tpu.dma_semaphore, #tpu.memory_space<semaphore_mem>>
    tpu.wait_indirect_dma semaphore(%dma_wait3A_756 : memref<!tpu.dma_semaphore, #tpu.memory_space<semaphore_mem>>) src(%dma_wait3A_754 : memref<1000000x64xf32, #tpu.memory_space<hbm>>) dst(%dma_wait3A_748 : memref<200x64xf32, #tpu.memory_space<vmem>>)
    %add3A_757 = arith.constant 123 : i32
    %add3A_758 = arith.addi %mul3A_2, %add3A_757 : i32
    %mul3A_759 = arith.constant 200 : i32
    %mul3A_760 = arith.muli %add3A_758, %mul3A_759 : i32
    %dma_start3A_761 = arith.constant 3 : i32
    %dma_start3A_762 = arith.constant 3 : i32
    %dma_start3A_763 = arith.constant 0 : i32
    %dma_start3A_764 = arith.constant 0 : i32
    %dma_start3A_765 = tpu.memref_slice %arg6[%dma_start3A_761, %dma_start3A_763, %dma_start3A_764] : memref<8x200x64xf32, #tpu.memory_space<vmem>> -> memref<1x200x64xf32, #tpu.memory_space<vmem>>
    %dma_start3A_766 = tpu.memref_squeeze %dma_start3A_765 : memref<1x200x64xf32, #tpu.memory_space<vmem>> -> memref<200x64xf32, #tpu.memory_space<vmem>>
    %dma_start3A_767 = arith.constant 0 : i32
    %dma_start3A_768 = tpu.memref_slice %arg4[%mul3A_760, %dma_start3A_767] : memref<819200x64xf32, #tpu.memory_space<hbm>> -> memref<200x64xf32, #tpu.memory_space<hbm>>
    %dma_start3A_769 = tpu.memref_slice %arg8[%dma_start3A_762] : memref<8x!tpu.dma_semaphore, #tpu.memory_space<semaphore_mem>> -> memref<1x!tpu.dma_semaphore, #tpu.memory_space<semaphore_mem>>
    %dma_start3A_770 = tpu.memref_squeeze %dma_start3A_769 : memref<1x!tpu.dma_semaphore, #tpu.memory_space<semaphore_mem>> -> memref<!tpu.dma_semaphore, #tpu.memory_space<semaphore_mem>>
    %dma_start3A_771 = arith.constant 0 : i32
    %dma_start3A_772 = tpu.memref_slice %arg4[%mul3A_760, %dma_start3A_771] : memref<819200x64xf32, #tpu.memory_space<hbm>> -> memref<200x64xf32, #tpu.memory_space<hbm>>
    %dma_start3A_773 = arith.constant 0 : i32
    %dma_start3A_774 = arith.constant 0 : i32
    %dma_start3A_775 = tpu.memref_slice %arg6[%dma_start3A_761, %dma_start3A_773, %dma_start3A_774] : memref<8x200x64xf32, #tpu.memory_space<vmem>> -> memref<1x200x64xf32, #tpu.memory_space<vmem>>
    %dma_start3A_776 = tpu.memref_squeeze %dma_start3A_775 : memref<1x200x64xf32, #tpu.memory_space<vmem>> -> memref<200x64xf32, #tpu.memory_space<vmem>>
    tpu.enqueue_dma source(%dma_start3A_776 : memref<200x64xf32, #tpu.memory_space<vmem>>) target(%dma_start3A_772 : memref<200x64xf32, #tpu.memory_space<hbm>>) target_semaphore(%dma_start3A_770 : memref<!tpu.dma_semaphore, #tpu.memory_space<semaphore_mem>>)
    %dma_wait3A_777 = arith.constant 7 : i32
    %dma_wait3A_778 = arith.constant 7 : i32
    %dma_wait3A_779 = arith.constant 0 : i32
    %dma_wait3A_780 = arith.constant 0 : i32
    %dma_wait3A_781 = tpu.memref_slice %arg6[%dma_wait3A_777, %dma_wait3A_779, %dma_wait3A_780] : memref<8x200x64xf32, #tpu.memory_space<vmem>> -> memref<1x200x64xf32, #tpu.memory_space<vmem>>
    %dma_wait3A_782 = tpu.memref_squeeze %dma_wait3A_781 : memref<1x200x64xf32, #tpu.memory_space<vmem>> -> memref<200x64xf32, #tpu.memory_space<vmem>>
    %dma_wait3A_783 = arith.constant 0 : i32
    %dma_wait3A_784 = arith.constant 0 : i32
    %dma_wait3A_785 = tpu.memref_slice %arg4[%dma_wait3A_783, %dma_wait3A_784] : memref<819200x64xf32, #tpu.memory_space<hbm>> -> memref<200x64xf32, #tpu.memory_space<hbm>>
    %dma_wait3A_786 = tpu.memref_slice %arg8[%dma_wait3A_778] : memref<8x!tpu.dma_semaphore, #tpu.memory_space<semaphore_mem>> -> memref<1x!tpu.dma_semaphore, #tpu.memory_space<semaphore_mem>>
    %dma_wait3A_787 = tpu.memref_squeeze %dma_wait3A_786 : memref<1x!tpu.dma_semaphore, #tpu.memory_space<semaphore_mem>> -> memref<!tpu.dma_semaphore, #tpu.memory_space<semaphore_mem>>
    %dma_wait3A_788 = arith.constant 0 : i32
    %dma_wait3A_789 = arith.constant 0 : i32
    %dma_wait3A_790 = tpu.memref_slice %arg4[%dma_wait3A_788, %dma_wait3A_789] : memref<819200x64xf32, #tpu.memory_space<hbm>> -> memref<200x64xf32, #tpu.memory_space<hbm>>
    %dma_wait3A_791 = arith.constant 0 : i32
    %dma_wait3A_792 = arith.constant 0 : i32
    %dma_wait3A_793 = tpu.memref_slice %arg6[%dma_wait3A_777, %dma_wait3A_791, %dma_wait3A_792] : memref<8x200x64xf32, #tpu.memory_space<vmem>> -> memref<1x200x64xf32, #tpu.memory_space<vmem>>
    %dma_wait3A_794 = tpu.memref_squeeze %dma_wait3A_793 : memref<1x200x64xf32, #tpu.memory_space<vmem>> -> memref<200x64xf32, #tpu.memory_space<vmem>>
    tpu.wait_dma2 semaphore(%dma_wait3A_787 : memref<!tpu.dma_semaphore, #tpu.memory_space<semaphore_mem>>) src(%dma_wait3A_794 : memref<200x64xf32, #tpu.memory_space<vmem>>) dst(%dma_wait3A_790 : memref<200x64xf32, #tpu.memory_space<hbm>>)
    %dma_start3A_795 = arith.constant 127 : i32
    %dma_start3A_796 = arith.constant 7 : i32
    %dma_start3A_797 = arith.constant 7 : i32
    %dma_start3A_798 = arith.constant 0 : i32
    %dma_start3A_799 = arith.constant 0 : i32
    %dma_start3A_800 = tpu.memref_slice %arg6[%dma_start3A_796, %dma_start3A_798, %dma_start3A_799] : memref<8x200x64xf32, #tpu.memory_space<vmem>> -> memref<1x200x64xf32, #tpu.memory_space<vmem>>
    %dma_start3A_801 = tpu.memref_squeeze %dma_start3A_800 : memref<1x200x64xf32, #tpu.memory_space<vmem>> -> memref<200x64xf32, #tpu.memory_space<vmem>>
    %dma_start3A_802 = arith.constant 0 : i32
    %dma_start3A_803 = tpu.memref_slice %arg5[%dma_start3A_795, %dma_start3A_802] : memref<128x200xi32, #tpu.memory_space<vmem>> -> memref<1x200xi32, #tpu.memory_space<vmem>>
    %dma_start3A_804 = tpu.memref_squeeze %dma_start3A_803 : memref<1x200xi32, #tpu.memory_space<vmem>> -> memref<200xi32, #tpu.memory_space<vmem>>
    %dma_start3A_805 = arith.constant 0 : i32
    %dma_start3A_806 = arith.constant 0 : i32
    %dma_start3A_807 = tpu.memref_slice %arg3[%dma_start3A_805, %dma_start3A_806] : memref<1000000x64xf32, #tpu.memory_space<hbm>> -> memref<1000000x64xf32, #tpu.memory_space<hbm>>
    %dma_start3A_808 = tpu.memref_slice %arg7[%dma_start3A_797] : memref<8x!tpu.dma_semaphore, #tpu.memory_space<semaphore_mem>> -> memref<1x!tpu.dma_semaphore, #tpu.memory_space<semaphore_mem>>
    %dma_start3A_809 = tpu.memref_squeeze %dma_start3A_808 : memref<1x!tpu.dma_semaphore, #tpu.memory_space<semaphore_mem>> -> memref<!tpu.dma_semaphore, #tpu.memory_space<semaphore_mem>>
    tpu.enqueue_indirect_dma source(%dma_start3A_807 : memref<1000000x64xf32, #tpu.memory_space<hbm>>) target(%dma_start3A_801 : memref<200x64xf32, #tpu.memory_space<vmem>>) offsets(%dma_start3A_804 : memref<200xi32, #tpu.memory_space<vmem>>) semaphore(%dma_start3A_809 : memref<!tpu.dma_semaphore, #tpu.memory_space<semaphore_mem>>)
    %dma_wait3A_810 = arith.constant 0 : i32
    %dma_wait3A_811 = arith.constant 4 : i32
    %dma_wait3A_812 = arith.constant 4 : i32
    %dma_wait3A_813 = arith.constant 0 : i32
    %dma_wait3A_814 = arith.constant 0 : i32
    %dma_wait3A_815 = tpu.memref_slice %arg6[%dma_wait3A_811, %dma_wait3A_813, %dma_wait3A_814] : memref<8x200x64xf32, #tpu.memory_space<vmem>> -> memref<1x200x64xf32, #tpu.memory_space<vmem>>
    %dma_wait3A_816 = tpu.memref_squeeze %dma_wait3A_815 : memref<1x200x64xf32, #tpu.memory_space<vmem>> -> memref<200x64xf32, #tpu.memory_space<vmem>>
    %dma_wait3A_817 = arith.constant 0 : i32
    %dma_wait3A_818 = tpu.memref_slice %arg5[%dma_wait3A_810, %dma_wait3A_817] : memref<128x200xi32, #tpu.memory_space<vmem>> -> memref<1x200xi32, #tpu.memory_space<vmem>>
    %dma_wait3A_819 = tpu.memref_squeeze %dma_wait3A_818 : memref<1x200xi32, #tpu.memory_space<vmem>> -> memref<200xi32, #tpu.memory_space<vmem>>
    %dma_wait3A_820 = arith.constant 0 : i32
    %dma_wait3A_821 = arith.constant 0 : i32
    %dma_wait3A_822 = tpu.memref_slice %arg3[%dma_wait3A_820, %dma_wait3A_821] : memref<1000000x64xf32, #tpu.memory_space<hbm>> -> memref<1000000x64xf32, #tpu.memory_space<hbm>>
    %dma_wait3A_823 = tpu.memref_slice %arg7[%dma_wait3A_812] : memref<8x!tpu.dma_semaphore, #tpu.memory_space<semaphore_mem>> -> memref<1x!tpu.dma_semaphore, #tpu.memory_space<semaphore_mem>>
    %dma_wait3A_824 = tpu.memref_squeeze %dma_wait3A_823 : memref<1x!tpu.dma_semaphore, #tpu.memory_space<semaphore_mem>> -> memref<!tpu.dma_semaphore, #tpu.memory_space<semaphore_mem>>
    tpu.wait_indirect_dma semaphore(%dma_wait3A_824 : memref<!tpu.dma_semaphore, #tpu.memory_space<semaphore_mem>>) src(%dma_wait3A_822 : memref<1000000x64xf32, #tpu.memory_space<hbm>>) dst(%dma_wait3A_816 : memref<200x64xf32, #tpu.memory_space<vmem>>)
    %add3A_825 = arith.constant 124 : i32
    %add3A_826 = arith.addi %mul3A_2, %add3A_825 : i32
    %mul3A_827 = arith.constant 200 : i32
    %mul3A_828 = arith.muli %add3A_826, %mul3A_827 : i32
    %dma_start3A_829 = arith.constant 4 : i32
    %dma_start3A_830 = arith.constant 4 : i32
    %dma_start3A_831 = arith.constant 0 : i32
    %dma_start3A_832 = arith.constant 0 : i32
    %dma_start3A_833 = tpu.memref_slice %arg6[%dma_start3A_829, %dma_start3A_831, %dma_start3A_832] : memref<8x200x64xf32, #tpu.memory_space<vmem>> -> memref<1x200x64xf32, #tpu.memory_space<vmem>>
    %dma_start3A_834 = tpu.memref_squeeze %dma_start3A_833 : memref<1x200x64xf32, #tpu.memory_space<vmem>> -> memref<200x64xf32, #tpu.memory_space<vmem>>
    %dma_start3A_835 = arith.constant 0 : i32
    %dma_start3A_836 = tpu.memref_slice %arg4[%mul3A_828, %dma_start3A_835] : memref<819200x64xf32, #tpu.memory_space<hbm>> -> memref<200x64xf32, #tpu.memory_space<hbm>>
    %dma_start3A_837 = tpu.memref_slice %arg8[%dma_start3A_830] : memref<8x!tpu.dma_semaphore, #tpu.memory_space<semaphore_mem>> -> memref<1x!tpu.dma_semaphore, #tpu.memory_space<semaphore_mem>>
    %dma_start3A_838 = tpu.memref_squeeze %dma_start3A_837 : memref<1x!tpu.dma_semaphore, #tpu.memory_space<semaphore_mem>> -> memref<!tpu.dma_semaphore, #tpu.memory_space<semaphore_mem>>
    %dma_start3A_839 = arith.constant 0 : i32
    %dma_start3A_840 = tpu.memref_slice %arg4[%mul3A_828, %dma_start3A_839] : memref<819200x64xf32, #tpu.memory_space<hbm>> -> memref<200x64xf32, #tpu.memory_space<hbm>>
    %dma_start3A_841 = arith.constant 0 : i32
    %dma_start3A_842 = arith.constant 0 : i32
    %dma_start3A_843 = tpu.memref_slice %arg6[%dma_start3A_829, %dma_start3A_841, %dma_start3A_842] : memref<8x200x64xf32, #tpu.memory_space<vmem>> -> memref<1x200x64xf32, #tpu.memory_space<vmem>>
    %dma_start3A_844 = tpu.memref_squeeze %dma_start3A_843 : memref<1x200x64xf32, #tpu.memory_space<vmem>> -> memref<200x64xf32, #tpu.memory_space<vmem>>
    tpu.enqueue_dma source(%dma_start3A_844 : memref<200x64xf32, #tpu.memory_space<vmem>>) target(%dma_start3A_840 : memref<200x64xf32, #tpu.memory_space<hbm>>) target_semaphore(%dma_start3A_838 : memref<!tpu.dma_semaphore, #tpu.memory_space<semaphore_mem>>)
    %dma_wait3A_845 = arith.constant 0 : i32
    %dma_wait3A_846 = arith.constant 5 : i32
    %dma_wait3A_847 = arith.constant 5 : i32
    %dma_wait3A_848 = arith.constant 0 : i32
    %dma_wait3A_849 = arith.constant 0 : i32
    %dma_wait3A_850 = tpu.memref_slice %arg6[%dma_wait3A_846, %dma_wait3A_848, %dma_wait3A_849] : memref<8x200x64xf32, #tpu.memory_space<vmem>> -> memref<1x200x64xf32, #tpu.memory_space<vmem>>
    %dma_wait3A_851 = tpu.memref_squeeze %dma_wait3A_850 : memref<1x200x64xf32, #tpu.memory_space<vmem>> -> memref<200x64xf32, #tpu.memory_space<vmem>>
    %dma_wait3A_852 = arith.constant 0 : i32
    %dma_wait3A_853 = tpu.memref_slice %arg5[%dma_wait3A_845, %dma_wait3A_852] : memref<128x200xi32, #tpu.memory_space<vmem>> -> memref<1x200xi32, #tpu.memory_space<vmem>>
    %dma_wait3A_854 = tpu.memref_squeeze %dma_wait3A_853 : memref<1x200xi32, #tpu.memory_space<vmem>> -> memref<200xi32, #tpu.memory_space<vmem>>
    %dma_wait3A_855 = arith.constant 0 : i32
    %dma_wait3A_856 = arith.constant 0 : i32
    %dma_wait3A_857 = tpu.memref_slice %arg3[%dma_wait3A_855, %dma_wait3A_856] : memref<1000000x64xf32, #tpu.memory_space<hbm>> -> memref<1000000x64xf32, #tpu.memory_space<hbm>>
    %dma_wait3A_858 = tpu.memref_slice %arg7[%dma_wait3A_847] : memref<8x!tpu.dma_semaphore, #tpu.memory_space<semaphore_mem>> -> memref<1x!tpu.dma_semaphore, #tpu.memory_space<semaphore_mem>>
    %dma_wait3A_859 = tpu.memref_squeeze %dma_wait3A_858 : memref<1x!tpu.dma_semaphore, #tpu.memory_space<semaphore_mem>> -> memref<!tpu.dma_semaphore, #tpu.memory_space<semaphore_mem>>
    tpu.wait_indirect_dma semaphore(%dma_wait3A_859 : memref<!tpu.dma_semaphore, #tpu.memory_space<semaphore_mem>>) src(%dma_wait3A_857 : memref<1000000x64xf32, #tpu.memory_space<hbm>>) dst(%dma_wait3A_851 : memref<200x64xf32, #tpu.memory_space<vmem>>)
    %add3A_860 = arith.constant 125 : i32
    %add3A_861 = arith.addi %mul3A_2, %add3A_860 : i32
    %mul3A_862 = arith.constant 200 : i32
    %mul3A_863 = arith.muli %add3A_861, %mul3A_862 : i32
    %dma_start3A_864 = arith.constant 5 : i32
    %dma_start3A_865 = arith.constant 5 : i32
    %dma_start3A_866 = arith.constant 0 : i32
    %dma_start3A_867 = arith.constant 0 : i32
    %dma_start3A_868 = tpu.memref_slice %arg6[%dma_start3A_864, %dma_start3A_866, %dma_start3A_867] : memref<8x200x64xf32, #tpu.memory_space<vmem>> -> memref<1x200x64xf32, #tpu.memory_space<vmem>>
    %dma_start3A_869 = tpu.memref_squeeze %dma_start3A_868 : memref<1x200x64xf32, #tpu.memory_space<vmem>> -> memref<200x64xf32, #tpu.memory_space<vmem>>
    %dma_start3A_870 = arith.constant 0 : i32
    %dma_start3A_871 = tpu.memref_slice %arg4[%mul3A_863, %dma_start3A_870] : memref<819200x64xf32, #tpu.memory_space<hbm>> -> memref<200x64xf32, #tpu.memory_space<hbm>>
    %dma_start3A_872 = tpu.memref_slice %arg8[%dma_start3A_865] : memref<8x!tpu.dma_semaphore, #tpu.memory_space<semaphore_mem>> -> memref<1x!tpu.dma_semaphore, #tpu.memory_space<semaphore_mem>>
    %dma_start3A_873 = tpu.memref_squeeze %dma_start3A_872 : memref<1x!tpu.dma_semaphore, #tpu.memory_space<semaphore_mem>> -> memref<!tpu.dma_semaphore, #tpu.memory_space<semaphore_mem>>
    %dma_start3A_874 = arith.constant 0 : i32
    %dma_start3A_875 = tpu.memref_slice %arg4[%mul3A_863, %dma_start3A_874] : memref<819200x64xf32, #tpu.memory_space<hbm>> -> memref<200x64xf32, #tpu.memory_space<hbm>>
    %dma_start3A_876 = arith.constant 0 : i32
    %dma_start3A_877 = arith.constant 0 : i32
    %dma_start3A_878 = tpu.memref_slice %arg6[%dma_start3A_864, %dma_start3A_876, %dma_start3A_877] : memref<8x200x64xf32, #tpu.memory_space<vmem>> -> memref<1x200x64xf32, #tpu.memory_space<vmem>>
    %dma_start3A_879 = tpu.memref_squeeze %dma_start3A_878 : memref<1x200x64xf32, #tpu.memory_space<vmem>> -> memref<200x64xf32, #tpu.memory_space<vmem>>
    tpu.enqueue_dma source(%dma_start3A_879 : memref<200x64xf32, #tpu.memory_space<vmem>>) target(%dma_start3A_875 : memref<200x64xf32, #tpu.memory_space<hbm>>) target_semaphore(%dma_start3A_873 : memref<!tpu.dma_semaphore, #tpu.memory_space<semaphore_mem>>)
    %dma_wait3A_880 = arith.constant 0 : i32
    %dma_wait3A_881 = arith.constant 6 : i32
    %dma_wait3A_882 = arith.constant 6 : i32
    %dma_wait3A_883 = arith.constant 0 : i32
    %dma_wait3A_884 = arith.constant 0 : i32
    %dma_wait3A_885 = tpu.memref_slice %arg6[%dma_wait3A_881, %dma_wait3A_883, %dma_wait3A_884] : memref<8x200x64xf32, #tpu.memory_space<vmem>> -> memref<1x200x64xf32, #tpu.memory_space<vmem>>
    %dma_wait3A_886 = tpu.memref_squeeze %dma_wait3A_885 : memref<1x200x64xf32, #tpu.memory_space<vmem>> -> memref<200x64xf32, #tpu.memory_space<vmem>>
    %dma_wait3A_887 = arith.constant 0 : i32
    %dma_wait3A_888 = tpu.memref_slice %arg5[%dma_wait3A_880, %dma_wait3A_887] : memref<128x200xi32, #tpu.memory_space<vmem>> -> memref<1x200xi32, #tpu.memory_space<vmem>>
    %dma_wait3A_889 = tpu.memref_squeeze %dma_wait3A_888 : memref<1x200xi32, #tpu.memory_space<vmem>> -> memref<200xi32, #tpu.memory_space<vmem>>
    %dma_wait3A_890 = arith.constant 0 : i32
    %dma_wait3A_891 = arith.constant 0 : i32
    %dma_wait3A_892 = tpu.memref_slice %arg3[%dma_wait3A_890, %dma_wait3A_891] : memref<1000000x64xf32, #tpu.memory_space<hbm>> -> memref<1000000x64xf32, #tpu.memory_space<hbm>>
    %dma_wait3A_893 = tpu.memref_slice %arg7[%dma_wait3A_882] : memref<8x!tpu.dma_semaphore, #tpu.memory_space<semaphore_mem>> -> memref<1x!tpu.dma_semaphore, #tpu.memory_space<semaphore_mem>>
    %dma_wait3A_894 = tpu.memref_squeeze %dma_wait3A_893 : memref<1x!tpu.dma_semaphore, #tpu.memory_space<semaphore_mem>> -> memref<!tpu.dma_semaphore, #tpu.memory_space<semaphore_mem>>
    tpu.wait_indirect_dma semaphore(%dma_wait3A_894 : memref<!tpu.dma_semaphore, #tpu.memory_space<semaphore_mem>>) src(%dma_wait3A_892 : memref<1000000x64xf32, #tpu.memory_space<hbm>>) dst(%dma_wait3A_886 : memref<200x64xf32, #tpu.memory_space<vmem>>)
    %add3A_895 = arith.constant 126 : i32
    %add3A_896 = arith.addi %mul3A_2, %add3A_895 : i32
    %mul3A_897 = arith.constant 200 : i32
    %mul3A_898 = arith.muli %add3A_896, %mul3A_897 : i32
    %dma_start3A_899 = arith.constant 6 : i32
    %dma_start3A_900 = arith.constant 6 : i32
    %dma_start3A_901 = arith.constant 0 : i32
    %dma_start3A_902 = arith.constant 0 : i32
    %dma_start3A_903 = tpu.memref_slice %arg6[%dma_start3A_899, %dma_start3A_901, %dma_start3A_902] : memref<8x200x64xf32, #tpu.memory_space<vmem>> -> memref<1x200x64xf32, #tpu.memory_space<vmem>>
    %dma_start3A_904 = tpu.memref_squeeze %dma_start3A_903 : memref<1x200x64xf32, #tpu.memory_space<vmem>> -> memref<200x64xf32, #tpu.memory_space<vmem>>
    %dma_start3A_905 = arith.constant 0 : i32
    %dma_start3A_906 = tpu.memref_slice %arg4[%mul3A_898, %dma_start3A_905] : memref<819200x64xf32, #tpu.memory_space<hbm>> -> memref<200x64xf32, #tpu.memory_space<hbm>>
    %dma_start3A_907 = tpu.memref_slice %arg8[%dma_start3A_900] : memref<8x!tpu.dma_semaphore, #tpu.memory_space<semaphore_mem>> -> memref<1x!tpu.dma_semaphore, #tpu.memory_space<semaphore_mem>>
    %dma_start3A_908 = tpu.memref_squeeze %dma_start3A_907 : memref<1x!tpu.dma_semaphore, #tpu.memory_space<semaphore_mem>> -> memref<!tpu.dma_semaphore, #tpu.memory_space<semaphore_mem>>
    %dma_start3A_909 = arith.constant 0 : i32
    %dma_start3A_910 = tpu.memref_slice %arg4[%mul3A_898, %dma_start3A_909] : memref<819200x64xf32, #tpu.memory_space<hbm>> -> memref<200x64xf32, #tpu.memory_space<hbm>>
    %dma_start3A_911 = arith.constant 0 : i32
    %dma_start3A_912 = arith.constant 0 : i32
    %dma_start3A_913 = tpu.memref_slice %arg6[%dma_start3A_899, %dma_start3A_911, %dma_start3A_912] : memref<8x200x64xf32, #tpu.memory_space<vmem>> -> memref<1x200x64xf32, #tpu.memory_space<vmem>>
    %dma_start3A_914 = tpu.memref_squeeze %dma_start3A_913 : memref<1x200x64xf32, #tpu.memory_space<vmem>> -> memref<200x64xf32, #tpu.memory_space<vmem>>
    tpu.enqueue_dma source(%dma_start3A_914 : memref<200x64xf32, #tpu.memory_space<vmem>>) target(%dma_start3A_910 : memref<200x64xf32, #tpu.memory_space<hbm>>) target_semaphore(%dma_start3A_908 : memref<!tpu.dma_semaphore, #tpu.memory_space<semaphore_mem>>)
    %dma_wait3A_915 = arith.constant 0 : i32
    %dma_wait3A_916 = arith.constant 7 : i32
    %dma_wait3A_917 = arith.constant 7 : i32
    %dma_wait3A_918 = arith.constant 0 : i32
    %dma_wait3A_919 = arith.constant 0 : i32
    %dma_wait3A_920 = tpu.memref_slice %arg6[%dma_wait3A_916, %dma_wait3A_918, %dma_wait3A_919] : memref<8x200x64xf32, #tpu.memory_space<vmem>> -> memref<1x200x64xf32, #tpu.memory_space<vmem>>
    %dma_wait3A_921 = tpu.memref_squeeze %dma_wait3A_920 : memref<1x200x64xf32, #tpu.memory_space<vmem>> -> memref<200x64xf32, #tpu.memory_space<vmem>>
    %dma_wait3A_922 = arith.constant 0 : i32
    %dma_wait3A_923 = tpu.memref_slice %arg5[%dma_wait3A_915, %dma_wait3A_922] : memref<128x200xi32, #tpu.memory_space<vmem>> -> memref<1x200xi32, #tpu.memory_space<vmem>>
    %dma_wait3A_924 = tpu.memref_squeeze %dma_wait3A_923 : memref<1x200xi32, #tpu.memory_space<vmem>> -> memref<200xi32, #tpu.memory_space<vmem>>
    %dma_wait3A_925 = arith.constant 0 : i32
    %dma_wait3A_926 = arith.constant 0 : i32
    %dma_wait3A_927 = tpu.memref_slice %arg3[%dma_wait3A_925, %dma_wait3A_926] : memref<1000000x64xf32, #tpu.memory_space<hbm>> -> memref<1000000x64xf32, #tpu.memory_space<hbm>>
    %dma_wait3A_928 = tpu.memref_slice %arg7[%dma_wait3A_917] : memref<8x!tpu.dma_semaphore, #tpu.memory_space<semaphore_mem>> -> memref<1x!tpu.dma_semaphore, #tpu.memory_space<semaphore_mem>>
    %dma_wait3A_929 = tpu.memref_squeeze %dma_wait3A_928 : memref<1x!tpu.dma_semaphore, #tpu.memory_space<semaphore_mem>> -> memref<!tpu.dma_semaphore, #tpu.memory_space<semaphore_mem>>
    tpu.wait_indirect_dma semaphore(%dma_wait3A_929 : memref<!tpu.dma_semaphore, #tpu.memory_space<semaphore_mem>>) src(%dma_wait3A_927 : memref<1000000x64xf32, #tpu.memory_space<hbm>>) dst(%dma_wait3A_921 : memref<200x64xf32, #tpu.memory_space<vmem>>)
    %add3A_930 = arith.constant 127 : i32
    %add3A_931 = arith.addi %mul3A_2, %add3A_930 : i32
    %mul3A_932 = arith.constant 200 : i32
    %mul3A_933 = arith.muli %add3A_931, %mul3A_932 : i32
    %dma_start3A_934 = arith.constant 7 : i32
    %dma_start3A_935 = arith.constant 7 : i32
    %dma_start3A_936 = arith.constant 0 : i32
    %dma_start3A_937 = arith.constant 0 : i32
    %dma_start3A_938 = tpu.memref_slice %arg6[%dma_start3A_934, %dma_start3A_936, %dma_start3A_937] : memref<8x200x64xf32, #tpu.memory_space<vmem>> -> memref<1x200x64xf32, #tpu.memory_space<vmem>>
    %dma_start3A_939 = tpu.memref_squeeze %dma_start3A_938 : memref<1x200x64xf32, #tpu.memory_space<vmem>> -> memref<200x64xf32, #tpu.memory_space<vmem>>
    %dma_start3A_940 = arith.constant 0 : i32
    %dma_start3A_941 = tpu.memref_slice %arg4[%mul3A_933, %dma_start3A_940] : memref<819200x64xf32, #tpu.memory_space<hbm>> -> memref<200x64xf32, #tpu.memory_space<hbm>>
    %dma_start3A_942 = tpu.memref_slice %arg8[%dma_start3A_935] : memref<8x!tpu.dma_semaphore, #tpu.memory_space<semaphore_mem>> -> memref<1x!tpu.dma_semaphore, #tpu.memory_space<semaphore_mem>>
    %dma_start3A_943 = tpu.memref_squeeze %dma_start3A_942 : memref<1x!tpu.dma_semaphore, #tpu.memory_space<semaphore_mem>> -> memref<!tpu.dma_semaphore, #tpu.memory_space<semaphore_mem>>
    %dma_start3A_944 = arith.constant 0 : i32
    %dma_start3A_945 = tpu.memref_slice %arg4[%mul3A_933, %dma_start3A_944] : memref<819200x64xf32, #tpu.memory_space<hbm>> -> memref<200x64xf32, #tpu.memory_space<hbm>>
    %dma_start3A_946 = arith.constant 0 : i32
    %dma_start3A_947 = arith.constant 0 : i32
    %dma_start3A_948 = tpu.memref_slice %arg6[%dma_start3A_934, %dma_start3A_946, %dma_start3A_947] : memref<8x200x64xf32, #tpu.memory_space<vmem>> -> memref<1x200x64xf32, #tpu.memory_space<vmem>>
    %dma_start3A_949 = tpu.memref_squeeze %dma_start3A_948 : memref<1x200x64xf32, #tpu.memory_space<vmem>> -> memref<200x64xf32, #tpu.memory_space<vmem>>
    tpu.enqueue_dma source(%dma_start3A_949 : memref<200x64xf32, #tpu.memory_space<vmem>>) target(%dma_start3A_945 : memref<200x64xf32, #tpu.memory_space<hbm>>) target_semaphore(%dma_start3A_943 : memref<!tpu.dma_semaphore, #tpu.memory_space<semaphore_mem>>)
    %dma_wait3A_950 = arith.constant 0 : i32
    %dma_wait3A_951 = arith.constant 0 : i32
    %dma_wait3A_952 = arith.constant 0 : i32
    %dma_wait3A_953 = arith.constant 0 : i32
    %dma_wait3A_954 = tpu.memref_slice %arg6[%dma_wait3A_950, %dma_wait3A_952, %dma_wait3A_953] : memref<8x200x64xf32, #tpu.memory_space<vmem>> -> memref<1x200x64xf32, #tpu.memory_space<vmem>>
    %dma_wait3A_955 = tpu.memref_squeeze %dma_wait3A_954 : memref<1x200x64xf32, #tpu.memory_space<vmem>> -> memref<200x64xf32, #tpu.memory_space<vmem>>
    %dma_wait3A_956 = arith.constant 0 : i32
    %dma_wait3A_957 = arith.constant 0 : i32
    %dma_wait3A_958 = tpu.memref_slice %arg4[%dma_wait3A_956, %dma_wait3A_957] : memref<819200x64xf32, #tpu.memory_space<hbm>> -> memref<200x64xf32, #tpu.memory_space<hbm>>
    %dma_wait3A_959 = tpu.memref_slice %arg8[%dma_wait3A_951] : memref<8x!tpu.dma_semaphore, #tpu.memory_space<semaphore_mem>> -> memref<1x!tpu.dma_semaphore, #tpu.memory_space<semaphore_mem>>
    %dma_wait3A_960 = tpu.memref_squeeze %dma_wait3A_959 : memref<1x!tpu.dma_semaphore, #tpu.memory_space<semaphore_mem>> -> memref<!tpu.dma_semaphore, #tpu.memory_space<semaphore_mem>>
    %dma_wait3A_961 = arith.constant 0 : i32
    %dma_wait3A_962 = arith.constant 0 : i32
    %dma_wait3A_963 = tpu.memref_slice %arg4[%dma_wait3A_961, %dma_wait3A_962] : memref<819200x64xf32, #tpu.memory_space<hbm>> -> memref<200x64xf32, #tpu.memory_space<hbm>>
    %dma_wait3A_964 = arith.constant 0 : i32
    %dma_wait3A_965 = arith.constant 0 : i32
    %dma_wait3A_966 = tpu.memref_slice %arg6[%dma_wait3A_950, %dma_wait3A_964, %dma_wait3A_965] : memref<8x200x64xf32, #tpu.memory_space<vmem>> -> memref<1x200x64xf32, #tpu.memory_space<vmem>>
    %dma_wait3A_967 = tpu.memref_squeeze %dma_wait3A_966 : memref<1x200x64xf32, #tpu.memory_space<vmem>> -> memref<200x64xf32, #tpu.memory_space<vmem>>
    tpu.wait_dma2 semaphore(%dma_wait3A_960 : memref<!tpu.dma_semaphore, #tpu.memory_space<semaphore_mem>>) src(%dma_wait3A_967 : memref<200x64xf32, #tpu.memory_space<vmem>>) dst(%dma_wait3A_963 : memref<200x64xf32, #tpu.memory_space<hbm>>)
    %dma_wait3A_968 = arith.constant 1 : i32
    %dma_wait3A_969 = arith.constant 1 : i32
    %dma_wait3A_970 = arith.constant 0 : i32
    %dma_wait3A_971 = arith.constant 0 : i32
    %dma_wait3A_972 = tpu.memref_slice %arg6[%dma_wait3A_968, %dma_wait3A_970, %dma_wait3A_971] : memref<8x200x64xf32, #tpu.memory_space<vmem>> -> memref<1x200x64xf32, #tpu.memory_space<vmem>>
    %dma_wait3A_973 = tpu.memref_squeeze %dma_wait3A_972 : memref<1x200x64xf32, #tpu.memory_space<vmem>> -> memref<200x64xf32, #tpu.memory_space<vmem>>
    %dma_wait3A_974 = arith.constant 0 : i32
    %dma_wait3A_975 = arith.constant 0 : i32
    %dma_wait3A_976 = tpu.memref_slice %arg4[%dma_wait3A_974, %dma_wait3A_975] : memref<819200x64xf32, #tpu.memory_space<hbm>> -> memref<200x64xf32, #tpu.memory_space<hbm>>
    %dma_wait3A_977 = tpu.memref_slice %arg8[%dma_wait3A_969] : memref<8x!tpu.dma_semaphore, #tpu.memory_space<semaphore_mem>> -> memref<1x!tpu.dma_semaphore, #tpu.memory_space<semaphore_mem>>
    %dma_wait3A_978 = tpu.memref_squeeze %dma_wait3A_977 : memref<1x!tpu.dma_semaphore, #tpu.memory_space<semaphore_mem>> -> memref<!tpu.dma_semaphore, #tpu.memory_space<semaphore_mem>>
    %dma_wait3A_979 = arith.constant 0 : i32
    %dma_wait3A_980 = arith.constant 0 : i32
    %dma_wait3A_981 = tpu.memref_slice %arg4[%dma_wait3A_979, %dma_wait3A_980] : memref<819200x64xf32, #tpu.memory_space<hbm>> -> memref<200x64xf32, #tpu.memory_space<hbm>>
    %dma_wait3A_982 = arith.constant 0 : i32
    %dma_wait3A_983 = arith.constant 0 : i32
    %dma_wait3A_984 = tpu.memref_slice %arg6[%dma_wait3A_968, %dma_wait3A_982, %dma_wait3A_983] : memref<8x200x64xf32, #tpu.memory_space<vmem>> -> memref<1x200x64xf32, #tpu.memory_space<vmem>>
    %dma_wait3A_985 = tpu.memref_squeeze %dma_wait3A_984 : memref<1x200x64xf32, #tpu.memory_space<vmem>> -> memref<200x64xf32, #tpu.memory_space<vmem>>
    tpu.wait_dma2 semaphore(%dma_wait3A_978 : memref<!tpu.dma_semaphore, #tpu.memory_space<semaphore_mem>>) src(%dma_wait3A_985 : memref<200x64xf32, #tpu.memory_space<vmem>>) dst(%dma_wait3A_981 : memref<200x64xf32, #tpu.memory_space<hbm>>)
    %dma_wait3A_986 = arith.constant 2 : i32
    %dma_wait3A_987 = arith.constant 2 : i32
    %dma_wait3A_988 = arith.constant 0 : i32
    %dma_wait3A_989 = arith.constant 0 : i32
    %dma_wait3A_990 = tpu.memref_slice %arg6[%dma_wait3A_986, %dma_wait3A_988, %dma_wait3A_989] : memref<8x200x64xf32, #tpu.memory_space<vmem>> -> memref<1x200x64xf32, #tpu.memory_space<vmem>>
    %dma_wait3A_991 = tpu.memref_squeeze %dma_wait3A_990 : memref<1x200x64xf32, #tpu.memory_space<vmem>> -> memref<200x64xf32, #tpu.memory_space<vmem>>
    %dma_wait3A_992 = arith.constant 0 : i32
    %dma_wait3A_993 = arith.constant 0 : i32
    %dma_wait3A_994 = tpu.memref_slice %arg4[%dma_wait3A_992, %dma_wait3A_993] : memref<819200x64xf32, #tpu.memory_space<hbm>> -> memref<200x64xf32, #tpu.memory_space<hbm>>
    %dma_wait3A_995 = tpu.memref_slice %arg8[%dma_wait3A_987] : memref<8x!tpu.dma_semaphore, #tpu.memory_space<semaphore_mem>> -> memref<1x!tpu.dma_semaphore, #tpu.memory_space<semaphore_mem>>
    %dma_wait3A_996 = tpu.memref_squeeze %dma_wait3A_995 : memref<1x!tpu.dma_semaphore, #tpu.memory_space<semaphore_mem>> -> memref<!tpu.dma_semaphore, #tpu.memory_space<semaphore_mem>>
    %dma_wait3A_997 = arith.constant 0 : i32
    %dma_wait3A_998 = arith.constant 0 : i32
    %dma_wait3A_999 = tpu.memref_slice %arg4[%dma_wait3A_997, %dma_wait3A_998] : memref<819200x64xf32, #tpu.memory_space<hbm>> -> memref<200x64xf32, #tpu.memory_space<hbm>>
    %dma_wait3A_1000 = arith.constant 0 : i32
    %dma_wait3A_1001 = arith.constant 0 : i32
    %dma_wait3A_1002 = tpu.memref_slice %arg6[%dma_wait3A_986, %dma_wait3A_1000, %dma_wait3A_1001] : memref<8x200x64xf32, #tpu.memory_space<vmem>> -> memref<1x200x64xf32, #tpu.memory_space<vmem>>
    %dma_wait3A_1003 = tpu.memref_squeeze %dma_wait3A_1002 : memref<1x200x64xf32, #tpu.memory_space<vmem>> -> memref<200x64xf32, #tpu.memory_space<vmem>>
    tpu.wait_dma2 semaphore(%dma_wait3A_996 : memref<!tpu.dma_semaphore, #tpu.memory_space<semaphore_mem>>) src(%dma_wait3A_1003 : memref<200x64xf32, #tpu.memory_space<vmem>>) dst(%dma_wait3A_999 : memref<200x64xf32, #tpu.memory_space<hbm>>)
    %dma_wait3A_1004 = arith.constant 3 : i32
    %dma_wait3A_1005 = arith.constant 3 : i32
    %dma_wait3A_1006 = arith.constant 0 : i32
    %dma_wait3A_1007 = arith.constant 0 : i32
    %dma_wait3A_1008 = tpu.memref_slice %arg6[%dma_wait3A_1004, %dma_wait3A_1006, %dma_wait3A_1007] : memref<8x200x64xf32, #tpu.memory_space<vmem>> -> memref<1x200x64xf32, #tpu.memory_space<vmem>>
    %dma_wait3A_1009 = tpu.memref_squeeze %dma_wait3A_1008 : memref<1x200x64xf32, #tpu.memory_space<vmem>> -> memref<200x64xf32, #tpu.memory_space<vmem>>
    %dma_wait3A_1010 = arith.constant 0 : i32
    %dma_wait3A_1011 = arith.constant 0 : i32
    %dma_wait3A_1012 = tpu.memref_slice %arg4[%dma_wait3A_1010, %dma_wait3A_1011] : memref<819200x64xf32, #tpu.memory_space<hbm>> -> memref<200x64xf32, #tpu.memory_space<hbm>>
    %dma_wait3A_1013 = tpu.memref_slice %arg8[%dma_wait3A_1005] : memref<8x!tpu.dma_semaphore, #tpu.memory_space<semaphore_mem>> -> memref<1x!tpu.dma_semaphore, #tpu.memory_space<semaphore_mem>>
    %dma_wait3A_1014 = tpu.memref_squeeze %dma_wait3A_1013 : memref<1x!tpu.dma_semaphore, #tpu.memory_space<semaphore_mem>> -> memref<!tpu.dma_semaphore, #tpu.memory_space<semaphore_mem>>
    %dma_wait3A_1015 = arith.constant 0 : i32
    %dma_wait3A_1016 = arith.constant 0 : i32
    %dma_wait3A_1017 = tpu.memref_slice %arg4[%dma_wait3A_1015, %dma_wait3A_1016] : memref<819200x64xf32, #tpu.memory_space<hbm>> -> memref<200x64xf32, #tpu.memory_space<hbm>>
    %dma_wait3A_1018 = arith.constant 0 : i32
    %dma_wait3A_1019 = arith.constant 0 : i32
    %dma_wait3A_1020 = tpu.memref_slice %arg6[%dma_wait3A_1004, %dma_wait3A_1018, %dma_wait3A_1019] : memref<8x200x64xf32, #tpu.memory_space<vmem>> -> memref<1x200x64xf32, #tpu.memory_space<vmem>>
    %dma_wait3A_1021 = tpu.memref_squeeze %dma_wait3A_1020 : memref<1x200x64xf32, #tpu.memory_space<vmem>> -> memref<200x64xf32, #tpu.memory_space<vmem>>
    tpu.wait_dma2 semaphore(%dma_wait3A_1014 : memref<!tpu.dma_semaphore, #tpu.memory_space<semaphore_mem>>) src(%dma_wait3A_1021 : memref<200x64xf32, #tpu.memory_space<vmem>>) dst(%dma_wait3A_1017 : memref<200x64xf32, #tpu.memory_space<hbm>>)
    %dma_wait3A_1022 = arith.constant 4 : i32
    %dma_wait3A_1023 = arith.constant 4 : i32
    %dma_wait3A_1024 = arith.constant 0 : i32
    %dma_wait3A_1025 = arith.constant 0 : i32
    %dma_wait3A_1026 = tpu.memref_slice %arg6[%dma_wait3A_1022, %dma_wait3A_1024, %dma_wait3A_1025] : memref<8x200x64xf32, #tpu.memory_space<vmem>> -> memref<1x200x64xf32, #tpu.memory_space<vmem>>
    %dma_wait3A_1027 = tpu.memref_squeeze %dma_wait3A_1026 : memref<1x200x64xf32, #tpu.memory_space<vmem>> -> memref<200x64xf32, #tpu.memory_space<vmem>>
    %dma_wait3A_1028 = arith.constant 0 : i32
    %dma_wait3A_1029 = arith.constant 0 : i32
    %dma_wait3A_1030 = tpu.memref_slice %arg4[%dma_wait3A_1028, %dma_wait3A_1029] : memref<819200x64xf32, #tpu.memory_space<hbm>> -> memref<200x64xf32, #tpu.memory_space<hbm>>
    %dma_wait3A_1031 = tpu.memref_slice %arg8[%dma_wait3A_1023] : memref<8x!tpu.dma_semaphore, #tpu.memory_space<semaphore_mem>> -> memref<1x!tpu.dma_semaphore, #tpu.memory_space<semaphore_mem>>
    %dma_wait3A_1032 = tpu.memref_squeeze %dma_wait3A_1031 : memref<1x!tpu.dma_semaphore, #tpu.memory_space<semaphore_mem>> -> memref<!tpu.dma_semaphore, #tpu.memory_space<semaphore_mem>>
    %dma_wait3A_1033 = arith.constant 0 : i32
    %dma_wait3A_1034 = arith.constant 0 : i32
    %dma_wait3A_1035 = tpu.memref_slice %arg4[%dma_wait3A_1033, %dma_wait3A_1034] : memref<819200x64xf32, #tpu.memory_space<hbm>> -> memref<200x64xf32, #tpu.memory_space<hbm>>
    %dma_wait3A_1036 = arith.constant 0 : i32
    %dma_wait3A_1037 = arith.constant 0 : i32
    %dma_wait3A_1038 = tpu.memref_slice %arg6[%dma_wait3A_1022, %dma_wait3A_1036, %dma_wait3A_1037] : memref<8x200x64xf32, #tpu.memory_space<vmem>> -> memref<1x200x64xf32, #tpu.memory_space<vmem>>
    %dma_wait3A_1039 = tpu.memref_squeeze %dma_wait3A_1038 : memref<1x200x64xf32, #tpu.memory_space<vmem>> -> memref<200x64xf32, #tpu.memory_space<vmem>>
    tpu.wait_dma2 semaphore(%dma_wait3A_1032 : memref<!tpu.dma_semaphore, #tpu.memory_space<semaphore_mem>>) src(%dma_wait3A_1039 : memref<200x64xf32, #tpu.memory_space<vmem>>) dst(%dma_wait3A_1035 : memref<200x64xf32, #tpu.memory_space<hbm>>)
    %dma_wait3A_1040 = arith.constant 5 : i32
    %dma_wait3A_1041 = arith.constant 5 : i32
    %dma_wait3A_1042 = arith.constant 0 : i32
    %dma_wait3A_1043 = arith.constant 0 : i32
    %dma_wait3A_1044 = tpu.memref_slice %arg6[%dma_wait3A_1040, %dma_wait3A_1042, %dma_wait3A_1043] : memref<8x200x64xf32, #tpu.memory_space<vmem>> -> memref<1x200x64xf32, #tpu.memory_space<vmem>>
    %dma_wait3A_1045 = tpu.memref_squeeze %dma_wait3A_1044 : memref<1x200x64xf32, #tpu.memory_space<vmem>> -> memref<200x64xf32, #tpu.memory_space<vmem>>
    %dma_wait3A_1046 = arith.constant 0 : i32
    %dma_wait3A_1047 = arith.constant 0 : i32
    %dma_wait3A_1048 = tpu.memref_slice %arg4[%dma_wait3A_1046, %dma_wait3A_1047] : memref<819200x64xf32, #tpu.memory_space<hbm>> -> memref<200x64xf32, #tpu.memory_space<hbm>>
    %dma_wait3A_1049 = tpu.memref_slice %arg8[%dma_wait3A_1041] : memref<8x!tpu.dma_semaphore, #tpu.memory_space<semaphore_mem>> -> memref<1x!tpu.dma_semaphore, #tpu.memory_space<semaphore_mem>>
    %dma_wait3A_1050 = tpu.memref_squeeze %dma_wait3A_1049 : memref<1x!tpu.dma_semaphore, #tpu.memory_space<semaphore_mem>> -> memref<!tpu.dma_semaphore, #tpu.memory_space<semaphore_mem>>
    %dma_wait3A_1051 = arith.constant 0 : i32
    %dma_wait3A_1052 = arith.constant 0 : i32
    %dma_wait3A_1053 = tpu.memref_slice %arg4[%dma_wait3A_1051, %dma_wait3A_1052] : memref<819200x64xf32, #tpu.memory_space<hbm>> -> memref<200x64xf32, #tpu.memory_space<hbm>>
    %dma_wait3A_1054 = arith.constant 0 : i32
    %dma_wait3A_1055 = arith.constant 0 : i32
    %dma_wait3A_1056 = tpu.memref_slice %arg6[%dma_wait3A_1040, %dma_wait3A_1054, %dma_wait3A_1055] : memref<8x200x64xf32, #tpu.memory_space<vmem>> -> memref<1x200x64xf32, #tpu.memory_space<vmem>>
    %dma_wait3A_1057 = tpu.memref_squeeze %dma_wait3A_1056 : memref<1x200x64xf32, #tpu.memory_space<vmem>> -> memref<200x64xf32, #tpu.memory_space<vmem>>
    tpu.wait_dma2 semaphore(%dma_wait3A_1050 : memref<!tpu.dma_semaphore, #tpu.memory_space<semaphore_mem>>) src(%dma_wait3A_1057 : memref<200x64xf32, #tpu.memory_space<vmem>>) dst(%dma_wait3A_1053 : memref<200x64xf32, #tpu.memory_space<hbm>>)
    %dma_wait3A_1058 = arith.constant 6 : i32
    %dma_wait3A_1059 = arith.constant 6 : i32
    %dma_wait3A_1060 = arith.constant 0 : i32
    %dma_wait3A_1061 = arith.constant 0 : i32
    %dma_wait3A_1062 = tpu.memref_slice %arg6[%dma_wait3A_1058, %dma_wait3A_1060, %dma_wait3A_1061] : memref<8x200x64xf32, #tpu.memory_space<vmem>> -> memref<1x200x64xf32, #tpu.memory_space<vmem>>
    %dma_wait3A_1063 = tpu.memref_squeeze %dma_wait3A_1062 : memref<1x200x64xf32, #tpu.memory_space<vmem>> -> memref<200x64xf32, #tpu.memory_space<vmem>>
    %dma_wait3A_1064 = arith.constant 0 : i32
    %dma_wait3A_1065 = arith.constant 0 : i32
    %dma_wait3A_1066 = tpu.memref_slice %arg4[%dma_wait3A_1064, %dma_wait3A_1065] : memref<819200x64xf32, #tpu.memory_space<hbm>> -> memref<200x64xf32, #tpu.memory_space<hbm>>
    %dma_wait3A_1067 = tpu.memref_slice %arg8[%dma_wait3A_1059] : memref<8x!tpu.dma_semaphore, #tpu.memory_space<semaphore_mem>> -> memref<1x!tpu.dma_semaphore, #tpu.memory_space<semaphore_mem>>
    %dma_wait3A_1068 = tpu.memref_squeeze %dma_wait3A_1067 : memref<1x!tpu.dma_semaphore, #tpu.memory_space<semaphore_mem>> -> memref<!tpu.dma_semaphore, #tpu.memory_space<semaphore_mem>>
    %dma_wait3A_1069 = arith.constant 0 : i32
    %dma_wait3A_1070 = arith.constant 0 : i32
    %dma_wait3A_1071 = tpu.memref_slice %arg4[%dma_wait3A_1069, %dma_wait3A_1070] : memref<819200x64xf32, #tpu.memory_space<hbm>> -> memref<200x64xf32, #tpu.memory_space<hbm>>
    %dma_wait3A_1072 = arith.constant 0 : i32
    %dma_wait3A_1073 = arith.constant 0 : i32
    %dma_wait3A_1074 = tpu.memref_slice %arg6[%dma_wait3A_1058, %dma_wait3A_1072, %dma_wait3A_1073] : memref<8x200x64xf32, #tpu.memory_space<vmem>> -> memref<1x200x64xf32, #tpu.memory_space<vmem>>
    %dma_wait3A_1075 = tpu.memref_squeeze %dma_wait3A_1074 : memref<1x200x64xf32, #tpu.memory_space<vmem>> -> memref<200x64xf32, #tpu.memory_space<vmem>>
    tpu.wait_dma2 semaphore(%dma_wait3A_1068 : memref<!tpu.dma_semaphore, #tpu.memory_space<semaphore_mem>>) src(%dma_wait3A_1075 : memref<200x64xf32, #tpu.memory_space<vmem>>) dst(%dma_wait3A_1071 : memref<200x64xf32, #tpu.memory_space<hbm>>)
    %dma_wait3A_1076 = arith.constant 7 : i32
    %dma_wait3A_1077 = arith.constant 7 : i32
    %dma_wait3A_1078 = arith.constant 0 : i32
    %dma_wait3A_1079 = arith.constant 0 : i32
    %dma_wait3A_1080 = tpu.memref_slice %arg6[%dma_wait3A_1076, %dma_wait3A_1078, %dma_wait3A_1079] : memref<8x200x64xf32, #tpu.memory_space<vmem>> -> memref<1x200x64xf32, #tpu.memory_space<vmem>>
    %dma_wait3A_1081 = tpu.memref_squeeze %dma_wait3A_1080 : memref<1x200x64xf32, #tpu.memory_space<vmem>> -> memref<200x64xf32, #tpu.memory_space<vmem>>
    %dma_wait3A_1082 = arith.constant 0 : i32
    %dma_wait3A_1083 = arith.constant 0 : i32
    %dma_wait3A_1084 = tpu.memref_slice %arg4[%dma_wait3A_1082, %dma_wait3A_1083] : memref<819200x64xf32, #tpu.memory_space<hbm>> -> memref<200x64xf32, #tpu.memory_space<hbm>>
    %dma_wait3A_1085 = tpu.memref_slice %arg8[%dma_wait3A_1077] : memref<8x!tpu.dma_semaphore, #tpu.memory_space<semaphore_mem>> -> memref<1x!tpu.dma_semaphore, #tpu.memory_space<semaphore_mem>>
    %dma_wait3A_1086 = tpu.memref_squeeze %dma_wait3A_1085 : memref<1x!tpu.dma_semaphore, #tpu.memory_space<semaphore_mem>> -> memref<!tpu.dma_semaphore, #tpu.memory_space<semaphore_mem>>
    %dma_wait3A_1087 = arith.constant 0 : i32
    %dma_wait3A_1088 = arith.constant 0 : i32
    %dma_wait3A_1089 = tpu.memref_slice %arg4[%dma_wait3A_1087, %dma_wait3A_1088] : memref<819200x64xf32, #tpu.memory_space<hbm>> -> memref<200x64xf32, #tpu.memory_space<hbm>>
    %dma_wait3A_1090 = arith.constant 0 : i32
    %dma_wait3A_1091 = arith.constant 0 : i32
    %dma_wait3A_1092 = tpu.memref_slice %arg6[%dma_wait3A_1076, %dma_wait3A_1090, %dma_wait3A_1091] : memref<8x200x64xf32, #tpu.memory_space<vmem>> -> memref<1x200x64xf32, #tpu.memory_space<vmem>>
    %dma_wait3A_1093 = tpu.memref_squeeze %dma_wait3A_1092 : memref<1x200x64xf32, #tpu.memory_space<vmem>> -> memref<200x64xf32, #tpu.memory_space<vmem>>
    tpu.wait_dma2 semaphore(%dma_wait3A_1086 : memref<!tpu.dma_semaphore, #tpu.memory_space<semaphore_mem>>) src(%dma_wait3A_1093 : memref<200x64xf32, #tpu.memory_space<vmem>>) dst(%dma_wait3A_1089 : memref<200x64xf32, #tpu.memory_space<hbm>>)
    return
  }
}

</mosaic_0001>

<sc_bundles>
// kernel: kernel.3.cloned.1.call-start
scs
__scs_entry_jumppad:
0x0: {  	(pc) =	sbr.rel $0x88, $3  }
0x1: {  	(tag) =	ssettag $0x0;
	lr =	simm.s32 $0x1  }
0x2: {  	[smem:$0x3F9F] =	sst lr;
	_ =	strace $0xD0000000  }
0x3: {  	_ = 	snop  }
0x4: {  	_ = 	snop  }
0x5: {  	_ = 	snop  }
0x6: {  	_ = 	snop  }
0x7: {  	_ = 	snop  }
__scs_overlays_trampoline_lowered:
0x8: {  	[smem:$0x3FAE] =	sst s0  }
0x9: {  	[smem:$0x3FAF] =	sst s1  }
0xa: {  	[smem:$0x3FB0] =	sst s2  }
0xb: {  	[smem:$0x3FB1] =	sst s3  }
0xc: {  	[smem:$0x3FB2] =	sst s4  }
0xd: {  	[smem:$0x3FB3] =	sst s5  }
0xe: {  	[smem:$0x3FB4] =	sst s6  }
0xf: {  	[smem:$0x3FB5] =	sst s7  }
0x10: {  	[smem:$0x3FB6] =	sst s8  }
0x11: {  	[smem:$0x3FB7] =	sst s9;
	s0 =	simm.s32 @!p0 $0x0  }
0x12: {  	s1 =	sld [smem:$0x3F9D];
	s0 =	simm.s32 @p0 $0x1  }
0x13: {  	[smem:$0x3FB8] =	sst s0;
	s0 =	simm.s32 @!p1 $0x0  }
0x14: {  	s2 =	sld [smem:$0x3F9C];
	s0 =	simm.s32 @p1 $0x1  }
0x15: {  	[smem:$0x3FB9] =	sst s0;
	s0 =	simm.s32 @!p2 $0x0  }
0x16: {  	s3 =	sld [smem:$0x3FDB];
	s0 =	simm.s32 @p2 $0x1  }
0x17: {  	s4 =	simm.s32 $0x1BF5;
	[smem:$0x3FBB] =	sst s0  }
0x18: {  	s0 =	sld [smem:$0x3F9E];
	_ =	swait.ge [sflag:s4], $0x0  }
0x19: {  	s7 =	sld [smem:$0x3F9F]  }
0x1a: {  	s8 =	sadd.s32 $0xFFFFE003, lr  }
0x1b: {  	s9 =	sadd.s32 $0xFFFFFEF7, lr;
	s5 =	simm.s32 $0xFFFFFFFF;
	p2 =	slt.u32 s8, $0xFFFFF086  }
0x1c: {  	p1 =	slt.u32 s9, $0xF7A;
	s5 =	simm.s32 @!p2 $0x0  }
0x1d: {  	s5 =	simm.s32 @p1 $0x1;
	p0 =	seq.s32 s7, s2  }
0x1e: {  	s7 =	smul.u32 @!p0 $0xF7A, s2;
	p2 =	seq.s32 @!p0 s5, $0x0  }
0x1f: {  	s9 =	smul.u32 $0xF7A, s1;
	s8 =	simm.s32 @!p0 $0x1BF5;
	p2 =	por !p2, p0  }
0x20: {  	[sflag:s8] =	ssyncset.s32 @!p0 $0xFFFFF086;
	s6 =	sadd.s32 @!p0 s3, s7;
	s7 =	simm.s32 @!p0 $0x108  }
0x21: {  	s3 =	sadd.s32 s3, s9;
	s6 =	sadd.s32 @!p0 $0x88, s6;
	s7 =	simm.s32 @p2 $0x1082  }
0x22: {  	[simem:s7], [sflag:s8] =	dma.local @!p0 [hbm:s6], $0xF7A  }
0x23: {  	s9 =	sor.u32 $0xD0000000, s2;
	s6 =	simm.s32 $0x108;
	_ =	swait.ge @!p0 [sflag:s8], $0x0  }
0x24: {  	s3 =	sadd.s32 $0x88, s3;
	s6 =	simm.s32 @!p1 $0x1082;
	[sflag:s4] =	ssyncset.s32 $0xFFFFF086  }
0x25: {  	[simem:s6], [sflag:s4] =	dma.local [hbm:s3], $0xF7A  }
0x26: {  	[smem:$0x3F9F] =	sst s1;
	(tag) =	ssettag s2;
	_ =	strace s9  }
0x27: {  	s1 =	sld [smem:$0x3FAF]  }
0x28: {  	s2 =	sld [smem:$0x3FB0]  }
0x29: {  	s4 =	sld [smem:$0x3FB2]  }
0x2a: {  	p0 =	seq.s32 s5, $0x0;
	s5 =	sld [smem:$0x3FB3]  }
0x2b: {  	s6 =	sld [smem:$0x3FB4]  }
0x2c: {  	s7 =	sld [smem:$0x3FB5]  }
0x2d: {  	s3 =	simm.s32 $0x108;
	s8 =	sld [smem:$0x3FB6]  }
0x2e: {  	s3 =	simm.s32 @!p0 $0x1082;
	s9 =	sld [smem:$0x3FB7]  }
0x2f: {  	lr =	sadd.s32 s0, s3;
	s0 =	sld [smem:$0x3FAE]  }
0x30: {  	s3 =	sld [smem:$0x3FB1]  }
0x31: {  	[smem:$0x3FBA] =	sst s10  }
0x32: {  	s10 =	sld [smem:$0x3FB8];
	_ =	sdelay $0x3  }
0x33: {  	p0 =	seq.s32 s10, $0x1;
	s10 =	sld [smem:$0x3FBA];
	_ =	sdelay $0x3  }
0x34: {  	[smem:$0x3FBA] =	sst s10  }
0x35: {  	s10 =	sld [smem:$0x3FB9];
	_ =	sdelay $0x3  }
0x36: {  	p1 =	seq.s32 s10, $0x1;
	s10 =	sld [smem:$0x3FBA];
	_ =	sdelay $0x3  }
0x37: {  	[smem:$0x3FBA] =	sst s10  }
0x38: {  	s10 =	sld [smem:$0x3FBB]  }
0x39: {  	_ = 	snop;
	(pc) =	sbr.ind lr, $3  }
0x3a: {  	_ = 	snop  }
0x3b: {  	_ = 	snop  }
0x3c: {  	p2 =	seq.s32 s10, $0x1;
	s10 =	sld [smem:$0x3FBA]  }
0x3d: {  	_ =	shalt  }
0x3e: {  	_ =	shalt  }
0x3f: {  	_ =	shalt  }
0x40: {  	_ =	shalt  }
0x41: {  	_ =	shalt  }
0x42: {  	_ =	shalt  }
0x43: {  	_ =	shalt  }
0x44: {  	_ =	shalt  }
0x45: {  	_ =	shalt  }
0x46: {  	_ =	shalt  }
0x47: {  	_ =	shalt  }
0x48: {  	_ =	shalt  }
0x49: {  	_ =	shalt  }
0x4a: {  	_ =	shalt  }
0x4b: {  	_ =	shalt  }
0x4c: {  	_ =	shalt  }
0x4d: {  	_ =	shalt  }
0x4e: {  	_ =	shalt  }
0x4f: {  	_ =	shalt  }
0x50: {  	_ =	shalt  }
0x51: {  	_ =	shalt  }
0x52: {  	_ =	shalt  }
0x53: {  	_ =	shalt  }
0x54: {  	_ =	shalt  }
0x55: {  	_ =	shalt  }
0x56: {  	_ =	shalt  }
0x57: {  	_ =	shalt  }
0x58: {  	_ =	shalt  }
0x59: {  	_ =	shalt  }
0x5a: {  	_ =	shalt  }
0x5b: {  	_ =	shalt  }
0x5c: {  	_ =	shalt  }
0x5d: {  	_ =	shalt  }
0x5e: {  	_ =	shalt  }
0x5f: {  	_ =	shalt  }
0x60: {  	_ =	shalt  }
0x61: {  	_ =	shalt  }
0x62: {  	_ =	shalt  }
0x63: {  	_ =	shalt  }
0x64: {  	_ =	shalt  }
0x65: {  	_ =	shalt  }
0x66: {  	_ =	shalt  }
0x67: {  	_ =	shalt  }
0x68: {  	_ =	shalt  }
0x69: {  	_ =	shalt  }
0x6a: {  	_ =	shalt  }
0x6b: {  	_ =	shalt  }
0x6c: {  	_ =	shalt  }
0x6d: {  	_ =	shalt  }
0x6e: {  	_ =	shalt  }
0x6f: {  	_ =	shalt  }
0x70: {  	_ =	shalt  }
0x71: {  	_ =	shalt  }
0x72: {  	_ =	shalt  }
0x73: {  	_ =	shalt  }
0x74: {  	_ =	shalt  }
0x75: {  	_ =	shalt  }
0x76: {  	_ =	shalt  }
0x77: {  	_ =	shalt  }
0x78: {  	_ =	shalt  }
0x79: {  	_ =	shalt  }
0x7a: {  	_ =	shalt  }
0x7b: {  	_ =	shalt  }
0x7c: {  	_ =	shalt  }
0x7d: {  	_ =	shalt  }
0x7e: {  	_ =	shalt  }
0x7f: {  	_ =	shalt  }
0x80: {  	_ =	shalt  }
0x81: {  	_ =	shalt  }
0x82: {  	_ =	shalt  }
0x83: {  	_ =	shalt  }
0x84: {  	_ =	shalt  }
0x85: {  	_ =	shalt  }
0x86: {  	_ =	shalt  }
0x87: {  	_ =	shalt  }
.Lfunc_end0:
.L_simem_size_0:
called_computation.1_lowered:
.L_overlay_start_0:
0x88: {  	s2 =	sld [smem:$0x3FD9]  }
0x89: {  	s3 =	sld [smem:$0x3FFE];
	_ =	sdelay $0x1  }
0x8a: {  	s1 =	srdreg.scid  }
0x8b: {  	s0 =	sand.u32 $0x1, s1  }
0x8c: {  	s17 =	sshll.u32 s0, $0xA;
	s2 =	sadd.s32 s3, s2  }
0x8d: {  	s2 =	sadd.s32 s2, s17  }
0x8e: {  	[smem:$0x3FC6] =	sst s2  }
0x8f: {  	_ = 	snop  }
0x90: {  	s2 =	sld [smem:$0x3FD0];
	(tm) =	ssettm $0x1  }
0x91: {  	s18 =	sld [smem:$0x3FFB];
	_ =	sdelay $0x3  }
0x92: {  	_ =	strace s18  }
0x93: {  	s3 =	sld [smem:$0x3FFC];
	_ =	sdelay $0x3  }
0x94: {  	_ =	strace s3  }
0x95: {  	s3 =	sld [smem:$0x3FFD];
	_ =	sdelay $0x3  }
0x96: {  	_ =	strace s3  }
0x97: {  	_ =	strace $0x8FFFFFFF  }
0x98: {  	s19 =	sld [smem:$0x3FDB];
	_ =	sdelay $0x1  }
0x99: {  	s4 =	simm.s32 $_scs_section_size  }
0x9a: {  	s5 =	simm.s32 $_size__tile_overlayer_lowered;
	s6 =	simm.s32 $_tile_overlayer_lowered  }
0x9b: {  	s22 =	simm.s32 $0x1BFF;
	s21 =	sshll.u32 s6, $0x1;
	s3 =	sadd.s32 s4, s19  }
0x9c: {  	s7 =	simm.s32 $0x0;
	s20 =	sshll.u32 s5, $0x1;
	s5 =	sadd.s32 s21, s3  }
0x9d: {  	[timem:s7], [sflag:s22] =	dma.local [hbm:s5], s20  }
0x9e: {  	_ =	swait.ge [sflag:s22], s20  }
0x9f: {  	s4 =	ssub.s32 $0x0, s20;
	[sflag:s22] =	ssyncset.done $0x0  }
0xa0: {  	[sflag:s22] =	ssyncadd.s32 s4;
	_ =	sdelay $0x1  }
0xa1: {  	s23 =	simm.s32 $0x1B8B  }
0xa2: {  	_ =	swait.ge [sflag:s23], $0x1  }
0xa3: {  	[sflag:s23] =	ssyncset.done $0x0  }
0xa4: {  	s25 =	simm.s32 $0x1B8E;
	s24 =	sld [smem:$0x3FFE];
	[sflag:s23] =	ssyncadd.s32 $0xFFFFFFFF  }
0xa5: {  	s26 =	simm.s32 $execute0_lowered;
	[smem:$0x3FD2] =	sst s25  }
0xa6: {  	s5 =	sshll.u32 s26, $0x1;
	_ =	strace $0x80000046;
	[dreg:$0x1] =	wrdreg $0xFFFFFFFF  }
0xa7: {  	s28 =	simm.s32 $_size_execute0_lowered;
	s3 =	sadd.s32 s3, s5;
	[dreg:$0x0] =	wrdreg $0x0  }
0xa8: {  	s5 =	sshll.u32 s28, $0x1;
	[dreg:$0x2] =	wrdreg s3  }
0xa9: {  	[dreg:$0x3] =	wrdreg s5  }
0xaa: {  	[dreg:$0x4] =	wrdreg $0xC0  }
0xab: {  	_ =	task [dreg:s7], $0x5FFFF  }
0xac: {  	[dreg:$0x1] =	wrdreg $0xFFFFFFFF  }
0xad: {  	[dreg:$0x0] =	wrdreg $0x60  }
0xae: {  	[dreg:$0x2] =	wrdreg s24  }
0xaf: {  	[dreg:$0x3] =	wrdreg s2  }
0xb0: {  	[dreg:$0x4] =	wrdreg $0x9  }
0xb1: {  	_ =	task.clear_ibuf [dreg:s7], $0x5FFFF;
	_ =	strace $0x90000046  }
0xb2: {  	s29 =	simm.s32 $0x9;
	_ =	strace $0x80000048  }
0xb3: {  	_ =	swait.ge [sflag:s29], $0x1  }
0xb4: {  	[sflag:s29] =	ssyncadd.s32 $0xFFFFFFFF  }
0xb5: {  	_ =	strace $0x90000048  }
0xb6: {  	_ =	sfence  }
0xb7: {  	s30 =	sld [smem:$0x0];
	_ =	sdelay $0x2  }
0xb8: {  	s31 =	sshll.u32 s1, $0xD;
	s1 =	sshrl.u32 s1, $0x2  }
0xb9: {  	s3 =	sand.u32 $0x4000, s31;
	s1 =	sadd.s32 s1, s30  }
0xba: {  	s0 =	sor.u32 s3, s0;
	s1 =	sshll.u32 s1, $0x11  }
0xbb: {  	s0 =	sor.u32 s1, s0  }
0xbc: {  	s0 =	sadd.s32 $0x8F2B, s0  }
0xbd: {  	[sflag:s0] =	ssyncadd.remote.s32 $0x1  }
0xbe: {  	_ =	sfence.sel $0xFFFF  }
0xbf: {  	[dreg:$0x0] =	wrdreg $0xFFFFFFFF;
	(pc) =	sbr.abs _section_cstart, $3  }
0xc0: {  	[dreg:$0x1] =	wrdreg $0xFFFFFFFF  }
0xc1: {  	_ =	task.clear_ibuf [dreg:s7], $0x2FFFF;
	_ =	strace $0x9FFFFFFF  }
0xc2: {  	(tm) =	ssettm $0x7FFFFFFF  }
0xc3: {  	_ =	shalt  }
tec
execute0_lowered:
.L_overlay_start_1:
0x0: {  	(tag) =	ssettag $0x1  }
0x1: {  	s0 =	rddreg [dreg:$0x0];
	s1 =	srdreg.scid  }
0x2: {  	s9 =	stileid.u32;
	s4 =	rddreg [dreg:$0x1]  }
0x3: {  	s2 =	simm.s32 $0x0;
	s1 =	sand.u32 $0x1, s1;
	s3 =	sshll.u32 s9, $0x1  }
0x4: {  	s29 =	simm.s32 $0xC800;
	s31 =	simm.s32 $0xFA00;
	s5 =	sor.u32 s1, s3  }
0x5: {  	s28 =	simm.s32 $0x12C00;
	s30 =	simm.s32 $0x2;
	s3 =	smul.u32 $0xC80, s5  }
0x6: {  	s10 =	simm.s32 $0x9;
	[smem:$0x7FF] =	sst s2;
	s6 =	smul.u32 $0x32000, s5  }
0x7: {  	s21 =	smul.u32 $0x64000, s9;
	s9 =	simm.s32 $0x5;
	_ =	strace $0x80000047  }
0x8: {  	s11 =	ssub.s32 $0x2, s1;
	s7 =	sadd.s32 s3, s0;
	s6 =	sadd.s32 s4, s6  }
0x9: {  	s1 =	smul.u32 $0x32000, s1;
	s7 =	sadd.s32 $0xA00, s7;
	[dreg:$0x3] =	wrdreg s6  }
0xa: {  	s8 =	sshrl.u32 s11, $0x1;
	s12 =	sadd.s32 $0x640, s6;
	[dreg:$0x4] =	wrdreg s7  }
0xb: {  	s5 =	smul.u32 $0x190000, s5;
	s13 =	sadd.s32 $0xC80, s6;
	[dreg:$0x5] =	wrdreg s12  }
0xc: {  	s3 =	sadd.s32 $0xF42E00, s0;
	s14 =	sadd.s32 $0x12C0, s6;
	[dreg:$0x6] =	wrdreg s13  }
0xd: {  	s0 =	ssub.s32 s11, s8;
	s15 =	sadd.s32 $0x1900, s6;
	[dreg:$0x7] =	wrdreg s14  }
0xe: {  	s5 =	sshrl.u32 s5, $0x3;
	s6 =	sadd.s32 $0x1F40, s6;
	[dreg:$0x8] =	wrdreg s15  }
0xf: {  	s5 =	sadd.s32 s4, s5;
	s0 =	smax.u32 s0, $0x1;
	[dreg:$0x9] =	wrdreg s6  }
0x10: {  	s8 =	simm.s32 $0x1C200;
	s16 =	sadd.s32 $0x2580, s5;
	[dreg:$0x14] =	wrdreg s0  }
0x11: {  	s11 =	simm.s32 $0x6;
	s17 =	sadd.s32 $0x2BC0, s5;
	[dreg:$0xa] =	wrdreg s16  }
0x12: {  	s4 =	sadd.s32 s21, s4;
	s18 =	sadd.s32 $0x2EE00, s5;
	[dreg:$0xb] =	wrdreg s17  }
0x13: {  	s21 =	simm.s32 $0x0;
	s19 =	sadd.s32 $0x2F440, s5;
	[dreg:$0xc] =	wrdreg s18  }
0x14: {  	s20 =	sadd.s32 $0x2FA80, s5;
	s22 =	sadd.s32 $0x300C0, s5;
	[dreg:$0xd] =	wrdreg s19  }
0x15: {  	s23 =	sadd.s32 $0x30700, s5;
	s24 =	sadd.s32 $0x30D40, s5;
	[dreg:$0xe] =	wrdreg s20  }
0x16: {  	s25 =	sadd.s32 $0x31380, s5;
	s5 =	sadd.s32 $0x319C0, s5;
	[dreg:$0xf] =	wrdreg s22  }
0x17: {  	s26 =	sadd.s32 s1, s4;
	s1 =	simm.s32 $0x1;
	[dreg:$0x10] =	wrdreg s23  }
0x18: {  	s6 =	simm.s32 $0x19000;
	s7 =	simm.s32 $0x4;
	[dreg:$0x11] =	wrdreg s24  }
0x19: {  	s12 =	simm.s32 $0xA;
	s13 =	simm.s32 $0x7;
	[dreg:$0x12] =	wrdreg s25  }
0x1a: {  	s14 =	simm.s32 $0xB;
	s15 =	simm.s32 $0x8;
	[dreg:$0x13] =	wrdreg s5  }
0x1b: {  	s0 =	sadd.s32 $0x3200, s26;
	s24 =	simm.s32 $0xC8;
	s25 =	simm.s32 $0x6400  }
0x1c: {  	s26 =	simm.s32 $0x9600;
	s5 =	simm.s32 $0x3;
	s16 =	simm.s32 $0xC  }
0x1d: {  	s17 =	simm.s32 $0xD;
	s18 =	simm.s32 $0xE;
	s19 =	simm.s32 $0xF  }
0x1e: {  	s20 =	simm.s32 $0x10;
	[dreg:$0x15] =	wrdreg s0;
	s0 =	simm.s32 $0x15E00  }
.LBB2_1:
0x1f: {  	[dreg:$0x16] =	wrdreg s21  }
0x20: {  	s4 =	rddreg [dreg:$0x4];
	s23 =	simm.s32 $0x11  }
0x21: {  	[tilespmem:s2], [sflag:$0x11] =	stream.linear.gather [hbm4b:s4+s2], $0x6400, $0x38;
	[tilespmem:$0x1F400] =	vst v63  }
0x22: {  	_ =	swait.ge [sflag:s23], $0x6400  }
0x23: {  	[sflag:s23] =	ssyncset.done $0x0  }
0x24: {  	[sflag:s23] =	ssyncadd.s32 $0xFFFF9C00  }
0x25: {  	[tilespmem:s25], [sflag:$0x1] =	stream.indirect.gather [hbm4b:s3+s24], $0x40, s2, s24, $0xb8;
	[tilespmem:$0x1F400] =	vst v63  }
0x26: {  	_ = 	snop  }
0x27: {  	[tilespmem:s26], [sflag:$0x2] =	stream.indirect.gather [hbm4b:s3+s24], $0x40, s24, s24, $0xb8;
	[tilespmem:$0x1F400] =	vst v63  }
0x28: {  	s21 =	simm.s32 $0x190  }
0x29: {  	[tilespmem:s29], [sflag:$0x3] =	stream.indirect.gather [hbm4b:s3+s24], $0x40, s21, s24, $0xb8;
	[tilespmem:$0x1F400] =	vst v63  }
0x2a: {  	s22 =	simm.s32 $0x258  }
0x2b: {  	[tilespmem:s31], [sflag:$0x4] =	stream.indirect.gather [hbm4b:s3+s24], $0x40, s22, s24, $0xb8;
	[tilespmem:$0x1F400] =	vst v63  }
0x2c: {  	_ =	swait.ge [sflag:s1], $0x3200  }
0x2d: {  	[sflag:s1] =	ssyncset.done $0x0  }
0x2e: {  	s23 =	rddreg [dreg:$0x3];
	[sflag:s1] =	ssyncadd.s32 $0xFFFFCE00  }
0x2f: {  	[hbm4b:s23+s2] =	stream.linear.scatter [tilespmem:s25], [sflag:$0x9], $0x3200, $0x38;
	[tilespmem:$0x1F400] =	vst v63  }
0x30: {  	s21 =	simm.s32 $0x320  }
0x31: {  	[tilespmem:s28], [sflag:$0x5] =	stream.indirect.gather [hbm4b:s3+s24], $0x40, s21, s24, $0xb8;
	[tilespmem:$0x1F400] =	vst v63  }
0x32: {  	_ =	swait.ge [sflag:s30], $0x3200  }
0x33: {  	[sflag:s30] =	ssyncset.done $0x0  }
0x34: {  	s22 =	rddreg [dreg:$0x5];
	[sflag:s30] =	ssyncadd.s32 $0xFFFFCE00  }
0x35: {  	[hbm4b:s22+s2] =	stream.linear.scatter [tilespmem:s26], [sflag:$0xA], $0x3200, $0x38;
	[tilespmem:$0x1F400] =	vst v63  }
0x36: {  	s23 =	simm.s32 $0x3E8  }
0x37: {  	[tilespmem:s0], [sflag:$0x6] =	stream.indirect.gather [hbm4b:s3+s24], $0x40, s23, s24, $0xb8;
	[tilespmem:$0x1F400] =	vst v63  }
0x38: {  	_ =	swait.ge [sflag:s5], $0x3200  }
0x39: {  	[sflag:s5] =	ssyncset.done $0x0  }
0x3a: {  	s21 =	rddreg [dreg:$0x6];
	[sflag:s5] =	ssyncadd.s32 $0xFFFFCE00  }
0x3b: {  	[hbm4b:s21+s2] =	stream.linear.scatter [tilespmem:s29], [sflag:$0xB], $0x3200, $0x38;
	[tilespmem:$0x1F400] =	vst v63  }
0x3c: {  	s22 =	simm.s32 $0x4B0  }
0x3d: {  	[tilespmem:s6], [sflag:$0x7] =	stream.indirect.gather [hbm4b:s3+s24], $0x40, s22, s24, $0xb8;
	[tilespmem:$0x1F400] =	vst v63  }
0x3e: {  	_ =	swait.ge [sflag:s7], $0x3200  }
0x3f: {  	[sflag:s7] =	ssyncset.done $0x0  }
0x40: {  	s23 =	rddreg [dreg:$0x7];
	[sflag:s7] =	ssyncadd.s32 $0xFFFFCE00  }
0x41: {  	[hbm4b:s23+s2] =	stream.linear.scatter [tilespmem:s31], [sflag:$0xC], $0x3200, $0x38;
	[tilespmem:$0x1F400] =	vst v63  }
0x42: {  	s21 =	simm.s32 $0x578  }
0x43: {  	[tilespmem:s8], [sflag:$0x8] =	stream.indirect.gather [hbm4b:s3+s24], $0x40, s21, s24, $0xb8;
	[tilespmem:$0x1F400] =	vst v63  }
0x44: {  	_ =	swait.ge [sflag:s9], $0x3200  }
0x45: {  	[sflag:s9] =	ssyncset.done $0x0  }
0x46: {  	s22 =	rddreg [dreg:$0x8];
	[sflag:s9] =	ssyncadd.s32 $0xFFFFCE00  }
0x47: {  	[hbm4b:s22+s2] =	stream.linear.scatter [tilespmem:s28], [sflag:$0xD], $0x3200, $0x38;
	[tilespmem:$0x1F400] =	vst v63  }
0x48: {  	_ =	swait.ge [sflag:s10], $0x3200  }
0x49: {  	[sflag:s10] =	ssyncset.done $0x0  }
0x4a: {  	s23 =	simm.s32 $0x640;
	[sflag:s10] =	ssyncadd.s32 $0xFFFFCE00  }
0x4b: {  	[tilespmem:s25], [sflag:$0x1] =	stream.indirect.gather [hbm4b:s3+s24], $0x40, s23, s24, $0xb8;
	[tilespmem:$0x1F400] =	vst v63  }
0x4c: {  	_ =	swait.ge [sflag:s11], $0x3200  }
0x4d: {  	[sflag:s11] =	ssyncset.done $0x0  }
0x4e: {  	s21 =	rddreg [dreg:$0x9];
	[sflag:s11] =	ssyncadd.s32 $0xFFFFCE00  }
0x4f: {  	[hbm4b:s21+s2] =	stream.linear.scatter [tilespmem:s0], [sflag:$0xE], $0x3200, $0x38;
	[tilespmem:$0x1F400] =	vst v63  }
0x50: {  	_ =	swait.ge [sflag:s12], $0x3200  }
0x51: {  	[sflag:s12] =	ssyncset.done $0x0  }
0x52: {  	s22 =	simm.s32 $0x708;
	[sflag:s12] =	ssyncadd.s32 $0xFFFFCE00  }
0x53: {  	[tilespmem:s26], [sflag:$0x2] =	stream.indirect.gather [hbm4b:s3+s24], $0x40, s22, s24, $0xb8;
	[tilespmem:$0x1F400] =	vst v63  }
0x54: {  	_ =	swait.ge [sflag:s13], $0x3200  }
0x55: {  	[sflag:s13] =	ssyncset.done $0x0  }
0x56: {  	s23 =	rddreg [dreg:$0xa];
	[sflag:s13] =	ssyncadd.s32 $0xFFFFCE00  }
0x57: {  	[hbm4b:s23+s2] =	stream.linear.scatter [tilespmem:s6], [sflag:$0xF], $0x3200, $0x38;
	[tilespmem:$0x1F400] =	vst v63  }
0x58: {  	_ =	swait.ge [sflag:s14], $0x3200  }
0x59: {  	[sflag:s14] =	ssyncset.done $0x0  }
0x5a: {  	s21 =	simm.s32 $0x7D0;
	[sflag:s14] =	ssyncadd.s32 $0xFFFFCE00  }
0x5b: {  	[tilespmem:s29], [sflag:$0x3] =	stream.indirect.gather [hbm4b:s3+s24], $0x40, s21, s24, $0xb8;
	[tilespmem:$0x1F400] =	vst v63  }
0x5c: {  	_ =	swait.ge [sflag:s15], $0x3200  }
0x5d: {  	[sflag:s15] =	ssyncset.done $0x0  }
0x5e: {  	s22 =	rddreg [dreg:$0xb];
	[sflag:s15] =	ssyncadd.s32 $0xFFFFCE00  }
0x5f: {  	[hbm4b:s22+s2] =	stream.linear.scatter [tilespmem:s8], [sflag:$0x10], $0x3200, $0x38;
	[tilespmem:$0x1F400] =	vst v63  }
0x60: {  	_ =	swait.ge [sflag:s16], $0x3200  }
0x61: {  	[sflag:s16] =	ssyncset.done $0x0  }
0x62: {  	s23 =	simm.s32 $0x898;
	[sflag:s16] =	ssyncadd.s32 $0xFFFFCE00  }
0x63: {  	[tilespmem:s31], [sflag:$0x4] =	stream.indirect.gather [hbm4b:s3+s24], $0x40, s23, s24, $0xb8;
	[tilespmem:$0x1F400] =	vst v63  }
0x64: {  	_ =	swait.ge [sflag:s1], $0x3200  }
0x65: {  	[sflag:s1] =	ssyncset.done $0x0  }
0x66: {  	s22 =	rddreg [dreg:$0x15];
	[sflag:s1] =	ssyncadd.s32 $0xFFFFCE00  }
0x67: {  	[hbm4b:s22+s2] =	stream.linear.scatter [tilespmem:s25], [sflag:$0x9], $0x3200, $0x38;
	[tilespmem:$0x1F400] =	vst v63  }
0x68: {  	_ =	swait.ge [sflag:s17], $0x3200  }
0x69: {  	[sflag:s17] =	ssyncset.done $0x0  }
0x6a: {  	s21 =	simm.s32 $0x960;
	[sflag:s17] =	ssyncadd.s32 $0xFFFFCE00  }
0x6b: {  	[tilespmem:s28], [sflag:$0x5] =	stream.indirect.gather [hbm4b:s3+s24], $0x40, s21, s24, $0xb8;
	[tilespmem:$0x1F400] =	vst v63  }
0x6c: {  	_ =	swait.ge [sflag:s30], $0x3200  }
0x6d: {  	[sflag:s30] =	ssyncset.done $0x0  }
0x6e: {  	s23 =	sadd.s32 $0x640, s22;
	[sflag:s30] =	ssyncadd.s32 $0xFFFFCE00  }
0x6f: {  	[hbm4b:s23+s2] =	stream.linear.scatter [tilespmem:s26], [sflag:$0xA], $0x3200, $0x38;
	[tilespmem:$0x1F400] =	vst v63  }
0x70: {  	_ =	swait.ge [sflag:s18], $0x3200  }
0x71: {  	[sflag:s18] =	ssyncset.done $0x0  }
0x72: {  	s21 =	simm.s32 $0xA28;
	[sflag:s18] =	ssyncadd.s32 $0xFFFFCE00  }
0x73: {  	[tilespmem:s0], [sflag:$0x6] =	stream.indirect.gather [hbm4b:s3+s24], $0x40, s21, s24, $0xb8;
	[tilespmem:$0x1F400] =	vst v63  }
0x74: {  	_ =	swait.ge [sflag:s5], $0x3200  }
0x75: {  	[sflag:s5] =	ssyncset.done $0x0  }
0x76: {  	s23 =	sadd.s32 $0xC80, s22;
	[sflag:s5] =	ssyncadd.s32 $0xFFFFCE00  }
0x77: {  	[hbm4b:s23+s2] =	stream.linear.scatter [tilespmem:s29], [sflag:$0xB], $0x3200, $0x38;
	[tilespmem:$0x1F400] =	vst v63  }
0x78: {  	_ =	swait.ge [sflag:s19], $0x3200  }
0x79: {  	[sflag:s19] =	ssyncset.done $0x0  }
0x7a: {  	s21 =	simm.s32 $0xAF0;
	[sflag:s19] =	ssyncadd.s32 $0xFFFFCE00  }
0x7b: {  	[tilespmem:s6], [sflag:$0x7] =	stream.indirect.gather [hbm4b:s3+s24], $0x40, s21, s24, $0xb8;
	[tilespmem:$0x1F400] =	vst v63  }
0x7c: {  	_ =	swait.ge [sflag:s7], $0x3200  }
0x7d: {  	[sflag:s7] =	ssyncset.done $0x0  }
0x7e: {  	s23 =	sadd.s32 $0x12C0, s22;
	[sflag:s7] =	ssyncadd.s32 $0xFFFFCE00  }
0x7f: {  	[hbm4b:s23+s2] =	stream.linear.scatter [tilespmem:s31], [sflag:$0xC], $0x3200, $0x38;
	[tilespmem:$0x1F400] =	vst v63  }
0x80: {  	_ =	swait.ge [sflag:s20], $0x3200  }
0x81: {  	[sflag:s20] =	ssyncset.done $0x0  }
0x82: {  	s21 =	simm.s32 $0xBB8;
	[sflag:s20] =	ssyncadd.s32 $0xFFFFCE00  }
0x83: {  	[tilespmem:s8], [sflag:$0x8] =	stream.indirect.gather [hbm4b:s3+s24], $0x40, s21, s24, $0xb8;
	[tilespmem:$0x1F400] =	vst v63  }
0x84: {  	_ =	swait.ge [sflag:s9], $0x3200  }
0x85: {  	[sflag:s9] =	ssyncset.done $0x0  }
0x86: {  	s23 =	sadd.s32 $0x1900, s22;
	[sflag:s9] =	ssyncadd.s32 $0xFFFFCE00  }
0x87: {  	[hbm4b:s23+s2] =	stream.linear.scatter [tilespmem:s28], [sflag:$0xD], $0x3200, $0x38;
	[tilespmem:$0x1F400] =	vst v63  }
0x88: {  	_ =	swait.ge [sflag:s10], $0x3200  }
0x89: {  	[sflag:s10] =	ssyncset.done $0x0  }
0x8a: {  	s21 =	simm.s32 $0xC80;
	[sflag:s10] =	ssyncadd.s32 $0xFFFFCE00  }
0x8b: {  	[tilespmem:s25], [sflag:$0x1] =	stream.indirect.gather [hbm4b:s3+s24], $0x40, s21, s24, $0xb8;
	[tilespmem:$0x1F400] =	vst v63  }
0x8c: {  	_ =	swait.ge [sflag:s11], $0x3200  }
0x8d: {  	[sflag:s11] =	ssyncset.done $0x0  }
0x8e: {  	s23 =	sadd.s32 $0x1F40, s22;
	[sflag:s11] =	ssyncadd.s32 $0xFFFFCE00  }
0x8f: {  	[hbm4b:s23+s2] =	stream.linear.scatter [tilespmem:s0], [sflag:$0xE], $0x3200, $0x38;
	[tilespmem:$0x1F400] =	vst v63  }
0x90: {  	_ =	swait.ge [sflag:s12], $0x3200  }
0x91: {  	[sflag:s12] =	ssyncset.done $0x0  }
0x92: {  	s21 =	simm.s32 $0xD48;
	[sflag:s12] =	ssyncadd.s32 $0xFFFFCE00  }
0x93: {  	[tilespmem:s26], [sflag:$0x2] =	stream.indirect.gather [hbm4b:s3+s24], $0x40, s21, s24, $0xb8;
	[tilespmem:$0x1F400] =	vst v63  }
0x94: {  	_ =	swait.ge [sflag:s13], $0x3200  }
0x95: {  	[sflag:s13] =	ssyncset.done $0x0  }
0x96: {  	s23 =	sadd.s32 $0x2580, s22;
	[sflag:s13] =	ssyncadd.s32 $0xFFFFCE00  }
0x97: {  	[hbm4b:s23+s2] =	stream.linear.scatter [tilespmem:s6], [sflag:$0xF], $0x3200, $0x38;
	[tilespmem:$0x1F400] =	vst v63  }
0x98: {  	_ =	swait.ge [sflag:s14], $0x3200  }
0x99: {  	[sflag:s14] =	ssyncset.done $0x0  }
0x9a: {  	s21 =	simm.s32 $0xE10;
	[sflag:s14] =	ssyncadd.s32 $0xFFFFCE00  }
0x9b: {  	[tilespmem:s29], [sflag:$0x3] =	stream.indirect.gather [hbm4b:s3+s24], $0x40, s21, s24, $0xb8;
	[tilespmem:$0x1F400] =	vst v63  }
0x9c: {  	_ =	swait.ge [sflag:s15], $0x3200  }
0x9d: {  	[sflag:s15] =	ssyncset.done $0x0  }
0x9e: {  	s23 =	sadd.s32 $0x2BC0, s22;
	[sflag:s15] =	ssyncadd.s32 $0xFFFFCE00  }
0x9f: {  	[hbm4b:s23+s2] =	stream.linear.scatter [tilespmem:s8], [sflag:$0x10], $0x3200, $0x38;
	[tilespmem:$0x1F400] =	vst v63  }
0xa0: {  	_ =	swait.ge [sflag:s16], $0x3200  }
0xa1: {  	s4 =	simm.s32 $0x1900;
	[sflag:s16] =	ssyncset.done $0x0  }
0xa2: {  	s21 =	simm.s32 $0xED8;
	s23 =	sadd.s32 $0x3200, s22;
	[sflag:s16] =	ssyncadd.s32 $0xFFFFCE00  }
.LBB2_2:
0xa3: {  	[tilespmem:s31], [sflag:$0x4] =	stream.indirect.gather [hbm4b:s3+s24], $0x40, s21, s24, $0xb8;
	[tilespmem:$0x1F400] =	vst v63  }
0xa4: {  	s21 =	smov.u32 s4  }
0xa5: {  	p0 =	sne.s32 s4, $0x14500;
	s4 =	sadd.s32 $0x1900, s4;
	_ =	swait.ge [sflag:s1], $0x3200  }
0xa6: {  	[sflag:s1] =	ssyncset.done $0x0  }
0xa7: {  	[sflag:s1] =	ssyncadd.s32 $0xFFFFCE00  }
0xa8: {  	[hbm4b:s23+s2] =	stream.linear.scatter [tilespmem:s25], [sflag:$0x9], $0x3200, $0x38;
	[tilespmem:$0x1F400] =	vst v63  }
0xa9: {  	_ =	swait.ge [sflag:s17], $0x3200  }
0xaa: {  	s21 =	sshra.s32 s21, $0x2;
	[sflag:s17] =	ssyncset.done $0x0  }
0xab: {  	s22 =	sadd.s32 $0x960, s21;
	[sflag:s17] =	ssyncadd.s32 $0xFFFFCE00  }
0xac: {  	[tilespmem:s28], [sflag:$0x5] =	stream.indirect.gather [hbm4b:s3+s24], $0x40, s22, s24, $0xb8;
	[tilespmem:$0x1F400] =	vst v63  }
0xad: {  	_ =	swait.ge [sflag:s30], $0x3200  }
0xae: {  	[sflag:s30] =	ssyncset.done $0x0  }
0xaf: {  	s22 =	sadd.s32 $0x640, s23;
	[sflag:s30] =	ssyncadd.s32 $0xFFFFCE00  }
0xb0: {  	[hbm4b:s22+s2] =	stream.linear.scatter [tilespmem:s26], [sflag:$0xA], $0x3200, $0x38;
	[tilespmem:$0x1F400] =	vst v63  }
0xb1: {  	_ =	swait.ge [sflag:s18], $0x3200  }
0xb2: {  	[sflag:s18] =	ssyncset.done $0x0  }
0xb3: {  	s22 =	sadd.s32 $0xA28, s21;
	[sflag:s18] =	ssyncadd.s32 $0xFFFFCE00  }
0xb4: {  	[tilespmem:s0], [sflag:$0x6] =	stream.indirect.gather [hbm4b:s3+s24], $0x40, s22, s24, $0xb8;
	[tilespmem:$0x1F400] =	vst v63  }
0xb5: {  	_ =	swait.ge [sflag:s5], $0x3200  }
0xb6: {  	[sflag:s5] =	ssyncset.done $0x0  }
0xb7: {  	s22 =	sadd.s32 $0xC80, s23;
	[sflag:s5] =	ssyncadd.s32 $0xFFFFCE00  }
0xb8: {  	[hbm4b:s22+s2] =	stream.linear.scatter [tilespmem:s29], [sflag:$0xB], $0x3200, $0x38;
	[tilespmem:$0x1F400] =	vst v63  }
0xb9: {  	_ =	swait.ge [sflag:s19], $0x3200  }
0xba: {  	[sflag:s19] =	ssyncset.done $0x0  }
0xbb: {  	s22 =	sadd.s32 $0xAF0, s21;
	[sflag:s19] =	ssyncadd.s32 $0xFFFFCE00  }
0xbc: {  	[tilespmem:s6], [sflag:$0x7] =	stream.indirect.gather [hbm4b:s3+s24], $0x40, s22, s24, $0xb8;
	[tilespmem:$0x1F400] =	vst v63  }
0xbd: {  	_ =	swait.ge [sflag:s7], $0x3200  }
0xbe: {  	[sflag:s7] =	ssyncset.done $0x0  }
0xbf: {  	s22 =	sadd.s32 $0x12C0, s23;
	[sflag:s7] =	ssyncadd.s32 $0xFFFFCE00  }
0xc0: {  	[hbm4b:s22+s2] =	stream.linear.scatter [tilespmem:s31], [sflag:$0xC], $0x3200, $0x38;
	[tilespmem:$0x1F400] =	vst v63  }
0xc1: {  	_ =	swait.ge [sflag:s20], $0x3200  }
0xc2: {  	[sflag:s20] =	ssyncset.done $0x0  }
0xc3: {  	s22 =	sadd.s32 $0xBB8, s21;
	[sflag:s20] =	ssyncadd.s32 $0xFFFFCE00  }
0xc4: {  	[tilespmem:s8], [sflag:$0x8] =	stream.indirect.gather [hbm4b:s3+s24], $0x40, s22, s24, $0xb8;
	[tilespmem:$0x1F400] =	vst v63  }
0xc5: {  	_ =	swait.ge [sflag:s9], $0x3200  }
0xc6: {  	[sflag:s9] =	ssyncset.done $0x0  }
0xc7: {  	s22 =	sadd.s32 $0x1900, s23;
	[sflag:s9] =	ssyncadd.s32 $0xFFFFCE00  }
0xc8: {  	[hbm4b:s22+s2] =	stream.linear.scatter [tilespmem:s28], [sflag:$0xD], $0x3200, $0x38;
	[tilespmem:$0x1F400] =	vst v63  }
0xc9: {  	_ =	swait.ge [sflag:s10], $0x3200  }
0xca: {  	[sflag:s10] =	ssyncset.done $0x0  }
0xcb: {  	s22 =	sadd.s32 $0xC80, s21;
	[sflag:s10] =	ssyncadd.s32 $0xFFFFCE00  }
0xcc: {  	[tilespmem:s25], [sflag:$0x1] =	stream.indirect.gather [hbm4b:s3+s24], $0x40, s22, s24, $0xb8;
	[tilespmem:$0x1F400] =	vst v63  }
0xcd: {  	_ =	swait.ge [sflag:s11], $0x3200  }
0xce: {  	[sflag:s11] =	ssyncset.done $0x0  }
0xcf: {  	s22 =	sadd.s32 $0x1F40, s23;
	[sflag:s11] =	ssyncadd.s32 $0xFFFFCE00  }
0xd0: {  	[hbm4b:s22+s2] =	stream.linear.scatter [tilespmem:s0], [sflag:$0xE], $0x3200, $0x38;
	[tilespmem:$0x1F400] =	vst v63  }
0xd1: {  	_ =	swait.ge [sflag:s12], $0x3200  }
0xd2: {  	[sflag:s12] =	ssyncset.done $0x0  }
0xd3: {  	s22 =	sadd.s32 $0xD48, s21;
	[sflag:s12] =	ssyncadd.s32 $0xFFFFCE00  }
0xd4: {  	[tilespmem:s26], [sflag:$0x2] =	stream.indirect.gather [hbm4b:s3+s24], $0x40, s22, s24, $0xb8;
	[tilespmem:$0x1F400] =	vst v63  }
0xd5: {  	_ =	swait.ge [sflag:s13], $0x3200  }
0xd6: {  	[sflag:s13] =	ssyncset.done $0x0  }
0xd7: {  	s22 =	sadd.s32 $0x2580, s23;
	[sflag:s13] =	ssyncadd.s32 $0xFFFFCE00  }
0xd8: {  	[hbm4b:s22+s2] =	stream.linear.scatter [tilespmem:s6], [sflag:$0xF], $0x3200, $0x38;
	[tilespmem:$0x1F400] =	vst v63  }
0xd9: {  	_ =	swait.ge [sflag:s14], $0x3200  }
0xda: {  	[sflag:s14] =	ssyncset.done $0x0  }
0xdb: {  	s22 =	sadd.s32 $0xE10, s21;
	[sflag:s14] =	ssyncadd.s32 $0xFFFFCE00  }
0xdc: {  	[tilespmem:s29], [sflag:$0x3] =	stream.indirect.gather [hbm4b:s3+s24], $0x40, s22, s24, $0xb8;
	[tilespmem:$0x1F400] =	vst v63  }
0xdd: {  	_ =	swait.ge [sflag:s15], $0x3200  }
0xde: {  	[sflag:s15] =	ssyncset.done $0x0  }
.Ltmp0:
0xdf: {  	s22 =	sadd.s32 $0x2BC0, s23;
	[sflag:s15] =	ssyncadd.s32 $0xFFFFCE00;
	(pc) =	sbr.rel @p0 .LBB2_2-.Ltmp0, $4  }
0xe0: {  	[hbm4b:s22+s2] =	stream.linear.scatter [tilespmem:s8], [sflag:$0x10], $0x3200, $0x38;
	[tilespmem:$0x1F400] =	vst v63  }
0xe1: {  	_ =	swait.ge [sflag:s16], $0x3200  }
0xe2: {  	[sflag:s16] =	ssyncset.done $0x0  }
0xe3: {  	s21 =	sadd.s32 $0xED8, s21;
	s23 =	sadd.s32 $0x3200, s23;
	[sflag:s16] =	ssyncadd.s32 $0xFFFFCE00  }
0xe4: {  	[tilespmem:s31], [sflag:$0x4] =	stream.indirect.gather [hbm4b:s3+s24], $0x40, s21, s24, $0xb8;
	[tilespmem:$0x1F400] =	vst v63  }
0xe5: {  	_ =	swait.ge [sflag:s1], $0x3200  }
0xe6: {  	[sflag:s1] =	ssyncset.done $0x0  }
0xe7: {  	s4 =	rddreg [dreg:$0xc];
	[sflag:s1] =	ssyncadd.s32 $0xFFFFCE00  }
0xe8: {  	[hbm4b:s4+s2] =	stream.linear.scatter [tilespmem:s25], [sflag:$0x9], $0x3200, $0x38;
	[tilespmem:$0x1F400] =	vst v63  }
0xe9: {  	_ =	swait.ge [sflag:s17], $0x3200  }
0xea: {  	[sflag:s17] =	ssyncset.done $0x0  }
0xeb: {  	s23 =	simm.s32 $0x60E0;
	[sflag:s17] =	ssyncadd.s32 $0xFFFFCE00  }
0xec: {  	[tilespmem:s28], [sflag:$0x5] =	stream.indirect.gather [hbm4b:s3+s24], $0x40, s23, s24, $0xb8;
	[tilespmem:$0x1F400] =	vst v63  }
0xed: {  	_ =	swait.ge [sflag:s30], $0x3200  }
0xee: {  	[sflag:s30] =	ssyncset.done $0x0  }
0xef: {  	s21 =	rddreg [dreg:$0xd];
	[sflag:s30] =	ssyncadd.s32 $0xFFFFCE00  }
0xf0: {  	[hbm4b:s21+s2] =	stream.linear.scatter [tilespmem:s26], [sflag:$0xA], $0x3200, $0x38;
	[tilespmem:$0x1F400] =	vst v63  }
0xf1: {  	_ =	swait.ge [sflag:s18], $0x3200  }
0xf2: {  	[sflag:s18] =	ssyncset.done $0x0  }
0xf3: {  	s22 =	simm.s32 $0x61A8;
	[sflag:s18] =	ssyncadd.s32 $0xFFFFCE00  }
0xf4: {  	[tilespmem:s0], [sflag:$0x6] =	stream.indirect.gather [hbm4b:s3+s24], $0x40, s22, s24, $0xb8;
	[tilespmem:$0x1F400] =	vst v63  }
0xf5: {  	_ =	swait.ge [sflag:s5], $0x3200  }
0xf6: {  	[sflag:s5] =	ssyncset.done $0x0  }
0xf7: {  	s23 =	rddreg [dreg:$0xe];
	[sflag:s5] =	ssyncadd.s32 $0xFFFFCE00  }
0xf8: {  	[hbm4b:s23+s2] =	stream.linear.scatter [tilespmem:s29], [sflag:$0xB], $0x3200, $0x38;
	[tilespmem:$0x1F400] =	vst v63  }
0xf9: {  	_ =	swait.ge [sflag:s19], $0x3200  }
0xfa: {  	[sflag:s19] =	ssyncset.done $0x0  }
0xfb: {  	s21 =	simm.s32 $0x6270;
	[sflag:s19] =	ssyncadd.s32 $0xFFFFCE00  }
0xfc: {  	[tilespmem:s6], [sflag:$0x7] =	stream.indirect.gather [hbm4b:s3+s24], $0x40, s21, s24, $0xb8;
	[tilespmem:$0x1F400] =	vst v63  }
0xfd: {  	_ =	swait.ge [sflag:s7], $0x3200  }
0xfe: {  	[sflag:s7] =	ssyncset.done $0x0  }
0xff: {  	s22 =	rddreg [dreg:$0xf];
	[sflag:s7] =	ssyncadd.s32 $0xFFFFCE00  }
0x100: {  	[hbm4b:s22+s2] =	stream.linear.scatter [tilespmem:s31], [sflag:$0xC], $0x3200, $0x38;
	[tilespmem:$0x1F400] =	vst v63  }
0x101: {  	_ =	swait.ge [sflag:s20], $0x3200  }
0x102: {  	[sflag:s20] =	ssyncset.done $0x0  }
0x103: {  	s23 =	simm.s32 $0x6338;
	[sflag:s20] =	ssyncadd.s32 $0xFFFFCE00  }
0x104: {  	[tilespmem:s8], [sflag:$0x8] =	stream.indirect.gather [hbm4b:s3+s24], $0x40, s23, s24, $0xb8;
	[tilespmem:$0x1F400] =	vst v63  }
0x105: {  	_ =	swait.ge [sflag:s9], $0x3200  }
0x106: {  	[sflag:s9] =	ssyncset.done $0x0  }
0x107: {  	s21 =	rddreg [dreg:$0x10];
	[sflag:s9] =	ssyncadd.s32 $0xFFFFCE00  }
0x108: {  	[hbm4b:s21+s2] =	stream.linear.scatter [tilespmem:s28], [sflag:$0xD], $0x3200, $0x38;
	[tilespmem:$0x1F400] =	vst v63  }
0x109: {  	_ =	swait.ge [sflag:s11], $0x3200  }
0x10a: {  	[sflag:s11] =	ssyncset.done $0x0  }
0x10b: {  	s22 =	rddreg [dreg:$0x11];
	[sflag:s11] =	ssyncadd.s32 $0xFFFFCE00  }
0x10c: {  	[hbm4b:s22+s2] =	stream.linear.scatter [tilespmem:s0], [sflag:$0xE], $0x3200, $0x38;
	[tilespmem:$0x1F400] =	vst v63  }
0x10d: {  	_ =	swait.ge [sflag:s13], $0x3200  }
0x10e: {  	[sflag:s13] =	ssyncset.done $0x0  }
0x10f: {  	s23 =	rddreg [dreg:$0x12];
	[sflag:s13] =	ssyncadd.s32 $0xFFFFCE00  }
0x110: {  	[hbm4b:s23+s2] =	stream.linear.scatter [tilespmem:s6], [sflag:$0xF], $0x3200, $0x38;
	[tilespmem:$0x1F400] =	vst v63  }
0x111: {  	_ =	swait.ge [sflag:s15], $0x3200  }
0x112: {  	[sflag:s15] =	ssyncset.done $0x0  }
0x113: {  	s21 =	rddreg [dreg:$0x13];
	[sflag:s15] =	ssyncadd.s32 $0xFFFFCE00  }
0x114: {  	[hbm4b:s21+s2] =	stream.linear.scatter [tilespmem:s8], [sflag:$0x10], $0x3200, $0x38;
	[tilespmem:$0x1F400] =	vst v63  }
0x115: {  	_ =	swait.ge [sflag:s10], $0x3200  }
0x116: {  	[sflag:s10] =	ssyncset.done $0x0  }
0x117: {  	[sflag:s10] =	ssyncadd.s32 $0xFFFFCE00  }
0x118: {  	_ =	swait.ge [sflag:s12], $0x3200  }
0x119: {  	[sflag:s12] =	ssyncset.done $0x0  }
0x11a: {  	[sflag:s12] =	ssyncadd.s32 $0xFFFFCE00  }
0x11b: {  	_ =	swait.ge [sflag:s14], $0x3200  }
0x11c: {  	[sflag:s14] =	ssyncset.done $0x0  }
0x11d: {  	[sflag:s14] =	ssyncadd.s32 $0xFFFFCE00  }
0x11e: {  	_ =	swait.ge [sflag:s16], $0x3200  }
0x11f: {  	[sflag:s16] =	ssyncset.done $0x0  }
0x120: {  	[sflag:s16] =	ssyncadd.s32 $0xFFFFCE00  }
0x121: {  	_ =	swait.ge [sflag:s17], $0x3200  }
0x122: {  	[sflag:s17] =	ssyncset.done $0x0  }
0x123: {  	[sflag:s17] =	ssyncadd.s32 $0xFFFFCE00  }
0x124: {  	_ =	swait.ge [sflag:s18], $0x3200  }
0x125: {  	[sflag:s18] =	ssyncset.done $0x0  }
0x126: {  	[sflag:s18] =	ssyncadd.s32 $0xFFFFCE00  }
0x127: {  	_ =	swait.ge [sflag:s19], $0x3200  }
0x128: {  	[sflag:s19] =	ssyncset.done $0x0  }
0x129: {  	[sflag:s19] =	ssyncadd.s32 $0xFFFFCE00  }
0x12a: {  	_ =	swait.ge [sflag:s20], $0x3200  }
0x12b: {  	s22 =	rddreg [dreg:$0x16]  }
0x12c: {  	s23 =	rddreg [dreg:$0x14];
	s21 =	sadd.s32 $0x1, s22  }
0x12d: {  	p0 =	sne.s32 s21, s23  }
.Ltmp1:
0x12e: {  	_ = 	snop;
	(pc) =	sbr.rel @p0 .LBB2_1-.Ltmp1, $3  }
0x12f: {  	_ =	sdelay $0x1  }
0x130: {  	[sflag:s20] =	ssyncset.done $0x0  }
0x131: {  	[sflag:s20] =	ssyncadd.s32 $0xFFFFCE00  }
0x132: {  	_ =	sfence.sel $0x180000  }
0x133: {  	[bflag:$0x0] =	sbarrier.arrive $0xFFFF  }
0x134: {  	_ =	strace $0x90000047  }
0x135: {  	s0 =	stileid.u32;
	[bflag:$0x2] =	sbarrier.arrive $0xFFFF  }
0x136: {  	p0 =	sne.s32 s0, $0x0;
	s0 =	rddreg [dreg:$0x2]  }
0x137: {  	s0 =	sadd.s32 @!p0 $0x100000, s0  }
0x138: {  	[sflag:s0] =	ssyncadd.tile.s32 @!p0 $0x1;
	_ =	shalt  }
.Lfunc_end2:
_tile_overlayer_lowered:
.L_overlay_start_2:
0x139: {  	(tag) =	ssettag $0x2  }
0x13a: {  	s0 =	rddreg [dreg:$0x0];
	s2 =	stileid.u32  }
0x13b: {  	s1 =	rddreg [dreg:$0x1];
	p0 =	sne.s32 s2, $0x0  }
0x13c: {  	s3 =	rddreg [dreg:$0x2];
	[bflag:$0x3] =	sbarrier.arrive $0xFFFF;
	s2 =	simm.s32 @!p0 $0x1C11  }
0x13d: {  	[timem:s3], [sflag:s2] =	dma.local @!p0 [hbm:s0], s1  }
0x13e: {  	s0 =	simm.s32 @!p0 $0x11  }
0x13f: {  	_ =	swait.ge @!p0 [sflag:s0], s1  }
0x140: {  	s1 =	ssub.s32 @!p0 $0x0, s1;
	[sflag:s0] =	ssyncset.done @!p0 $0x0  }
0x141: {  	[sflag:s0] =	ssyncadd.s32 @!p0 s1  }
0x142: {  	[bflag:$0x3] =	sbarrier.arrive $0xFFFF  }
0x143: {  	_ =	shalt  }

// kernel: sparse-core-data-format-call.cloned.1.call-start
scs
called_computation_lowered:
.L_overlay_start_0:
0x0: {  	s2 =	sld [smem:$0x3FD9]  }
0x1: {  	s3 =	sld [smem:$0x3FFE];
	_ =	sdelay $0x1  }
0x2: {  	s1 =	srdreg.scid  }
0x3: {  	s0 =	sand.u32 $0x1, s1  }
0x4: {  	s18 =	sshll.u32 s0, $0xA;
	s2 =	sadd.s32 s3, s2  }
0x5: {  	s2 =	sadd.s32 s2, s18  }
0x6: {  	[smem:$0x3FC6] =	sst s2  }
0x7: {  	_ = 	snop  }
0x8: {  	s2 =	sld [smem:$0x3FD0];
	(tm) =	ssettm $0x1  }
0x9: {  	s19 =	sld [smem:$0x3FFB];
	_ =	sdelay $0x3  }
0xa: {  	_ =	strace s19  }
0xb: {  	s3 =	sld [smem:$0x3FFC];
	_ =	sdelay $0x3  }
0xc: {  	_ =	strace s3  }
0xd: {  	s3 =	sld [smem:$0x3FFD];
	_ =	sdelay $0x3  }
0xe: {  	_ =	strace s3  }
0xf: {  	_ =	strace $0x8FFFFFFF  }
0x10: {  	s20 =	sld [smem:$0x3FDB];
	_ =	sdelay $0x1  }
0x11: {  	s4 =	simm.s32 $_scs_section_size  }
0x12: {  	s5 =	simm.s32 $_size__tile_overlayer_lowered;
	s6 =	simm.s32 $_tile_overlayer_lowered  }
0x13: {  	s23 =	simm.s32 $0x1BFF;
	s22 =	sshll.u32 s6, $0x1;
	s3 =	sadd.s32 s4, s20  }
0x14: {  	s7 =	simm.s32 $0x0;
	s21 =	sshll.u32 s5, $0x1;
	s5 =	sadd.s32 s22, s3  }
0x15: {  	[timem:s7], [sflag:s23] =	dma.local [hbm:s5], s21  }
0x16: {  	_ =	swait.ge [sflag:s23], s21  }
0x17: {  	s4 =	ssub.s32 $0x0, s21;
	[sflag:s23] =	ssyncset.done $0x0  }
0x18: {  	[sflag:s23] =	ssyncadd.s32 s4;
	_ =	sdelay $0x1  }
0x19: {  	s24 =	simm.s32 $0x1B8B  }
0x1a: {  	_ =	swait.ge [sflag:s24], $0x1  }
0x1b: {  	[sflag:s24] =	ssyncset.done $0x0  }
0x1c: {  	s26 =	simm.s32 $0x1B8E;
	s25 =	sld [smem:$0x3FFE];
	[sflag:s24] =	ssyncadd.s32 $0xFFFFFFFF  }
0x1d: {  	s27 =	simm.s32 $execute0_lowered;
	[smem:$0x3FD2] =	sst s26  }
0x1e: {  	s5 =	sshll.u32 s27, $0x1;
	_ =	strace $0x80000049;
	[dreg:$0x1] =	wrdreg $0xFFFFFFFF  }
0x1f: {  	s28 =	simm.s32 $_size_execute0_lowered;
	s3 =	sadd.s32 s3, s5;
	[dreg:$0x0] =	wrdreg $0x0  }
0x20: {  	s5 =	sshll.u32 s28, $0x1;
	[dreg:$0x2] =	wrdreg s3  }
0x21: {  	[dreg:$0x3] =	wrdreg s5  }
0x22: {  	[dreg:$0x4] =	wrdreg $0xC0  }
0x23: {  	_ =	task [dreg:s7], $0x5FFFF  }
0x24: {  	[dreg:$0x1] =	wrdreg $0xFFFFFFFF  }
0x25: {  	[dreg:$0x0] =	wrdreg $0x60  }
0x26: {  	[dreg:$0x2] =	wrdreg s25  }
0x27: {  	[dreg:$0x3] =	wrdreg s2  }
0x28: {  	[dreg:$0x4] =	wrdreg $0x9  }
0x29: {  	_ =	task.clear_ibuf [dreg:s7], $0x5FFFF;
	_ =	strace $0x90000049  }
0x2a: {  	s29 =	simm.s32 $0x9;
	_ =	strace $0x8000004B  }
0x2b: {  	_ =	swait.ge [sflag:s29], $0x1  }
0x2c: {  	[sflag:s29] =	ssyncadd.s32 $0xFFFFFFFF  }
0x2d: {  	_ =	strace $0x9000004B  }
0x2e: {  	_ =	sfence  }
0x2f: {  	s30 =	sld [smem:$0x0];
	_ =	sdelay $0x2  }
0x30: {  	s31 =	sshll.u32 s1, $0xD;
	s1 =	sshrl.u32 s1, $0x2  }
0x31: {  	s3 =	sand.u32 $0x4000, s31;
	s1 =	sadd.s32 s1, s30  }
0x32: {  	s0 =	sor.u32 s3, s0;
	s1 =	sshll.u32 s1, $0x11  }
0x33: {  	s0 =	sor.u32 s1, s0  }
0x34: {  	s0 =	sadd.s32 $0x8F2B, s0  }
0x35: {  	[sflag:s0] =	ssyncadd.remote.s32 $0x1  }
0x36: {  	_ =	sfence.sel $0xFFFF  }
0x37: {  	[dreg:$0x0] =	wrdreg $0xFFFFFFFF;
	(pc) =	sbr.abs _section_cstart, $3  }
0x38: {  	[dreg:$0x1] =	wrdreg $0xFFFFFFFF  }
0x39: {  	_ =	task.clear_ibuf [dreg:s7], $0x2FFFF;
	_ =	strace $0x9FFFFFFF  }
0x3a: {  	(tm) =	ssettm $0x7FFFFFFF  }
0x3b: {  	_ =	shalt  }
tec
execute0_lowered:
.L_overlay_start_1:
0x0: {  	(tag) =	ssettag $0x1  }
0x1: {  	s0 =	srdreg.scid  }
0x2: {  	s1 =	sshll.u32 s0, $0x4  }
0x3: {  	s0 =	stileid.u32;
	s1 =	sand.u32 $0x10, s1  }
0x4: {  	s1 =	sor.u32 s0, s1  }
0x5: {  	s6 =	rddreg [dreg:$0x0];
	s4 =	simm.s32 $0x1;
	s2 =	sshll.u32 s1, $0x7  }
0x6: {  	s7 =	simm.s32 $0x2;
	s12 =	simm.s32 $0x0;
	s1 =	ssub.s32 $0x1000, s2  }
0x7: {  	s8 =	simm.s32 $0x8000;
	s13 =	simm.s32 $0x0;
	s3 =	sand.u32 $0xF80, s1  }
0x8: {  	s9 =	simm.s32 $0x0;
	s5 =	sshrl.u32 s1, $0xC;
	p0 =	sne.s32 s3, $0x0  }
.Ltmp0:
0x9: {  	s1 =	rddreg [dreg:$0x2];
	s4 =	simm.s32 @!p0 $0x0;
	(pc) =	sbr.rel .LBB1_1-.Ltmp0, $4  }
0xa: {  	s11 =	simm.s32 $0x0;
	s3 =	rddreg [dreg:$0x1];
	s5 =	sadd.s32 s4, s5  }
0xb: {  	_ =	strace $0x8000004A;
	s4 =	simm.s32 $0x1;
	s5 =	smul.u32 $0xC8, s5  }
0xc: {  	s6 =	sadd.s32 $0xA00, s6;
	s10 =	smov.u32 s2;
	[sflag:s4] =	ssyncpa.u1 $0x0  }
0xd: {  	p0 =	por $0x0, $0x0;
	[sflag:s7] =	ssyncpa.u1 $0x0;
	s7 =	sor.u32 $0x1, s5  }
.LBB1_4:
0xe: {  	s16 =	sshll.u32 s13, $0x3;
	s17 =	sand.u32 $0x78, s13  }
0xf: {  	s30 =	sand.u32 $0x7E00, s13;
	s12 =	sshll.u32 s12, $0xF;
	s16 =	sand.u32 $0xC00, s16  }
0x10: {  	[tilespmem:s15+$0x810 ss:$0x81] =	vst.msk $0xffff, v2;
	s31 =	sand.u32 $0x7, s13;
	s16 =	sor.u32 s17, s16;
	s17 =	sadd.s32 s3, s30  }
0x11: {  	[tilespmem:s15+$0x1020 ss:$0x81] =	vst.msk $0xffff, v0;
	s13 =	sshll.u32 s31, $0x12;
	s12 =	sadd.s32 s12, s17;
	s16 =	sshrl.u32 s16, $0x3  }
0x12: {  	[tilespmem:s15+$0x0 ss:$0x81] =	vst.msk $0xffff, v1;
	s13 =	sor.u32 $0x400, s13;
	s12 =	sadd.s32 s16, s12  }
0x13: {  	[hbm4b:s12+s13] =	stream.strided.scatter [tilespmem:s14], [sflag:$0x2], $0x2000, s8, s13, $0x20;
	[tilespmem:$0x8080] =	vst v63  }
.LBB1_5:
0x14: {  	s14 =	sadd.s32 $0x1, s9  }
0x15: {  	s12 =	sadd.s32 $0x1000, s10;
	s16 =	smov.u32 s10;
	p2 =	sgt.s32 s14, $0xC7  }
0x16: {  	s16 =	smov.u32 @p2 s12  }
0x17: {  	s14 =	simm.s32 @p2 $0x0;
	p2 =	sgt.s32 s16, $0xFFF  }
0x18: {  	s16 =	smov.u32 @p2 s2;
	p2 =	sne.s32 s11, s7  }
.Ltmp1:
0x19: {  	p1 =	slt.u32 s11, $0x2;
	(pc) =	sbr.rel @!p2 .LBB1_6-.Ltmp1, $4  }
0x1a: {  	s15 =	simm.s32 @!p1 $0x2  }
0x1b: {  	s13 =	smov.u32 s10;
	p0 =	por !p0, !p0;
	_ =	swait.ge @!p1 [sflag:s15], $0x2000  }
0x1c: {  	s12 =	smov.u32 s9;
	[sflag:s15] =	ssyncset.done @!p1 $0x0;
	s9 =	smov.u32 s14  }
0x1d: {  	s11 =	sadd.s32 $0x1, s11;
	[sflag:s15] =	ssyncadd.s32 @!p1 $0xFFFFE000;
	s10 =	smov.u32 s16  }
.LBB1_1:
0x1e: {  	p1 =	sge.u32 s11, s5  }
0x1f: {  	s14 =	sand.u32 @!p1 $0x1FFFFFF, s9  }
0x20: {  	s15 =	smulhi.u32 @!p1 $0x147AE15, s14;
	_ =	sdelay $0x1  }
0x21: {  	s15 =	smul.u32 @!p1 $0xC8, s15  }
0x22: {  	s16 =	sxor.u32 @!p1 $0xFFFFFFFF, s11;
	s17 =	smul.u32 @!p1 $0xC80, s10  }
0x23: {  	s31 =	sadd.s32 $0xFFFFFFFF, s11;
	s16 =	sshll.u32 @!p1 s16, $0xD;
	s14 =	ssub.s32 @!p1 s14, s15  }
0x24: {  	s15 =	sand.u32 @!p1 $0x2000, s16;
	s16 =	sadd.s32 @!p1 s6, s17;
	s14 =	sshll.u32 @!p1 s14, $0x4  }
0x25: {  	s17 =	simm.s32 @!p1 $0x6400;
	s14 =	sadd.s32 @!p1 s14, s16;
	s16 =	simm.s32 @!p1 $0x40  }
0x26: {  	[tilespmem:s15], [sflag:$0x1] =	stream.strided.gather @!p1 [hbm4b:s14+s16], $0x2000, s17, s16, $0x38;
	[tilespmem:$0x8080] =	vst v63  }
0x27: {  	p1 =	sge.u32 s31, s5  }
.Ltmp2:
0x28: {  	_ = 	snop;
	(pc) =	sbr.rel @p1 .LBB1_5-.Ltmp2, $1  }
0x29: {  	_ =	sdelay $0x3  }
0x2a: {  	s14 =	simm.s32 $0x1  }
0x2b: {  	_ =	swait.ge [sflag:s4], $0x2000;
	s14 =	simm.s32 @!p0 $0x0  }
0x2c: {  	[sflag:s4] =	ssyncset.done $0x0;
	s15 =	sshll.u32 s14, $0xD  }
0x2d: {  	[sflag:s4] =	ssyncadd.s32 $0xFFFFE000;
	s18 =	sor.u32 $0x20, s15  }
0x2e: {  	s14 =	smul.u32 $0x8100, s14;
	v3 =	vld [tilespmem:s18+$0x10]  }
0x2f: {  	s30 =	sand.u32 $0x1, s11;
	v2 =	vld [tilespmem:s18+$0xFFFFFFF0]  }
0x30: {  	s15 =	smul.u32 $0x8100, s30;
	s14 =	sshrl.u32 s14, $0x2;
	v0 =	vld [tilespmem:s18+$0x0]  }
0x31: {  	v1 =	vld [tilespmem:s18+$0xFFFFFFE0];
	s16 =	sor.u32 $0x4000, s14  }
0x32: {  	s31 =	sshrl.u32 s15, $0x2;
	s15 =	sadd.s32 $0x0, s16  }
0x33: {  	s17 =	simm.s32 $0x4;
	s18 =	sadd.s32 $0x40, s18;
	s14 =	sor.u32 $0x4000, s31;
	[tilespmem:s15+$0x1830 ss:$0x81] =	vst.msk $0xffff, v3  }
.LBB1_3:
0x34: {  	v3 =	vld [tilespmem:s18+$0x10];
	p1 =	sne.s32 s17, $0x1FC;
	[tilespmem:s15+$0x810 ss:$0x81] =	vst.msk $0xffff, v2;
	s19 =	smov.u32 s17;
	s17 =	sadd.s32 $0x4, s17  }
.Ltmp3:
0x35: {  	v2 =	vld [tilespmem:s18+$0xFFFFFFF0];
	[tilespmem:s15+$0x1020 ss:$0x81] =	vst.msk $0xffff, v0;
	(pc) =	sbr.rel @p1 .LBB1_3-.Ltmp3, $4  }
0x36: {  	v0 =	vld [tilespmem:s18+$0x0];
	[tilespmem:s15+$0x0 ss:$0x81] =	vst.msk $0xffff, v1  }
0x37: {  	s15 =	sshra.s32 s19, $0x2;
	v1 =	vld [tilespmem:s18+$0xFFFFFFE0]  }
0x38: {  	s15 =	sadd.s32 s15, s16  }
0x39: {  	s18 =	sadd.s32 $0x40, s18;
	[tilespmem:s15+$0x1830 ss:$0x81] =	vst.msk $0xffff, v3  }
.Ltmp4:
0x3a: {  	_ = 	snop;
	(pc) =	sbr.rel .LBB1_4-.Ltmp4, $1  }
0x3b: {  	_ =	sdelay $0x3  }
.LBB1_6:
0x3c: {  	_ =	sfence.sel $0x180000  }
0x3d: {  	s2 =	simm.s32 $0x1;
	[bflag:$0x0] =	sbarrier.arrive $0xFFFF  }
0x3e: {  	s31 =	simm.s32 $0x2;
	[sflag:s2] =	ssyncpa.u1 $0x1  }
0x3f: {  	[sflag:s31] =	ssyncpa.u1 $0x1  }
0x40: {  	p0 =	sne.s32 s0, $0x0;
	_ =	strace $0x9000004A  }
0x41: {  	s0 =	sadd.s32 @!p0 $0x100000, s1;
	[bflag:$0x2] =	sbarrier.arrive $0xFFFF  }
0x42: {  	[sflag:s0] =	ssyncadd.tile.s32 @!p0 $0x1;
	_ =	shalt  }
.Lfunc_end1:
_tile_overlayer_lowered:
.L_overlay_start_2:
0x43: {  	(tag) =	ssettag $0x2  }
0x44: {  	s0 =	rddreg [dreg:$0x0];
	s2 =	stileid.u32  }
0x45: {  	s1 =	rddreg [dreg:$0x1];
	p0 =	sne.s32 s2, $0x0  }
0x46: {  	s3 =	rddreg [dreg:$0x2];
	[bflag:$0x3] =	sbarrier.arrive $0xFFFF;
	s2 =	simm.s32 @!p0 $0x1C01  }
0x47: {  	[timem:s3], [sflag:s2] =	dma.local @!p0 [hbm:s0], s1  }
0x48: {  	s0 =	simm.s32 @!p0 $0x1  }
0x49: {  	_ =	swait.ge @!p0 [sflag:s0], s1  }
0x4a: {  	s1 =	ssub.s32 @!p0 $0x0, s1;
	[sflag:s0] =	ssyncset.done @!p0 $0x0  }
0x4b: {  	[sflag:s0] =	ssyncadd.s32 @!p0 s1  }
0x4c: {  	[bflag:$0x3] =	sbarrier.arrive $0xFFFF  }
0x4d: {  	_ =	shalt  }

</sc_bundles>
